<compile_context>
chip_gen: v7x
topology: tpu7x:2x2x1
jax: 0.10.2.dev20260603
libtpu: 0.0.44.dev20260713+nightly
codegen_flags: <defaults>
</compile_context>

<pallas_src>
import functools

import jax
import jax.numpy as jnp
from jax import lax
from jax.experimental import pallas as pl
from jax.experimental.pallas import tpu as pltpu
from jax.experimental.pallas import tpu_sc as plsc

NC = 2
NS = 16
EB = 128


def _sc_segsum(feat, srcp, dstp, n_pad, with_deg):
    n, d = feat.shape
    e_pad = srcp.shape[0]
    n_batches = e_pad // (NC * NS * EB)
    rows_per_tile = n_pad // NS
    nchunk = rows_per_tile // EB

    mesh = plsc.VectorSubcoreMesh(core_axis_name="c", subcore_axis_name="s")

    out_type = [jax.ShapeDtypeStruct((NC, n_pad, d), jnp.float32)]
    scratch = [
        pltpu.VMEM((EB,), jnp.int32),
        pltpu.VMEM((EB,), jnp.int32),
        pltpu.VMEM((EB, d), jnp.float32),
        pltpu.VMEM_SHARED((n_pad, d), jnp.float32),
        pltpu.SemaphoreType.DMA,
    ]
    if with_deg:
        out_type.append(jax.ShapeDtypeStruct((NC, n_pad), jnp.float32))
        scratch += [
            pltpu.VMEM((EB,), jnp.float32),
            pltpu.VMEM_SHARED((n_pad,), jnp.float32),
        ]

    def body(*refs):
        if with_deg:
            (feat_h, src_h, dst_h, zrow_h, zvec_h,
             acc_out, deg_out, sidx, didx, rows, acc_sh, sem,
             ones_v, deg_sh) = refs
        else:
            (feat_h, src_h, dst_h, zrow_h,
             acc_out, sidx, didx, rows, acc_sh, sem) = refs
        c = lax.axis_index("c")
        s = lax.axis_index("s")
        rbase = s * rows_per_tile

        for k in range(nchunk):
            pltpu.sync_copy(zrow_h, acc_sh.at[pl.ds(rbase + k * EB, EB)])
        if with_deg:
            pltpu.sync_copy(zvec_h, deg_sh.at[pl.ds(rbase, rows_per_tile)])
            for j in range(EB // 16):
                ones_v[pl.ds(j * 16, 16)] = jnp.ones((16,), jnp.float32)
        plsc.subcore_barrier()

        ebase = (c * NS + s) * (n_batches * EB)

        def step(b, carry):
            off = ebase + b * EB
            pltpu.sync_copy(src_h.at[pl.ds(off, EB)], sidx)
            pltpu.sync_copy(dst_h.at[pl.ds(off, EB)], didx)
            pltpu.async_copy(feat_h.at[sidx], rows, sem).wait()
            pltpu.sync_copy(rows, acc_sh.at[didx], add=True)
            if with_deg:
                pltpu.sync_copy(ones_v, deg_sh.at[didx], add=True)
            return carry

        lax.fori_loop(0, n_batches, step, 0)
        plsc.subcore_barrier()

        for k in range(nchunk):
            r0 = rbase + k * EB
            pltpu.sync_copy(acc_sh.at[pl.ds(r0, EB)],
                            acc_out.at[c, pl.ds(r0, EB)])
        if with_deg:
            pltpu.sync_copy(deg_sh.at[pl.ds(rbase, rows_per_tile)],
                            deg_out.at[c, pl.ds(rbase, rows_per_tile)])

    zrow = jnp.zeros((EB, d), jnp.float32)
    run = pl.kernel(body, out_type=out_type, mesh=mesh, scratch_types=scratch)
    if with_deg:
        zvec = jnp.zeros((rows_per_tile,), jnp.float32)
        return run(feat, srcp, dstp, zrow, zvec)
    return run(feat, srcp, dstp, zrow)[0]


def _dot(a, b):
    return jax.lax.dot_general(a, b, (((1,), (0,)), ((), ())),
                               preferred_element_type=jnp.float32)


def _tc_layer0(x, aA, aB, dA, dB, ws, wn, b, rb):
    n, d_in = x.shape
    d_out = ws.shape[1]
    grid = (n // rb,)

    def body(x_r, aA_r, aB_r, dA_r, dB_r, ws_r, wn_r, b_r, oa_r, ob_r):
        inv = 1.0 / jnp.maximum(dA_r[...] + dB_r[...], 1.0)
        nb = (aA_r[...] + aB_r[...]) * inv
        h = _dot(x_r[...], ws_r[...]) + _dot(nb, wn_r[...]) + b_r[...]
        h = jnp.maximum(h, 0.0)
        oa_r[...] = h[:, : d_out // 2]
        ob_r[...] = h[:, d_out // 2:]

    row = lambda i: (i, 0)
    fix = lambda i: (0, 0)
    return pl.pallas_call(
        body,
        grid=grid,
        in_specs=[
            pl.BlockSpec((rb, d_in), row),
            pl.BlockSpec((rb, d_in), row),
            pl.BlockSpec((rb, d_in), row),
            pl.BlockSpec((rb, 1), row),
            pl.BlockSpec((rb, 1), row),
            pl.BlockSpec((d_in, d_out), fix),
            pl.BlockSpec((d_in, d_out), fix),
            pl.BlockSpec((1, d_out), fix),
        ],
        out_specs=[
            pl.BlockSpec((rb, d_out // 2), row),
            pl.BlockSpec((rb, d_out // 2), row),
        ],
        out_shape=[
            jax.ShapeDtypeStruct((n, d_out // 2), jnp.float32),
            jax.ShapeDtypeStruct((n, d_out // 2), jnp.float32),
        ],
    )(x, aA, aB, dA, dB, ws, wn, b)


def _tc_layer1(h1a, h1b, a0A, a0B, a1A, a1B, dA, dB,
               ws_a, ws_b, wn_a, wn_b, b, wn2, rb):
    n, dh = h1a.shape
    d_out = ws_a.shape[1]
    d2 = wn2.shape[1]
    grid = (n // rb,)

    def body(h1a_r, h1b_r, a0A_r, a0B_r, a1A_r, a1B_r, dA_r, dB_r,
             wsa_r, wsb_r, wna_r, wnb_r, b_r, wn2_r, h2_r, z2_r):
        inv = 1.0 / jnp.maximum(dA_r[...] + dB_r[...], 1.0)
        nb0 = (a0A_r[...] + a0B_r[...]) * inv
        nb1 = (a1A_r[...] + a1B_r[...]) * inv
        h = (_dot(h1a_r[...], wsa_r[...]) + _dot(h1b_r[...], wsb_r[...])
             + _dot(nb0, wna_r[...]) + _dot(nb1, wnb_r[...]) + b_r[...])
        h = jnp.maximum(h, 0.0)
        h2_r[...] = h
        z2_r[...] = _dot(h, wn2_r[...])

    row = lambda i: (i, 0)
    fix = lambda i: (0, 0)
    return pl.pallas_call(
        body,
        grid=grid,
        in_specs=[
            pl.BlockSpec((rb, dh), row),
            pl.BlockSpec((rb, dh), row),
            pl.BlockSpec((rb, dh), row),
            pl.BlockSpec((rb, dh), row),
            pl.BlockSpec((rb, dh), row),
            pl.BlockSpec((rb, dh), row),
            pl.BlockSpec((rb, 1), row),
            pl.BlockSpec((rb, 1), row),
            pl.BlockSpec((dh, d_out), fix),
            pl.BlockSpec((dh, d_out), fix),
            pl.BlockSpec((dh, d_out), fix),
            pl.BlockSpec((dh, d_out), fix),
            pl.BlockSpec((1, d_out), fix),
            pl.BlockSpec((d_out, d2), fix),
        ],
        out_specs=[
            pl.BlockSpec((rb, d_out), row),
            pl.BlockSpec((rb, d2), row),
        ],
        out_shape=[
            jax.ShapeDtypeStruct((n, d_out), jnp.float32),
            jax.ShapeDtypeStruct((n, d2), jnp.float32),
        ],
    )(h1a, h1b, a0A, a0B, a1A, a1B, dA, dB, ws_a, ws_b, wn_a, wn_b, b, wn2)


def _tc_layer2(h2, aA, aB, dA, dB, ws, b, rb):
    n, dh = h2.shape
    d_out = ws.shape[1]
    grid = (n // rb,)

    def body(h2_r, aA_r, aB_r, dA_r, dB_r, ws_r, b_r, o_r):
        inv = 1.0 / jnp.maximum(dA_r[...] + dB_r[...], 1.0)
        nb = (aA_r[...] + aB_r[...]) * inv
        o_r[...] = _dot(h2_r[...], ws_r[...]) + nb + b_r[...]

    row = lambda i: (i, 0)
    fix = lambda i: (0, 0)
    return pl.pallas_call(
        body,
        grid=grid,
        in_specs=[
            pl.BlockSpec((rb, dh), row),
            pl.BlockSpec((rb, d_out), row),
            pl.BlockSpec((rb, d_out), row),
            pl.BlockSpec((rb, 1), row),
            pl.BlockSpec((rb, 1), row),
            pl.BlockSpec((dh, d_out), fix),
            pl.BlockSpec((1, d_out), fix),
        ],
        out_specs=pl.BlockSpec((rb, d_out), row),
        out_shape=jax.ShapeDtypeStruct((n, d_out), jnp.float32),
    )(h2, aA, aB, dA, dB, ws, b)


def kernel(x, g, W_self0, W_neigh0, b0, W_self1, W_neigh1, b1,
           W_self2, W_neigh2, b2):
    n, d_in = x.shape
    n_cls = W_self2.shape[1]
    src = g[0].astype(jnp.int32)
    dst = g[1].astype(jnp.int32)
    e = src.shape[0]

    grp = NC * NS * EB
    e_pad = ((e + grp - 1) // grp) * grp
    srcp = jnp.concatenate([src, jnp.zeros((e_pad - e,), jnp.int32)])
    dstp = jnp.concatenate([dst, jnp.full((e_pad - e,), n, jnp.int32)])

    n_pad = ((n + 1 + NS * EB - 1) // (NS * EB)) * (NS * EB)
    rb = 1000

    ncp = ((n_cls + 127) // 128) * 128
    wn2p = jnp.pad(W_neigh2, ((0, 0), (0, ncp - n_cls)))
    ws2p = jnp.pad(W_self2, ((0, 0), (0, ncp - n_cls)))
    b2p = jnp.pad(b2, (0, ncp - n_cls))[None, :]

    acc0, deg = _sc_segsum(x, srcp, dstp, n_pad, with_deg=True)
    dA = deg[0, :n, None]
    dB = deg[1, :n, None]

    h1a, h1b = _tc_layer0(x, acc0[0, :n], acc0[1, :n], dA, dB,
                          W_self0, W_neigh0, b0[None, :], rb)

    acc1a = _sc_segsum(h1a, srcp, dstp, n_pad, with_deg=False)
    acc1b = _sc_segsum(h1b, srcp, dstp, n_pad, with_deg=False)

    dh = h1a.shape[1]
    h2, z2 = _tc_layer1(
        h1a, h1b,
        acc1a[0, :n], acc1a[1, :n], acc1b[0, :n], acc1b[1, :n], dA, dB,
        W_self1[:dh], W_self1[dh:], W_neigh1[:dh], W_neigh1[dh:],
        b1[None, :], wn2p, rb)

    acc2 = _sc_segsum(z2, srcp, dstp, n_pad, with_deg=False)

    out = _tc_layer2(h2, acc2[0, :n], acc2[1, :n], dA, dB, ws2p, b2p, rb)
    return out[:, :n_cls]

# --- scband reference (transcript-rebuilt; emitter-appended) ---
"""Pipeline reference for scband-sage-81097572483399 (READ-ONLY COPY).

The authoritative reference and input builder live on the scoring server;
editing this copy changes nothing except your own understanding.
"""

import jax, jax.numpy as jnp
import numpy as np

N = 10000
E = 320000
D_IN = 128
D_H = 256
N_CLASSES = 47


def setup_inputs(seed: int = 0) -> dict:
    key = jax.random.key(seed)
    ks = jax.random.split(key, 9)
    x = jax.random.normal(ks[0], (N, D_IN), dtype=jnp.float32)
    g = jax.random.randint(ks[1], (2, E), 0, N)
    s0 = float(1.0 / np.sqrt(D_IN))
    s1 = float(1.0 / np.sqrt(D_H))
    W_self0 = jax.random.uniform(ks[2], (D_IN, D_H), minval=-s0, maxval=s0, dtype=jnp.float32)
    W_neigh0 = jax.random.uniform(ks[3], (D_IN, D_H), minval=-s0, maxval=s0, dtype=jnp.float32)
    b0 = jnp.zeros((D_H,), dtype=jnp.float32)
    W_self1 = jax.random.uniform(ks[4], (D_H, D_H), minval=-s1, maxval=s1, dtype=jnp.float32)
    W_neigh1 = jax.random.uniform(ks[5], (D_H, D_H), minval=-s1, maxval=s1, dtype=jnp.float32)
    b1 = jnp.zeros((D_H,), dtype=jnp.float32)
    W_self2 = jax.random.uniform(ks[6], (D_H, N_CLASSES), minval=-s1, maxval=s1, dtype=jnp.float32)
    W_neigh2 = jax.random.uniform(ks[7], (D_H, N_CLASSES), minval=-s1, maxval=s1, dtype=jnp.float32)
    b2 = jnp.zeros((N_CLASSES,), dtype=jnp.float32)
    return {"x": x, "g": g,
            "W_self0": W_self0, "W_neigh0": W_neigh0, "b0": b0,
            "W_self1": W_self1, "W_neigh1": W_neigh1, "b1": b1,
            "W_self2": W_self2, "W_neigh2": W_neigh2, "b2": b2}


def _sage_layer(h, src, dst, n_nodes, Ws, Wn, b):
    # DGL SAGEConv with 'mean' aggregator: out = h @ W_self + mean_neigh(h) @ W_neigh + b
    msg = jnp.take(h, src, axis=0)
    agg = jax.ops.segment_sum(msg, dst, num_segments=n_nodes)
    deg = jax.ops.segment_sum(jnp.ones((src.shape[0],), dtype=h.dtype), dst, num_segments=n_nodes)
    h_neigh = agg / jnp.clip(deg, 1.0, None)[:, None]
    return h @ Ws + h_neigh @ Wn + b


def reference(x, g, W_self0, W_neigh0, b0, W_self1, W_neigh1, b1, W_self2, W_neigh2, b2):
    src = g[0]
    dst = g[1]
    n = x.shape[0]
    h = _sage_layer(x, src, dst, n, W_self0, W_neigh0, b0)
    h = jax.nn.relu(h)
    h = _sage_layer(h, src, dst, n, W_self1, W_neigh1, b1)
    h = jax.nn.relu(h)
    h = _sage_layer(h, src, dst, n, W_self2, W_neigh2, b2)
    # dropout after last layer is identity at inference
    return h

if __name__ == "__main__":
    import jax
    _d = setup_inputs()
    print(jax.jit(kernel)(*tuple(_d.values())))

</pallas_src>

<mosaic_0001>
#map = affine_map<(d0, d1) -> (0, 0)>
#map1 = affine_map<(d0, d1) -> (0)>
#map2 = affine_map<(d0, d1) -> (0, 0, 0)>
module attributes {stable_mosaic.version = 14 : i64} {
  func.func @body(%arg0: i32, %arg1: i32, %arg2: memref<10000x128xf32, #tpu.memory_space<hbm>>, %arg3: memref<323584xi32, #tpu.memory_space<hbm>>, %arg4: memref<323584xi32, #tpu.memory_space<hbm>>, %arg5: memref<128x128xf32, #tpu.memory_space<hbm>>, %arg6: memref<640xf32, #tpu.memory_space<hbm>>, %arg7: memref<2x10240x128xf32, #tpu.memory_space<hbm>>, %arg8: memref<2x10240xf32, #tpu.memory_space<hbm>>, %arg9: memref<128xi32, #tpu.memory_space<vmem>>, %arg10: memref<128xi32, #tpu.memory_space<vmem>>, %arg11: memref<128x128xf32, #tpu.memory_space<vmem>>, %arg12: memref<10240x128xf32, #tpu.memory_space<vmem_shared>>, %arg13: memref<!tpu.dma_semaphore, #tpu.memory_space<semaphore_mem>>, %arg14: memref<128xf32, #tpu.memory_space<vmem>>, %arg15: memref<10240xf32, #tpu.memory_space<vmem_shared>>) attributes {dimension_semantics = [#tpu.dimension_semantics<core_parallel>, #tpu.dimension_semantics<subcore_parallel>], iteration_bounds = array<i64: 2, 16>, scalar_prefetch = 0 : i64, scratch_operands = 7 : i64, tpu.core_type = #tpu.core_type<sc_vector_subcore>, window_params = [{transform_indices = #map}, {transform_indices = #map1}, {transform_indices = #map1}, {transform_indices = #map}, {transform_indices = #map1}, {transform_indices = #map2}, {transform_indices = #map}]} {
    %mul3A = arith.constant 640 : i32
    %mul3A_0 = arith.muli %arg1, %mul3A : i32
    %add3A = arith.constant 0 : i32
    %add3A_1 = arith.addi %mul3A_0, %add3A : i32
    "tpu.region"() ({
      %run_scoped3A = tpu.sem_alloc : memref<!tpu.dma_semaphore, #tpu.memory_space<semaphore_mem>>
      %dma_start3A = arith.constant 0 : i32
      %dma_start3A_77 = tpu.memref_slice %arg12[%add3A_1, %dma_start3A] : memref<10240x128xf32, #tpu.memory_space<vmem_shared>> -> memref<128x128xf32, #tpu.memory_space<vmem_shared>>
      tpu.enqueue_dma source(%arg5 : memref<128x128xf32, #tpu.memory_space<hbm>>) target(%dma_start3A_77 : memref<128x128xf32, #tpu.memory_space<vmem_shared>>) target_semaphore(%run_scoped3A : memref<!tpu.dma_semaphore, #tpu.memory_space<semaphore_mem>>)
      %dma_wait3A = arith.constant 0 : i32
      %dma_wait3A_78 = tpu.memref_slice %arg12[%add3A_1, %dma_wait3A] : memref<10240x128xf32, #tpu.memory_space<vmem_shared>> -> memref<128x128xf32, #tpu.memory_space<vmem_shared>>
      tpu.wait_dma2 semaphore(%run_scoped3A : memref<!tpu.dma_semaphore, #tpu.memory_space<semaphore_mem>>) src(%arg5 : memref<128x128xf32, #tpu.memory_space<hbm>>) dst(%dma_wait3A_78 : memref<128x128xf32, #tpu.memory_space<vmem_shared>>)
      tpu.yield
    }) : () -> ()
    %add3A_2 = arith.constant 128 : i32
    %add3A_3 = arith.addi %mul3A_0, %add3A_2 : i32
    "tpu.region"() ({
      %run_scoped3A = tpu.sem_alloc : memref<!tpu.dma_semaphore, #tpu.memory_space<semaphore_mem>>
      %dma_start3A = arith.constant 0 : i32
      %dma_start3A_77 = tpu.memref_slice %arg12[%add3A_3, %dma_start3A] : memref<10240x128xf32, #tpu.memory_space<vmem_shared>> -> memref<128x128xf32, #tpu.memory_space<vmem_shared>>
      tpu.enqueue_dma source(%arg5 : memref<128x128xf32, #tpu.memory_space<hbm>>) target(%dma_start3A_77 : memref<128x128xf32, #tpu.memory_space<vmem_shared>>) target_semaphore(%run_scoped3A : memref<!tpu.dma_semaphore, #tpu.memory_space<semaphore_mem>>)
      %dma_wait3A = arith.constant 0 : i32
      %dma_wait3A_78 = tpu.memref_slice %arg12[%add3A_3, %dma_wait3A] : memref<10240x128xf32, #tpu.memory_space<vmem_shared>> -> memref<128x128xf32, #tpu.memory_space<vmem_shared>>
      tpu.wait_dma2 semaphore(%run_scoped3A : memref<!tpu.dma_semaphore, #tpu.memory_space<semaphore_mem>>) src(%arg5 : memref<128x128xf32, #tpu.memory_space<hbm>>) dst(%dma_wait3A_78 : memref<128x128xf32, #tpu.memory_space<vmem_shared>>)
      tpu.yield
    }) : () -> ()
    %add3A_4 = arith.constant 256 : i32
    %add3A_5 = arith.addi %mul3A_0, %add3A_4 : i32
    "tpu.region"() ({
      %run_scoped3A = tpu.sem_alloc : memref<!tpu.dma_semaphore, #tpu.memory_space<semaphore_mem>>
      %dma_start3A = arith.constant 0 : i32
      %dma_start3A_77 = tpu.memref_slice %arg12[%add3A_5, %dma_start3A] : memref<10240x128xf32, #tpu.memory_space<vmem_shared>> -> memref<128x128xf32, #tpu.memory_space<vmem_shared>>
      tpu.enqueue_dma source(%arg5 : memref<128x128xf32, #tpu.memory_space<hbm>>) target(%dma_start3A_77 : memref<128x128xf32, #tpu.memory_space<vmem_shared>>) target_semaphore(%run_scoped3A : memref<!tpu.dma_semaphore, #tpu.memory_space<semaphore_mem>>)
      %dma_wait3A = arith.constant 0 : i32
      %dma_wait3A_78 = tpu.memref_slice %arg12[%add3A_5, %dma_wait3A] : memref<10240x128xf32, #tpu.memory_space<vmem_shared>> -> memref<128x128xf32, #tpu.memory_space<vmem_shared>>
      tpu.wait_dma2 semaphore(%run_scoped3A : memref<!tpu.dma_semaphore, #tpu.memory_space<semaphore_mem>>) src(%arg5 : memref<128x128xf32, #tpu.memory_space<hbm>>) dst(%dma_wait3A_78 : memref<128x128xf32, #tpu.memory_space<vmem_shared>>)
      tpu.yield
    }) : () -> ()
    %add3A_6 = arith.constant 384 : i32
    %add3A_7 = arith.addi %mul3A_0, %add3A_6 : i32
    "tpu.region"() ({
      %run_scoped3A = tpu.sem_alloc : memref<!tpu.dma_semaphore, #tpu.memory_space<semaphore_mem>>
      %dma_start3A = arith.constant 0 : i32
      %dma_start3A_77 = tpu.memref_slice %arg12[%add3A_7, %dma_start3A] : memref<10240x128xf32, #tpu.memory_space<vmem_shared>> -> memref<128x128xf32, #tpu.memory_space<vmem_shared>>
      tpu.enqueue_dma source(%arg5 : memref<128x128xf32, #tpu.memory_space<hbm>>) target(%dma_start3A_77 : memref<128x128xf32, #tpu.memory_space<vmem_shared>>) target_semaphore(%run_scoped3A : memref<!tpu.dma_semaphore, #tpu.memory_space<semaphore_mem>>)
      %dma_wait3A = arith.constant 0 : i32
      %dma_wait3A_78 = tpu.memref_slice %arg12[%add3A_7, %dma_wait3A] : memref<10240x128xf32, #tpu.memory_space<vmem_shared>> -> memref<128x128xf32, #tpu.memory_space<vmem_shared>>
      tpu.wait_dma2 semaphore(%run_scoped3A : memref<!tpu.dma_semaphore, #tpu.memory_space<semaphore_mem>>) src(%arg5 : memref<128x128xf32, #tpu.memory_space<hbm>>) dst(%dma_wait3A_78 : memref<128x128xf32, #tpu.memory_space<vmem_shared>>)
      tpu.yield
    }) : () -> ()
    %add3A_8 = arith.constant 512 : i32
    %add3A_9 = arith.addi %mul3A_0, %add3A_8 : i32
    "tpu.region"() ({
      %run_scoped3A = tpu.sem_alloc : memref<!tpu.dma_semaphore, #tpu.memory_space<semaphore_mem>>
      %dma_start3A = arith.constant 0 : i32
      %dma_start3A_77 = tpu.memref_slice %arg12[%add3A_9, %dma_start3A] : memref<10240x128xf32, #tpu.memory_space<vmem_shared>> -> memref<128x128xf32, #tpu.memory_space<vmem_shared>>
      tpu.enqueue_dma source(%arg5 : memref<128x128xf32, #tpu.memory_space<hbm>>) target(%dma_start3A_77 : memref<128x128xf32, #tpu.memory_space<vmem_shared>>) target_semaphore(%run_scoped3A : memref<!tpu.dma_semaphore, #tpu.memory_space<semaphore_mem>>)
      %dma_wait3A = arith.constant 0 : i32
      %dma_wait3A_78 = tpu.memref_slice %arg12[%add3A_9, %dma_wait3A] : memref<10240x128xf32, #tpu.memory_space<vmem_shared>> -> memref<128x128xf32, #tpu.memory_space<vmem_shared>>
      tpu.wait_dma2 semaphore(%run_scoped3A : memref<!tpu.dma_semaphore, #tpu.memory_space<semaphore_mem>>) src(%arg5 : memref<128x128xf32, #tpu.memory_space<hbm>>) dst(%dma_wait3A_78 : memref<128x128xf32, #tpu.memory_space<vmem_shared>>)
      tpu.yield
    }) : () -> ()
    "tpu.region"() ({
      %run_scoped3A = tpu.sem_alloc : memref<!tpu.dma_semaphore, #tpu.memory_space<semaphore_mem>>
      %dma_start3A = tpu.memref_slice %arg15[%mul3A_0] : memref<10240xf32, #tpu.memory_space<vmem_shared>> -> memref<640xf32, #tpu.memory_space<vmem_shared>>
      tpu.enqueue_dma source(%arg6 : memref<640xf32, #tpu.memory_space<hbm>>) target(%dma_start3A : memref<640xf32, #tpu.memory_space<vmem_shared>>) target_semaphore(%run_scoped3A : memref<!tpu.dma_semaphore, #tpu.memory_space<semaphore_mem>>)
      %dma_wait3A = tpu.memref_slice %arg15[%mul3A_0] : memref<10240xf32, #tpu.memory_space<vmem_shared>> -> memref<640xf32, #tpu.memory_space<vmem_shared>>
      tpu.wait_dma2 semaphore(%run_scoped3A : memref<!tpu.dma_semaphore, #tpu.memory_space<semaphore_mem>>) src(%arg6 : memref<640xf32, #tpu.memory_space<hbm>>) dst(%dma_wait3A : memref<640xf32, #tpu.memory_space<vmem_shared>>)
      tpu.yield
    }) : () -> ()
    %broadcast_in_dim3A = arith.constant 1.000000e+00 : f32
    %broadcast_in_dim3A_10 = vector.broadcast %broadcast_in_dim3A : f32 to vector<16xf32>
    %swap3A = arith.constant 0 : index
    %swap3A_11 = tpu.vector_load %arg14[%swap3A] {strides = array<i32>} : memref<128xf32, #tpu.memory_space<vmem>>, vector<16xf32>,
    %swap3A_12 = vector.shape_cast %swap3A_11 : vector<16xf32> to vector<16xf32>
    %swap3A_13 = vector.shape_cast %broadcast_in_dim3A_10 : vector<16xf32> to vector<16xf32>
    tpu.vector_store %arg14[%swap3A], %swap3A_13 {strides = array<i32>} : memref<128xf32, #tpu.memory_space<vmem>>, vector<16xf32>,
    %broadcast_in_dim3A_14 = arith.constant 1.000000e+00 : f32
    %broadcast_in_dim3A_15 = vector.broadcast %broadcast_in_dim3A_14 : f32 to vector<16xf32>
    %swap3A_16 = arith.constant 16 : index
    %swap3A_17 = tpu.vector_load %arg14[%swap3A_16] {strides = array<i32>} : memref<128xf32, #tpu.memory_space<vmem>>, vector<16xf32>,
    %swap3A_18 = vector.shape_cast %swap3A_17 : vector<16xf32> to vector<16xf32>
    %swap3A_19 = vector.shape_cast %broadcast_in_dim3A_15 : vector<16xf32> to vector<16xf32>
    tpu.vector_store %arg14[%swap3A_16], %swap3A_19 {strides = array<i32>} : memref<128xf32, #tpu.memory_space<vmem>>, vector<16xf32>,
    %broadcast_in_dim3A_20 = arith.constant 1.000000e+00 : f32
    %broadcast_in_dim3A_21 = vector.broadcast %broadcast_in_dim3A_20 : f32 to vector<16xf32>
    %swap3A_22 = arith.constant 32 : index
    %swap3A_23 = tpu.vector_load %arg14[%swap3A_22] {strides = array<i32>} : memref<128xf32, #tpu.memory_space<vmem>>, vector<16xf32>,
    %swap3A_24 = vector.shape_cast %swap3A_23 : vector<16xf32> to vector<16xf32>
    %swap3A_25 = vector.shape_cast %broadcast_in_dim3A_21 : vector<16xf32> to vector<16xf32>
    tpu.vector_store %arg14[%swap3A_22], %swap3A_25 {strides = array<i32>} : memref<128xf32, #tpu.memory_space<vmem>>, vector<16xf32>,
    %broadcast_in_dim3A_26 = arith.constant 1.000000e+00 : f32
    %broadcast_in_dim3A_27 = vector.broadcast %broadcast_in_dim3A_26 : f32 to vector<16xf32>
    %swap3A_28 = arith.constant 48 : index
    %swap3A_29 = tpu.vector_load %arg14[%swap3A_28] {strides = array<i32>} : memref<128xf32, #tpu.memory_space<vmem>>, vector<16xf32>,
    %swap3A_30 = vector.shape_cast %swap3A_29 : vector<16xf32> to vector<16xf32>
    %swap3A_31 = vector.shape_cast %broadcast_in_dim3A_27 : vector<16xf32> to vector<16xf32>
    tpu.vector_store %arg14[%swap3A_28], %swap3A_31 {strides = array<i32>} : memref<128xf32, #tpu.memory_space<vmem>>, vector<16xf32>,
    %broadcast_in_dim3A_32 = arith.constant 1.000000e+00 : f32
    %broadcast_in_dim3A_33 = vector.broadcast %broadcast_in_dim3A_32 : f32 to vector<16xf32>
    %swap3A_34 = arith.constant 64 : index
    %swap3A_35 = tpu.vector_load %arg14[%swap3A_34] {strides = array<i32>} : memref<128xf32, #tpu.memory_space<vmem>>, vector<16xf32>,
    %swap3A_36 = vector.shape_cast %swap3A_35 : vector<16xf32> to vector<16xf32>
    %swap3A_37 = vector.shape_cast %broadcast_in_dim3A_33 : vector<16xf32> to vector<16xf32>
    tpu.vector_store %arg14[%swap3A_34], %swap3A_37 {strides = array<i32>} : memref<128xf32, #tpu.memory_space<vmem>>, vector<16xf32>,
    %broadcast_in_dim3A_38 = arith.constant 1.000000e+00 : f32
    %broadcast_in_dim3A_39 = vector.broadcast %broadcast_in_dim3A_38 : f32 to vector<16xf32>
    %swap3A_40 = arith.constant 80 : index
    %swap3A_41 = tpu.vector_load %arg14[%swap3A_40] {strides = array<i32>} : memref<128xf32, #tpu.memory_space<vmem>>, vector<16xf32>,
    %swap3A_42 = vector.shape_cast %swap3A_41 : vector<16xf32> to vector<16xf32>
    %swap3A_43 = vector.shape_cast %broadcast_in_dim3A_39 : vector<16xf32> to vector<16xf32>
    tpu.vector_store %arg14[%swap3A_40], %swap3A_43 {strides = array<i32>} : memref<128xf32, #tpu.memory_space<vmem>>, vector<16xf32>,
    %broadcast_in_dim3A_44 = arith.constant 1.000000e+00 : f32
    %broadcast_in_dim3A_45 = vector.broadcast %broadcast_in_dim3A_44 : f32 to vector<16xf32>
    %swap3A_46 = arith.constant 96 : index
    %swap3A_47 = tpu.vector_load %arg14[%swap3A_46] {strides = array<i32>} : memref<128xf32, #tpu.memory_space<vmem>>, vector<16xf32>,
    %swap3A_48 = vector.shape_cast %swap3A_47 : vector<16xf32> to vector<16xf32>
    %swap3A_49 = vector.shape_cast %broadcast_in_dim3A_45 : vector<16xf32> to vector<16xf32>
    tpu.vector_store %arg14[%swap3A_46], %swap3A_49 {strides = array<i32>} : memref<128xf32, #tpu.memory_space<vmem>>, vector<16xf32>,
    %broadcast_in_dim3A_50 = arith.constant 1.000000e+00 : f32
    %broadcast_in_dim3A_51 = vector.broadcast %broadcast_in_dim3A_50 : f32 to vector<16xf32>
    %swap3A_52 = arith.constant 112 : index
    %swap3A_53 = tpu.vector_load %arg14[%swap3A_52] {strides = array<i32>} : memref<128xf32, #tpu.memory_space<vmem>>, vector<16xf32>,
    %swap3A_54 = vector.shape_cast %swap3A_53 : vector<16xf32> to vector<16xf32>
    %swap3A_55 = vector.shape_cast %broadcast_in_dim3A_51 : vector<16xf32> to vector<16xf32>
    tpu.vector_store %arg14[%swap3A_52], %swap3A_55 {strides = array<i32>} : memref<128xf32, #tpu.memory_space<vmem>>, vector<16xf32>,
    %barrier3A = arith.constant 0 : index
    tpu.barrier barrier_id(%barrier3A)
    %mul3A_56 = arith.constant 16 : i32
    %mul3A_57 = arith.muli %arg0, %mul3A_56 : i32
    %add3A_58 = arith.addi %mul3A_57, %arg1 : i32
    %mul3A_59 = arith.constant 10112 : i32
    %mul3A_60 = arith.muli %add3A_58, %mul3A_59 : i32
    %scan3A = arith.constant 0 : i32
    %scan3A_61 = arith.constant 0 : i32
    %scan3A_62 = arith.constant 79 : i32
    %scan3A_63 = arith.addi %scan3A_61, %scan3A_62 : i32
    %scan3A_64 = arith.constant 1 : i32
    scf.for %scan3A_77 = %scan3A_61 to %scan3A_63 step %scan3A_64  : i32 {
      %mul3A_78 = arith.constant 128 : i32
      %mul3A_79 = arith.muli %scan3A_77, %mul3A_78 : i32
      %add3A_80 = arith.addi %mul3A_60, %mul3A_79 : i32
      "tpu.region"() ({
        %run_scoped3A = tpu.sem_alloc : memref<!tpu.dma_semaphore, #tpu.memory_space<semaphore_mem>>
        %dma_start3A_85 = tpu.memref_slice %arg3[%add3A_80] : memref<323584xi32, #tpu.memory_space<hbm>> -> memref<128xi32, #tpu.memory_space<hbm>>
        %dma_start3A_86 = tpu.memref_slice %arg3[%add3A_80] : memref<323584xi32, #tpu.memory_space<hbm>> -> memref<128xi32, #tpu.memory_space<hbm>>
        tpu.enqueue_dma source(%dma_start3A_86 : memref<128xi32, #tpu.memory_space<hbm>>) target(%arg9 : memref<128xi32, #tpu.memory_space<vmem>>) target_semaphore(%run_scoped3A : memref<!tpu.dma_semaphore, #tpu.memory_space<semaphore_mem>>)
        %dma_wait3A_87 = tpu.memref_slice %arg3[%add3A_80] : memref<323584xi32, #tpu.memory_space<hbm>> -> memref<128xi32, #tpu.memory_space<hbm>>
        %dma_wait3A_88 = tpu.memref_slice %arg3[%add3A_80] : memref<323584xi32, #tpu.memory_space<hbm>> -> memref<128xi32, #tpu.memory_space<hbm>>
        tpu.wait_dma2 semaphore(%run_scoped3A : memref<!tpu.dma_semaphore, #tpu.memory_space<semaphore_mem>>) src(%dma_wait3A_88 : memref<128xi32, #tpu.memory_space<hbm>>) dst(%arg9 : memref<128xi32, #tpu.memory_space<vmem>>)
        tpu.yield
      }) : () -> ()
      "tpu.region"() ({
        %run_scoped3A = tpu.sem_alloc : memref<!tpu.dma_semaphore, #tpu.memory_space<semaphore_mem>>
        %dma_start3A_85 = tpu.memref_slice %arg4[%add3A_80] : memref<323584xi32, #tpu.memory_space<hbm>> -> memref<128xi32, #tpu.memory_space<hbm>>
        %dma_start3A_86 = tpu.memref_slice %arg4[%add3A_80] : memref<323584xi32, #tpu.memory_space<hbm>> -> memref<128xi32, #tpu.memory_space<hbm>>
        tpu.enqueue_dma source(%dma_start3A_86 : memref<128xi32, #tpu.memory_space<hbm>>) target(%arg10 : memref<128xi32, #tpu.memory_space<vmem>>) target_semaphore(%run_scoped3A : memref<!tpu.dma_semaphore, #tpu.memory_space<semaphore_mem>>)
        %dma_wait3A_87 = tpu.memref_slice %arg4[%add3A_80] : memref<323584xi32, #tpu.memory_space<hbm>> -> memref<128xi32, #tpu.memory_space<hbm>>
        %dma_wait3A_88 = tpu.memref_slice %arg4[%add3A_80] : memref<323584xi32, #tpu.memory_space<hbm>> -> memref<128xi32, #tpu.memory_space<hbm>>
        tpu.wait_dma2 semaphore(%run_scoped3A : memref<!tpu.dma_semaphore, #tpu.memory_space<semaphore_mem>>) src(%dma_wait3A_88 : memref<128xi32, #tpu.memory_space<hbm>>) dst(%arg10 : memref<128xi32, #tpu.memory_space<vmem>>)
        tpu.yield
      }) : () -> ()
      %dma_start3A = arith.constant 0 : i32
      %dma_start3A_81 = arith.constant 0 : i32
      %dma_start3A_82 = tpu.memref_slice %arg2[%dma_start3A, %dma_start3A_81] : memref<10000x128xf32, #tpu.memory_space<hbm>> -> memref<10000x128xf32, #tpu.memory_space<hbm>>
      tpu.enqueue_indirect_dma source(%dma_start3A_82 : memref<10000x128xf32, #tpu.memory_space<hbm>>) target(%arg11 : memref<128x128xf32, #tpu.memory_space<vmem>>) offsets(%arg9 : memref<128xi32, #tpu.memory_space<vmem>>) semaphore(%arg13 : memref<!tpu.dma_semaphore, #tpu.memory_space<semaphore_mem>>)
      %dma_wait3A = arith.constant 0 : i32
      %dma_wait3A_83 = arith.constant 0 : i32
      %dma_wait3A_84 = tpu.memref_slice %arg2[%dma_wait3A, %dma_wait3A_83] : memref<10000x128xf32, #tpu.memory_space<hbm>> -> memref<10000x128xf32, #tpu.memory_space<hbm>>
      tpu.wait_indirect_dma semaphore(%arg13 : memref<!tpu.dma_semaphore, #tpu.memory_space<semaphore_mem>>) src(%dma_wait3A_84 : memref<10000x128xf32, #tpu.memory_space<hbm>>) dst(%arg11 : memref<128x128xf32, #tpu.memory_space<vmem>>)
      "tpu.region"() ({
        %run_scoped3A = tpu.sem_alloc : memref<!tpu.dma_semaphore, #tpu.memory_space<semaphore_mem>>
        %dma_start3A_85 = arith.constant 0 : i32
        %dma_start3A_86 = arith.constant 0 : i32
        %dma_start3A_87 = tpu.memref_slice %arg12[%dma_start3A_85, %dma_start3A_86] : memref<10240x128xf32, #tpu.memory_space<vmem_shared>> -> memref<10240x128xf32, #tpu.memory_space<vmem_shared>>
        tpu.enqueue_indirect_dma source(%arg11 : memref<128x128xf32, #tpu.memory_space<vmem>>) target(%dma_start3A_87 : memref<10240x128xf32, #tpu.memory_space<vmem_shared>>) offsets(%arg10 : memref<128xi32, #tpu.memory_space<vmem>>) semaphore(%run_scoped3A : memref<!tpu.dma_semaphore, #tpu.memory_space<semaphore_mem>>) {add = true}
        %dma_wait3A_88 = arith.constant 0 : i32
        %dma_wait3A_89 = arith.constant 0 : i32
        %dma_wait3A_90 = tpu.memref_slice %arg12[%dma_wait3A_88, %dma_wait3A_89] : memref<10240x128xf32, #tpu.memory_space<vmem_shared>> -> memref<10240x128xf32, #tpu.memory_space<vmem_shared>>
        tpu.wait_indirect_dma semaphore(%run_scoped3A : memref<!tpu.dma_semaphore, #tpu.memory_space<semaphore_mem>>) src(%arg11 : memref<128x128xf32, #tpu.memory_space<vmem>>) dst(%dma_wait3A_90 : memref<10240x128xf32, #tpu.memory_space<vmem_shared>>)
        tpu.yield
      }) : () -> ()
      "tpu.region"() ({
        %run_scoped3A = tpu.sem_alloc : memref<!tpu.dma_semaphore, #tpu.memory_space<semaphore_mem>>
        %dma_start3A_85 = arith.constant 0 : i32
        %dma_start3A_86 = tpu.memref_slice %arg15[%dma_start3A_85] : memref<10240xf32, #tpu.memory_space<vmem_shared>> -> memref<10240xf32, #tpu.memory_space<vmem_shared>>
        tpu.enqueue_indirect_dma source(%arg14 : memref<128xf32, #tpu.memory_space<vmem>>) target(%dma_start3A_86 : memref<10240xf32, #tpu.memory_space<vmem_shared>>) offsets(%arg10 : memref<128xi32, #tpu.memory_space<vmem>>) semaphore(%run_scoped3A : memref<!tpu.dma_semaphore, #tpu.memory_space<semaphore_mem>>) {add = true}
        %dma_wait3A_87 = arith.constant 0 : i32
        %dma_wait3A_88 = tpu.memref_slice %arg15[%dma_wait3A_87] : memref<10240xf32, #tpu.memory_space<vmem_shared>> -> memref<10240xf32, #tpu.memory_space<vmem_shared>>
        tpu.wait_indirect_dma semaphore(%run_scoped3A : memref<!tpu.dma_semaphore, #tpu.memory_space<semaphore_mem>>) src(%arg14 : memref<128xf32, #tpu.memory_space<vmem>>) dst(%dma_wait3A_88 : memref<10240xf32, #tpu.memory_space<vmem_shared>>)
        tpu.yield
      }) : () -> ()
    }
    %scan3A_65 = arith.constant 79 : i32
    %barrier3A_66 = arith.constant 0 : index
    tpu.barrier barrier_id(%barrier3A_66)
    %add3A_67 = arith.constant 0 : i32
    %add3A_68 = arith.addi %mul3A_0, %add3A_67 : i32
    "tpu.region"() ({
      %run_scoped3A = tpu.sem_alloc : memref<!tpu.dma_semaphore, #tpu.memory_space<semaphore_mem>>
      %dma_start3A = arith.constant 0 : i32
      %dma_start3A_77 = tpu.memref_slice %arg7[%arg0, %add3A_68, %dma_start3A] : memref<2x10240x128xf32, #tpu.memory_space<hbm>> -> memref<1x128x128xf32, #tpu.memory_space<hbm>>
      %dma_start3A_78 = tpu.memref_squeeze %dma_start3A_77 : memref<1x128x128xf32, #tpu.memory_space<hbm>> -> memref<128x128xf32, #tpu.memory_space<hbm>>
      %dma_start3A_79 = arith.constant 0 : i32
      %dma_start3A_80 = tpu.memref_slice %arg12[%add3A_68, %dma_start3A_79] : memref<10240x128xf32, #tpu.memory_space<vmem_shared>> -> memref<128x128xf32, #tpu.memory_space<vmem_shared>>
      tpu.enqueue_dma source(%dma_start3A_80 : memref<128x128xf32, #tpu.memory_space<vmem_shared>>) target(%dma_start3A_78 : memref<128x128xf32, #tpu.memory_space<hbm>>) target_semaphore(%run_scoped3A : memref<!tpu.dma_semaphore, #tpu.memory_space<semaphore_mem>>)
      %dma_wait3A = arith.constant 0 : i32
      %dma_wait3A_81 = tpu.memref_slice %arg7[%arg0, %add3A_68, %dma_wait3A] : memref<2x10240x128xf32, #tpu.memory_space<hbm>> -> memref<1x128x128xf32, #tpu.memory_space<hbm>>
      %dma_wait3A_82 = tpu.memref_squeeze %dma_wait3A_81 : memref<1x128x128xf32, #tpu.memory_space<hbm>> -> memref<128x128xf32, #tpu.memory_space<hbm>>
      %dma_wait3A_83 = arith.constant 0 : i32
      %dma_wait3A_84 = tpu.memref_slice %arg12[%add3A_68, %dma_wait3A_83] : memref<10240x128xf32, #tpu.memory_space<vmem_shared>> -> memref<128x128xf32, #tpu.memory_space<vmem_shared>>
      tpu.wait_dma2 semaphore(%run_scoped3A : memref<!tpu.dma_semaphore, #tpu.memory_space<semaphore_mem>>) src(%dma_wait3A_84 : memref<128x128xf32, #tpu.memory_space<vmem_shared>>) dst(%dma_wait3A_82 : memref<128x128xf32, #tpu.memory_space<hbm>>)
      tpu.yield
    }) : () -> ()
    %add3A_69 = arith.constant 128 : i32
    %add3A_70 = arith.addi %mul3A_0, %add3A_69 : i32
    "tpu.region"() ({
      %run_scoped3A = tpu.sem_alloc : memref<!tpu.dma_semaphore, #tpu.memory_space<semaphore_mem>>
      %dma_start3A = arith.constant 0 : i32
      %dma_start3A_77 = tpu.memref_slice %arg7[%arg0, %add3A_70, %dma_start3A] : memref<2x10240x128xf32, #tpu.memory_space<hbm>> -> memref<1x128x128xf32, #tpu.memory_space<hbm>>
      %dma_start3A_78 = tpu.memref_squeeze %dma_start3A_77 : memref<1x128x128xf32, #tpu.memory_space<hbm>> -> memref<128x128xf32, #tpu.memory_space<hbm>>
      %dma_start3A_79 = arith.constant 0 : i32
      %dma_start3A_80 = tpu.memref_slice %arg12[%add3A_70, %dma_start3A_79] : memref<10240x128xf32, #tpu.memory_space<vmem_shared>> -> memref<128x128xf32, #tpu.memory_space<vmem_shared>>
      tpu.enqueue_dma source(%dma_start3A_80 : memref<128x128xf32, #tpu.memory_space<vmem_shared>>) target(%dma_start3A_78 : memref<128x128xf32, #tpu.memory_space<hbm>>) target_semaphore(%run_scoped3A : memref<!tpu.dma_semaphore, #tpu.memory_space<semaphore_mem>>)
      %dma_wait3A = arith.constant 0 : i32
      %dma_wait3A_81 = tpu.memref_slice %arg7[%arg0, %add3A_70, %dma_wait3A] : memref<2x10240x128xf32, #tpu.memory_space<hbm>> -> memref<1x128x128xf32, #tpu.memory_space<hbm>>
      %dma_wait3A_82 = tpu.memref_squeeze %dma_wait3A_81 : memref<1x128x128xf32, #tpu.memory_space<hbm>> -> memref<128x128xf32, #tpu.memory_space<hbm>>
      %dma_wait3A_83 = arith.constant 0 : i32
      %dma_wait3A_84 = tpu.memref_slice %arg12[%add3A_70, %dma_wait3A_83] : memref<10240x128xf32, #tpu.memory_space<vmem_shared>> -> memref<128x128xf32, #tpu.memory_space<vmem_shared>>
      tpu.wait_dma2 semaphore(%run_scoped3A : memref<!tpu.dma_semaphore, #tpu.memory_space<semaphore_mem>>) src(%dma_wait3A_84 : memref<128x128xf32, #tpu.memory_space<vmem_shared>>) dst(%dma_wait3A_82 : memref<128x128xf32, #tpu.memory_space<hbm>>)
      tpu.yield
    }) : () -> ()
    %add3A_71 = arith.constant 256 : i32
    %add3A_72 = arith.addi %mul3A_0, %add3A_71 : i32
    "tpu.region"() ({
      %run_scoped3A = tpu.sem_alloc : memref<!tpu.dma_semaphore, #tpu.memory_space<semaphore_mem>>
      %dma_start3A = arith.constant 0 : i32
      %dma_start3A_77 = tpu.memref_slice %arg7[%arg0, %add3A_72, %dma_start3A] : memref<2x10240x128xf32, #tpu.memory_space<hbm>> -> memref<1x128x128xf32, #tpu.memory_space<hbm>>
      %dma_start3A_78 = tpu.memref_squeeze %dma_start3A_77 : memref<1x128x128xf32, #tpu.memory_space<hbm>> -> memref<128x128xf32, #tpu.memory_space<hbm>>
      %dma_start3A_79 = arith.constant 0 : i32
      %dma_start3A_80 = tpu.memref_slice %arg12[%add3A_72, %dma_start3A_79] : memref<10240x128xf32, #tpu.memory_space<vmem_shared>> -> memref<128x128xf32, #tpu.memory_space<vmem_shared>>
      tpu.enqueue_dma source(%dma_start3A_80 : memref<128x128xf32, #tpu.memory_space<vmem_shared>>) target(%dma_start3A_78 : memref<128x128xf32, #tpu.memory_space<hbm>>) target_semaphore(%run_scoped3A : memref<!tpu.dma_semaphore, #tpu.memory_space<semaphore_mem>>)
      %dma_wait3A = arith.constant 0 : i32
      %dma_wait3A_81 = tpu.memref_slice %arg7[%arg0, %add3A_72, %dma_wait3A] : memref<2x10240x128xf32, #tpu.memory_space<hbm>> -> memref<1x128x128xf32, #tpu.memory_space<hbm>>
      %dma_wait3A_82 = tpu.memref_squeeze %dma_wait3A_81 : memref<1x128x128xf32, #tpu.memory_space<hbm>> -> memref<128x128xf32, #tpu.memory_space<hbm>>
      %dma_wait3A_83 = arith.constant 0 : i32
      %dma_wait3A_84 = tpu.memref_slice %arg12[%add3A_72, %dma_wait3A_83] : memref<10240x128xf32, #tpu.memory_space<vmem_shared>> -> memref<128x128xf32, #tpu.memory_space<vmem_shared>>
      tpu.wait_dma2 semaphore(%run_scoped3A : memref<!tpu.dma_semaphore, #tpu.memory_space<semaphore_mem>>) src(%dma_wait3A_84 : memref<128x128xf32, #tpu.memory_space<vmem_shared>>) dst(%dma_wait3A_82 : memref<128x128xf32, #tpu.memory_space<hbm>>)
      tpu.yield
    }) : () -> ()
    %add3A_73 = arith.constant 384 : i32
    %add3A_74 = arith.addi %mul3A_0, %add3A_73 : i32
    "tpu.region"() ({
      %run_scoped3A = tpu.sem_alloc : memref<!tpu.dma_semaphore, #tpu.memory_space<semaphore_mem>>
      %dma_start3A = arith.constant 0 : i32
      %dma_start3A_77 = tpu.memref_slice %arg7[%arg0, %add3A_74, %dma_start3A] : memref<2x10240x128xf32, #tpu.memory_space<hbm>> -> memref<1x128x128xf32, #tpu.memory_space<hbm>>
      %dma_start3A_78 = tpu.memref_squeeze %dma_start3A_77 : memref<1x128x128xf32, #tpu.memory_space<hbm>> -> memref<128x128xf32, #tpu.memory_space<hbm>>
      %dma_start3A_79 = arith.constant 0 : i32
      %dma_start3A_80 = tpu.memref_slice %arg12[%add3A_74, %dma_start3A_79] : memref<10240x128xf32, #tpu.memory_space<vmem_shared>> -> memref<128x128xf32, #tpu.memory_space<vmem_shared>>
      tpu.enqueue_dma source(%dma_start3A_80 : memref<128x128xf32, #tpu.memory_space<vmem_shared>>) target(%dma_start3A_78 : memref<128x128xf32, #tpu.memory_space<hbm>>) target_semaphore(%run_scoped3A : memref<!tpu.dma_semaphore, #tpu.memory_space<semaphore_mem>>)
      %dma_wait3A = arith.constant 0 : i32
      %dma_wait3A_81 = tpu.memref_slice %arg7[%arg0, %add3A_74, %dma_wait3A] : memref<2x10240x128xf32, #tpu.memory_space<hbm>> -> memref<1x128x128xf32, #tpu.memory_space<hbm>>
      %dma_wait3A_82 = tpu.memref_squeeze %dma_wait3A_81 : memref<1x128x128xf32, #tpu.memory_space<hbm>> -> memref<128x128xf32, #tpu.memory_space<hbm>>
      %dma_wait3A_83 = arith.constant 0 : i32
      %dma_wait3A_84 = tpu.memref_slice %arg12[%add3A_74, %dma_wait3A_83] : memref<10240x128xf32, #tpu.memory_space<vmem_shared>> -> memref<128x128xf32, #tpu.memory_space<vmem_shared>>
      tpu.wait_dma2 semaphore(%run_scoped3A : memref<!tpu.dma_semaphore, #tpu.memory_space<semaphore_mem>>) src(%dma_wait3A_84 : memref<128x128xf32, #tpu.memory_space<vmem_shared>>) dst(%dma_wait3A_82 : memref<128x128xf32, #tpu.memory_space<hbm>>)
      tpu.yield
    }) : () -> ()
    %add3A_75 = arith.constant 512 : i32
    %add3A_76 = arith.addi %mul3A_0, %add3A_75 : i32
    "tpu.region"() ({
      %run_scoped3A = tpu.sem_alloc : memref<!tpu.dma_semaphore, #tpu.memory_space<semaphore_mem>>
      %dma_start3A = arith.constant 0 : i32
      %dma_start3A_77 = tpu.memref_slice %arg7[%arg0, %add3A_76, %dma_start3A] : memref<2x10240x128xf32, #tpu.memory_space<hbm>> -> memref<1x128x128xf32, #tpu.memory_space<hbm>>
      %dma_start3A_78 = tpu.memref_squeeze %dma_start3A_77 : memref<1x128x128xf32, #tpu.memory_space<hbm>> -> memref<128x128xf32, #tpu.memory_space<hbm>>
      %dma_start3A_79 = arith.constant 0 : i32
      %dma_start3A_80 = tpu.memref_slice %arg12[%add3A_76, %dma_start3A_79] : memref<10240x128xf32, #tpu.memory_space<vmem_shared>> -> memref<128x128xf32, #tpu.memory_space<vmem_shared>>
      tpu.enqueue_dma source(%dma_start3A_80 : memref<128x128xf32, #tpu.memory_space<vmem_shared>>) target(%dma_start3A_78 : memref<128x128xf32, #tpu.memory_space<hbm>>) target_semaphore(%run_scoped3A : memref<!tpu.dma_semaphore, #tpu.memory_space<semaphore_mem>>)
      %dma_wait3A = arith.constant 0 : i32
      %dma_wait3A_81 = tpu.memref_slice %arg7[%arg0, %add3A_76, %dma_wait3A] : memref<2x10240x128xf32, #tpu.memory_space<hbm>> -> memref<1x128x128xf32, #tpu.memory_space<hbm>>
      %dma_wait3A_82 = tpu.memref_squeeze %dma_wait3A_81 : memref<1x128x128xf32, #tpu.memory_space<hbm>> -> memref<128x128xf32, #tpu.memory_space<hbm>>
      %dma_wait3A_83 = arith.constant 0 : i32
      %dma_wait3A_84 = tpu.memref_slice %arg12[%add3A_76, %dma_wait3A_83] : memref<10240x128xf32, #tpu.memory_space<vmem_shared>> -> memref<128x128xf32, #tpu.memory_space<vmem_shared>>
      tpu.wait_dma2 semaphore(%run_scoped3A : memref<!tpu.dma_semaphore, #tpu.memory_space<semaphore_mem>>) src(%dma_wait3A_84 : memref<128x128xf32, #tpu.memory_space<vmem_shared>>) dst(%dma_wait3A_82 : memref<128x128xf32, #tpu.memory_space<hbm>>)
      tpu.yield
    }) : () -> ()
    "tpu.region"() ({
      %run_scoped3A = tpu.sem_alloc : memref<!tpu.dma_semaphore, #tpu.memory_space<semaphore_mem>>
      %dma_start3A = tpu.memref_slice %arg8[%arg0, %mul3A_0] : memref<2x10240xf32, #tpu.memory_space<hbm>> -> memref<1x640xf32, #tpu.memory_space<hbm>>
      %dma_start3A_77 = tpu.memref_squeeze %dma_start3A : memref<1x640xf32, #tpu.memory_space<hbm>> -> memref<640xf32, #tpu.memory_space<hbm>>
      %dma_start3A_78 = tpu.memref_slice %arg15[%mul3A_0] : memref<10240xf32, #tpu.memory_space<vmem_shared>> -> memref<640xf32, #tpu.memory_space<vmem_shared>>
      tpu.enqueue_dma source(%dma_start3A_78 : memref<640xf32, #tpu.memory_space<vmem_shared>>) target(%dma_start3A_77 : memref<640xf32, #tpu.memory_space<hbm>>) target_semaphore(%run_scoped3A : memref<!tpu.dma_semaphore, #tpu.memory_space<semaphore_mem>>)
      %dma_wait3A = tpu.memref_slice %arg8[%arg0, %mul3A_0] : memref<2x10240xf32, #tpu.memory_space<hbm>> -> memref<1x640xf32, #tpu.memory_space<hbm>>
      %dma_wait3A_79 = tpu.memref_squeeze %dma_wait3A : memref<1x640xf32, #tpu.memory_space<hbm>> -> memref<640xf32, #tpu.memory_space<hbm>>
      %dma_wait3A_80 = tpu.memref_slice %arg15[%mul3A_0] : memref<10240xf32, #tpu.memory_space<vmem_shared>> -> memref<640xf32, #tpu.memory_space<vmem_shared>>
      tpu.wait_dma2 semaphore(%run_scoped3A : memref<!tpu.dma_semaphore, #tpu.memory_space<semaphore_mem>>) src(%dma_wait3A_80 : memref<640xf32, #tpu.memory_space<vmem_shared>>) dst(%dma_wait3A_79 : memref<640xf32, #tpu.memory_space<hbm>>)
      tpu.yield
    }) : () -> ()
    return
  }
}

#map = affine_map<(d0, d1) -> (0, 0)>
#map1 = affine_map<(d0, d1) -> (0)>
#map2 = affine_map<(d0, d1) -> (0, 0, 0)>
module attributes {stable_mosaic.version = 14 : i64} {
  func.func @body(%arg0: i32, %arg1: i32, %arg2: memref<10000x128xf32, #tpu.memory_space<hbm>>, %arg3: memref<323584xi32, #tpu.memory_space<hbm>>, %arg4: memref<323584xi32, #tpu.memory_space<hbm>>, %arg5: memref<128x128xf32, #tpu.memory_space<hbm>>, %arg6: memref<2x10240x128xf32, #tpu.memory_space<hbm>>, %arg7: memref<128xi32, #tpu.memory_space<vmem>>, %arg8: memref<128xi32, #tpu.memory_space<vmem>>, %arg9: memref<128x128xf32, #tpu.memory_space<vmem>>, %arg10: memref<10240x128xf32, #tpu.memory_space<vmem_shared>>, %arg11: memref<!tpu.dma_semaphore, #tpu.memory_space<semaphore_mem>>) attributes {dimension_semantics = [#tpu.dimension_semantics<core_parallel>, #tpu.dimension_semantics<subcore_parallel>], iteration_bounds = array<i64: 2, 16>, scalar_prefetch = 0 : i64, scratch_operands = 5 : i64, tpu.core_type = #tpu.core_type<sc_vector_subcore>, window_params = [{transform_indices = #map}, {transform_indices = #map1}, {transform_indices = #map1}, {transform_indices = #map}, {transform_indices = #map2}]} {
    %mul3A = arith.constant 640 : i32
    %mul3A_0 = arith.muli %arg1, %mul3A : i32
    %add3A = arith.constant 0 : i32
    %add3A_1 = arith.addi %mul3A_0, %add3A : i32
    "tpu.region"() ({
      %run_scoped3A = tpu.sem_alloc : memref<!tpu.dma_semaphore, #tpu.memory_space<semaphore_mem>>
      %dma_start3A = arith.constant 0 : i32
      %dma_start3A_31 = tpu.memref_slice %arg10[%add3A_1, %dma_start3A] : memref<10240x128xf32, #tpu.memory_space<vmem_shared>> -> memref<128x128xf32, #tpu.memory_space<vmem_shared>>
      tpu.enqueue_dma source(%arg5 : memref<128x128xf32, #tpu.memory_space<hbm>>) target(%dma_start3A_31 : memref<128x128xf32, #tpu.memory_space<vmem_shared>>) target_semaphore(%run_scoped3A : memref<!tpu.dma_semaphore, #tpu.memory_space<semaphore_mem>>)
      %dma_wait3A = arith.constant 0 : i32
      %dma_wait3A_32 = tpu.memref_slice %arg10[%add3A_1, %dma_wait3A] : memref<10240x128xf32, #tpu.memory_space<vmem_shared>> -> memref<128x128xf32, #tpu.memory_space<vmem_shared>>
      tpu.wait_dma2 semaphore(%run_scoped3A : memref<!tpu.dma_semaphore, #tpu.memory_space<semaphore_mem>>) src(%arg5 : memref<128x128xf32, #tpu.memory_space<hbm>>) dst(%dma_wait3A_32 : memref<128x128xf32, #tpu.memory_space<vmem_shared>>)
      tpu.yield
    }) : () -> ()
    %add3A_2 = arith.constant 128 : i32
    %add3A_3 = arith.addi %mul3A_0, %add3A_2 : i32
    "tpu.region"() ({
      %run_scoped3A = tpu.sem_alloc : memref<!tpu.dma_semaphore, #tpu.memory_space<semaphore_mem>>
      %dma_start3A = arith.constant 0 : i32
      %dma_start3A_31 = tpu.memref_slice %arg10[%add3A_3, %dma_start3A] : memref<10240x128xf32, #tpu.memory_space<vmem_shared>> -> memref<128x128xf32, #tpu.memory_space<vmem_shared>>
      tpu.enqueue_dma source(%arg5 : memref<128x128xf32, #tpu.memory_space<hbm>>) target(%dma_start3A_31 : memref<128x128xf32, #tpu.memory_space<vmem_shared>>) target_semaphore(%run_scoped3A : memref<!tpu.dma_semaphore, #tpu.memory_space<semaphore_mem>>)
      %dma_wait3A = arith.constant 0 : i32
      %dma_wait3A_32 = tpu.memref_slice %arg10[%add3A_3, %dma_wait3A] : memref<10240x128xf32, #tpu.memory_space<vmem_shared>> -> memref<128x128xf32, #tpu.memory_space<vmem_shared>>
      tpu.wait_dma2 semaphore(%run_scoped3A : memref<!tpu.dma_semaphore, #tpu.memory_space<semaphore_mem>>) src(%arg5 : memref<128x128xf32, #tpu.memory_space<hbm>>) dst(%dma_wait3A_32 : memref<128x128xf32, #tpu.memory_space<vmem_shared>>)
      tpu.yield
    }) : () -> ()
    %add3A_4 = arith.constant 256 : i32
    %add3A_5 = arith.addi %mul3A_0, %add3A_4 : i32
    "tpu.region"() ({
      %run_scoped3A = tpu.sem_alloc : memref<!tpu.dma_semaphore, #tpu.memory_space<semaphore_mem>>
      %dma_start3A = arith.constant 0 : i32
      %dma_start3A_31 = tpu.memref_slice %arg10[%add3A_5, %dma_start3A] : memref<10240x128xf32, #tpu.memory_space<vmem_shared>> -> memref<128x128xf32, #tpu.memory_space<vmem_shared>>
      tpu.enqueue_dma source(%arg5 : memref<128x128xf32, #tpu.memory_space<hbm>>) target(%dma_start3A_31 : memref<128x128xf32, #tpu.memory_space<vmem_shared>>) target_semaphore(%run_scoped3A : memref<!tpu.dma_semaphore, #tpu.memory_space<semaphore_mem>>)
      %dma_wait3A = arith.constant 0 : i32
      %dma_wait3A_32 = tpu.memref_slice %arg10[%add3A_5, %dma_wait3A] : memref<10240x128xf32, #tpu.memory_space<vmem_shared>> -> memref<128x128xf32, #tpu.memory_space<vmem_shared>>
      tpu.wait_dma2 semaphore(%run_scoped3A : memref<!tpu.dma_semaphore, #tpu.memory_space<semaphore_mem>>) src(%arg5 : memref<128x128xf32, #tpu.memory_space<hbm>>) dst(%dma_wait3A_32 : memref<128x128xf32, #tpu.memory_space<vmem_shared>>)
      tpu.yield
    }) : () -> ()
    %add3A_6 = arith.constant 384 : i32
    %add3A_7 = arith.addi %mul3A_0, %add3A_6 : i32
    "tpu.region"() ({
      %run_scoped3A = tpu.sem_alloc : memref<!tpu.dma_semaphore, #tpu.memory_space<semaphore_mem>>
      %dma_start3A = arith.constant 0 : i32
      %dma_start3A_31 = tpu.memref_slice %arg10[%add3A_7, %dma_start3A] : memref<10240x128xf32, #tpu.memory_space<vmem_shared>> -> memref<128x128xf32, #tpu.memory_space<vmem_shared>>
      tpu.enqueue_dma source(%arg5 : memref<128x128xf32, #tpu.memory_space<hbm>>) target(%dma_start3A_31 : memref<128x128xf32, #tpu.memory_space<vmem_shared>>) target_semaphore(%run_scoped3A : memref<!tpu.dma_semaphore, #tpu.memory_space<semaphore_mem>>)
      %dma_wait3A = arith.constant 0 : i32
      %dma_wait3A_32 = tpu.memref_slice %arg10[%add3A_7, %dma_wait3A] : memref<10240x128xf32, #tpu.memory_space<vmem_shared>> -> memref<128x128xf32, #tpu.memory_space<vmem_shared>>
      tpu.wait_dma2 semaphore(%run_scoped3A : memref<!tpu.dma_semaphore, #tpu.memory_space<semaphore_mem>>) src(%arg5 : memref<128x128xf32, #tpu.memory_space<hbm>>) dst(%dma_wait3A_32 : memref<128x128xf32, #tpu.memory_space<vmem_shared>>)
      tpu.yield
    }) : () -> ()
    %add3A_8 = arith.constant 512 : i32
    %add3A_9 = arith.addi %mul3A_0, %add3A_8 : i32
    "tpu.region"() ({
      %run_scoped3A = tpu.sem_alloc : memref<!tpu.dma_semaphore, #tpu.memory_space<semaphore_mem>>
      %dma_start3A = arith.constant 0 : i32
      %dma_start3A_31 = tpu.memref_slice %arg10[%add3A_9, %dma_start3A] : memref<10240x128xf32, #tpu.memory_space<vmem_shared>> -> memref<128x128xf32, #tpu.memory_space<vmem_shared>>
      tpu.enqueue_dma source(%arg5 : memref<128x128xf32, #tpu.memory_space<hbm>>) target(%dma_start3A_31 : memref<128x128xf32, #tpu.memory_space<vmem_shared>>) target_semaphore(%run_scoped3A : memref<!tpu.dma_semaphore, #tpu.memory_space<semaphore_mem>>)
      %dma_wait3A = arith.constant 0 : i32
      %dma_wait3A_32 = tpu.memref_slice %arg10[%add3A_9, %dma_wait3A] : memref<10240x128xf32, #tpu.memory_space<vmem_shared>> -> memref<128x128xf32, #tpu.memory_space<vmem_shared>>
      tpu.wait_dma2 semaphore(%run_scoped3A : memref<!tpu.dma_semaphore, #tpu.memory_space<semaphore_mem>>) src(%arg5 : memref<128x128xf32, #tpu.memory_space<hbm>>) dst(%dma_wait3A_32 : memref<128x128xf32, #tpu.memory_space<vmem_shared>>)
      tpu.yield
    }) : () -> ()
    %barrier3A = arith.constant 0 : index
    tpu.barrier barrier_id(%barrier3A)
    %mul3A_10 = arith.constant 16 : i32
    %mul3A_11 = arith.muli %arg0, %mul3A_10 : i32
    %add3A_12 = arith.addi %mul3A_11, %arg1 : i32
    %mul3A_13 = arith.constant 10112 : i32
    %mul3A_14 = arith.muli %add3A_12, %mul3A_13 : i32
    %scan3A = arith.constant 0 : i32
    %scan3A_15 = arith.constant 0 : i32
    %scan3A_16 = arith.constant 79 : i32
    %scan3A_17 = arith.addi %scan3A_15, %scan3A_16 : i32
    %scan3A_18 = arith.constant 1 : i32
    scf.for %scan3A_31 = %scan3A_15 to %scan3A_17 step %scan3A_18  : i32 {
      %mul3A_32 = arith.constant 128 : i32
      %mul3A_33 = arith.muli %scan3A_31, %mul3A_32 : i32
      %add3A_34 = arith.addi %mul3A_14, %mul3A_33 : i32
      "tpu.region"() ({
        %run_scoped3A = tpu.sem_alloc : memref<!tpu.dma_semaphore, #tpu.memory_space<semaphore_mem>>
        %dma_start3A_39 = tpu.memref_slice %arg3[%add3A_34] : memref<323584xi32, #tpu.memory_space<hbm>> -> memref<128xi32, #tpu.memory_space<hbm>>
        %dma_start3A_40 = tpu.memref_slice %arg3[%add3A_34] : memref<323584xi32, #tpu.memory_space<hbm>> -> memref<128xi32, #tpu.memory_space<hbm>>
        tpu.enqueue_dma source(%dma_start3A_40 : memref<128xi32, #tpu.memory_space<hbm>>) target(%arg7 : memref<128xi32, #tpu.memory_space<vmem>>) target_semaphore(%run_scoped3A : memref<!tpu.dma_semaphore, #tpu.memory_space<semaphore_mem>>)
        %dma_wait3A_41 = tpu.memref_slice %arg3[%add3A_34] : memref<323584xi32, #tpu.memory_space<hbm>> -> memref<128xi32, #tpu.memory_space<hbm>>
        %dma_wait3A_42 = tpu.memref_slice %arg3[%add3A_34] : memref<323584xi32, #tpu.memory_space<hbm>> -> memref<128xi32, #tpu.memory_space<hbm>>
        tpu.wait_dma2 semaphore(%run_scoped3A : memref<!tpu.dma_semaphore, #tpu.memory_space<semaphore_mem>>) src(%dma_wait3A_42 : memref<128xi32, #tpu.memory_space<hbm>>) dst(%arg7 : memref<128xi32, #tpu.memory_space<vmem>>)
        tpu.yield
      }) : () -> ()
      "tpu.region"() ({
        %run_scoped3A = tpu.sem_alloc : memref<!tpu.dma_semaphore, #tpu.memory_space<semaphore_mem>>
        %dma_start3A_39 = tpu.memref_slice %arg4[%add3A_34] : memref<323584xi32, #tpu.memory_space<hbm>> -> memref<128xi32, #tpu.memory_space<hbm>>
        %dma_start3A_40 = tpu.memref_slice %arg4[%add3A_34] : memref<323584xi32, #tpu.memory_space<hbm>> -> memref<128xi32, #tpu.memory_space<hbm>>
        tpu.enqueue_dma source(%dma_start3A_40 : memref<128xi32, #tpu.memory_space<hbm>>) target(%arg8 : memref<128xi32, #tpu.memory_space<vmem>>) target_semaphore(%run_scoped3A : memref<!tpu.dma_semaphore, #tpu.memory_space<semaphore_mem>>)
        %dma_wait3A_41 = tpu.memref_slice %arg4[%add3A_34] : memref<323584xi32, #tpu.memory_space<hbm>> -> memref<128xi32, #tpu.memory_space<hbm>>
        %dma_wait3A_42 = tpu.memref_slice %arg4[%add3A_34] : memref<323584xi32, #tpu.memory_space<hbm>> -> memref<128xi32, #tpu.memory_space<hbm>>
        tpu.wait_dma2 semaphore(%run_scoped3A : memref<!tpu.dma_semaphore, #tpu.memory_space<semaphore_mem>>) src(%dma_wait3A_42 : memref<128xi32, #tpu.memory_space<hbm>>) dst(%arg8 : memref<128xi32, #tpu.memory_space<vmem>>)
        tpu.yield
      }) : () -> ()
      %dma_start3A = arith.constant 0 : i32
      %dma_start3A_35 = arith.constant 0 : i32
      %dma_start3A_36 = tpu.memref_slice %arg2[%dma_start3A, %dma_start3A_35] : memref<10000x128xf32, #tpu.memory_space<hbm>> -> memref<10000x128xf32, #tpu.memory_space<hbm>>
      tpu.enqueue_indirect_dma source(%dma_start3A_36 : memref<10000x128xf32, #tpu.memory_space<hbm>>) target(%arg9 : memref<128x128xf32, #tpu.memory_space<vmem>>) offsets(%arg7 : memref<128xi32, #tpu.memory_space<vmem>>) semaphore(%arg11 : memref<!tpu.dma_semaphore, #tpu.memory_space<semaphore_mem>>)
      %dma_wait3A = arith.constant 0 : i32
      %dma_wait3A_37 = arith.constant 0 : i32
      %dma_wait3A_38 = tpu.memref_slice %arg2[%dma_wait3A, %dma_wait3A_37] : memref<10000x128xf32, #tpu.memory_space<hbm>> -> memref<10000x128xf32, #tpu.memory_space<hbm>>
      tpu.wait_indirect_dma semaphore(%arg11 : memref<!tpu.dma_semaphore, #tpu.memory_space<semaphore_mem>>) src(%dma_wait3A_38 : memref<10000x128xf32, #tpu.memory_space<hbm>>) dst(%arg9 : memref<128x128xf32, #tpu.memory_space<vmem>>)
      "tpu.region"() ({
        %run_scoped3A = tpu.sem_alloc : memref<!tpu.dma_semaphore, #tpu.memory_space<semaphore_mem>>
        %dma_start3A_39 = arith.constant 0 : i32
        %dma_start3A_40 = arith.constant 0 : i32
        %dma_start3A_41 = tpu.memref_slice %arg10[%dma_start3A_39, %dma_start3A_40] : memref<10240x128xf32, #tpu.memory_space<vmem_shared>> -> memref<10240x128xf32, #tpu.memory_space<vmem_shared>>
        tpu.enqueue_indirect_dma source(%arg9 : memref<128x128xf32, #tpu.memory_space<vmem>>) target(%dma_start3A_41 : memref<10240x128xf32, #tpu.memory_space<vmem_shared>>) offsets(%arg8 : memref<128xi32, #tpu.memory_space<vmem>>) semaphore(%run_scoped3A : memref<!tpu.dma_semaphore, #tpu.memory_space<semaphore_mem>>) {add = true}
        %dma_wait3A_42 = arith.constant 0 : i32
        %dma_wait3A_43 = arith.constant 0 : i32
        %dma_wait3A_44 = tpu.memref_slice %arg10[%dma_wait3A_42, %dma_wait3A_43] : memref<10240x128xf32, #tpu.memory_space<vmem_shared>> -> memref<10240x128xf32, #tpu.memory_space<vmem_shared>>
        tpu.wait_indirect_dma semaphore(%run_scoped3A : memref<!tpu.dma_semaphore, #tpu.memory_space<semaphore_mem>>) src(%arg9 : memref<128x128xf32, #tpu.memory_space<vmem>>) dst(%dma_wait3A_44 : memref<10240x128xf32, #tpu.memory_space<vmem_shared>>)
        tpu.yield
      }) : () -> ()
    }
    %scan3A_19 = arith.constant 79 : i32
    %barrier3A_20 = arith.constant 0 : index
    tpu.barrier barrier_id(%barrier3A_20)
    %add3A_21 = arith.constant 0 : i32
    %add3A_22 = arith.addi %mul3A_0, %add3A_21 : i32
    "tpu.region"() ({
      %run_scoped3A = tpu.sem_alloc : memref<!tpu.dma_semaphore, #tpu.memory_space<semaphore_mem>>
      %dma_start3A = arith.constant 0 : i32
      %dma_start3A_31 = tpu.memref_slice %arg6[%arg0, %add3A_22, %dma_start3A] : memref<2x10240x128xf32, #tpu.memory_space<hbm>> -> memref<1x128x128xf32, #tpu.memory_space<hbm>>
      %dma_start3A_32 = tpu.memref_squeeze %dma_start3A_31 : memref<1x128x128xf32, #tpu.memory_space<hbm>> -> memref<128x128xf32, #tpu.memory_space<hbm>>
      %dma_start3A_33 = arith.constant 0 : i32
      %dma_start3A_34 = tpu.memref_slice %arg10[%add3A_22, %dma_start3A_33] : memref<10240x128xf32, #tpu.memory_space<vmem_shared>> -> memref<128x128xf32, #tpu.memory_space<vmem_shared>>
      tpu.enqueue_dma source(%dma_start3A_34 : memref<128x128xf32, #tpu.memory_space<vmem_shared>>) target(%dma_start3A_32 : memref<128x128xf32, #tpu.memory_space<hbm>>) target_semaphore(%run_scoped3A : memref<!tpu.dma_semaphore, #tpu.memory_space<semaphore_mem>>)
      %dma_wait3A = arith.constant 0 : i32
      %dma_wait3A_35 = tpu.memref_slice %arg6[%arg0, %add3A_22, %dma_wait3A] : memref<2x10240x128xf32, #tpu.memory_space<hbm>> -> memref<1x128x128xf32, #tpu.memory_space<hbm>>
      %dma_wait3A_36 = tpu.memref_squeeze %dma_wait3A_35 : memref<1x128x128xf32, #tpu.memory_space<hbm>> -> memref<128x128xf32, #tpu.memory_space<hbm>>
      %dma_wait3A_37 = arith.constant 0 : i32
      %dma_wait3A_38 = tpu.memref_slice %arg10[%add3A_22, %dma_wait3A_37] : memref<10240x128xf32, #tpu.memory_space<vmem_shared>> -> memref<128x128xf32, #tpu.memory_space<vmem_shared>>
      tpu.wait_dma2 semaphore(%run_scoped3A : memref<!tpu.dma_semaphore, #tpu.memory_space<semaphore_mem>>) src(%dma_wait3A_38 : memref<128x128xf32, #tpu.memory_space<vmem_shared>>) dst(%dma_wait3A_36 : memref<128x128xf32, #tpu.memory_space<hbm>>)
      tpu.yield
    }) : () -> ()
    %add3A_23 = arith.constant 128 : i32
    %add3A_24 = arith.addi %mul3A_0, %add3A_23 : i32
    "tpu.region"() ({
      %run_scoped3A = tpu.sem_alloc : memref<!tpu.dma_semaphore, #tpu.memory_space<semaphore_mem>>
      %dma_start3A = arith.constant 0 : i32
      %dma_start3A_31 = tpu.memref_slice %arg6[%arg0, %add3A_24, %dma_start3A] : memref<2x10240x128xf32, #tpu.memory_space<hbm>> -> memref<1x128x128xf32, #tpu.memory_space<hbm>>
      %dma_start3A_32 = tpu.memref_squeeze %dma_start3A_31 : memref<1x128x128xf32, #tpu.memory_space<hbm>> -> memref<128x128xf32, #tpu.memory_space<hbm>>
      %dma_start3A_33 = arith.constant 0 : i32
      %dma_start3A_34 = tpu.memref_slice %arg10[%add3A_24, %dma_start3A_33] : memref<10240x128xf32, #tpu.memory_space<vmem_shared>> -> memref<128x128xf32, #tpu.memory_space<vmem_shared>>
      tpu.enqueue_dma source(%dma_start3A_34 : memref<128x128xf32, #tpu.memory_space<vmem_shared>>) target(%dma_start3A_32 : memref<128x128xf32, #tpu.memory_space<hbm>>) target_semaphore(%run_scoped3A : memref<!tpu.dma_semaphore, #tpu.memory_space<semaphore_mem>>)
      %dma_wait3A = arith.constant 0 : i32
      %dma_wait3A_35 = tpu.memref_slice %arg6[%arg0, %add3A_24, %dma_wait3A] : memref<2x10240x128xf32, #tpu.memory_space<hbm>> -> memref<1x128x128xf32, #tpu.memory_space<hbm>>
      %dma_wait3A_36 = tpu.memref_squeeze %dma_wait3A_35 : memref<1x128x128xf32, #tpu.memory_space<hbm>> -> memref<128x128xf32, #tpu.memory_space<hbm>>
      %dma_wait3A_37 = arith.constant 0 : i32
      %dma_wait3A_38 = tpu.memref_slice %arg10[%add3A_24, %dma_wait3A_37] : memref<10240x128xf32, #tpu.memory_space<vmem_shared>> -> memref<128x128xf32, #tpu.memory_space<vmem_shared>>
      tpu.wait_dma2 semaphore(%run_scoped3A : memref<!tpu.dma_semaphore, #tpu.memory_space<semaphore_mem>>) src(%dma_wait3A_38 : memref<128x128xf32, #tpu.memory_space<vmem_shared>>) dst(%dma_wait3A_36 : memref<128x128xf32, #tpu.memory_space<hbm>>)
      tpu.yield
    }) : () -> ()
    %add3A_25 = arith.constant 256 : i32
    %add3A_26 = arith.addi %mul3A_0, %add3A_25 : i32
    "tpu.region"() ({
      %run_scoped3A = tpu.sem_alloc : memref<!tpu.dma_semaphore, #tpu.memory_space<semaphore_mem>>
      %dma_start3A = arith.constant 0 : i32
      %dma_start3A_31 = tpu.memref_slice %arg6[%arg0, %add3A_26, %dma_start3A] : memref<2x10240x128xf32, #tpu.memory_space<hbm>> -> memref<1x128x128xf32, #tpu.memory_space<hbm>>
      %dma_start3A_32 = tpu.memref_squeeze %dma_start3A_31 : memref<1x128x128xf32, #tpu.memory_space<hbm>> -> memref<128x128xf32, #tpu.memory_space<hbm>>
      %dma_start3A_33 = arith.constant 0 : i32
      %dma_start3A_34 = tpu.memref_slice %arg10[%add3A_26, %dma_start3A_33] : memref<10240x128xf32, #tpu.memory_space<vmem_shared>> -> memref<128x128xf32, #tpu.memory_space<vmem_shared>>
      tpu.enqueue_dma source(%dma_start3A_34 : memref<128x128xf32, #tpu.memory_space<vmem_shared>>) target(%dma_start3A_32 : memref<128x128xf32, #tpu.memory_space<hbm>>) target_semaphore(%run_scoped3A : memref<!tpu.dma_semaphore, #tpu.memory_space<semaphore_mem>>)
      %dma_wait3A = arith.constant 0 : i32
      %dma_wait3A_35 = tpu.memref_slice %arg6[%arg0, %add3A_26, %dma_wait3A] : memref<2x10240x128xf32, #tpu.memory_space<hbm>> -> memref<1x128x128xf32, #tpu.memory_space<hbm>>
      %dma_wait3A_36 = tpu.memref_squeeze %dma_wait3A_35 : memref<1x128x128xf32, #tpu.memory_space<hbm>> -> memref<128x128xf32, #tpu.memory_space<hbm>>
      %dma_wait3A_37 = arith.constant 0 : i32
      %dma_wait3A_38 = tpu.memref_slice %arg10[%add3A_26, %dma_wait3A_37] : memref<10240x128xf32, #tpu.memory_space<vmem_shared>> -> memref<128x128xf32, #tpu.memory_space<vmem_shared>>
      tpu.wait_dma2 semaphore(%run_scoped3A : memref<!tpu.dma_semaphore, #tpu.memory_space<semaphore_mem>>) src(%dma_wait3A_38 : memref<128x128xf32, #tpu.memory_space<vmem_shared>>) dst(%dma_wait3A_36 : memref<128x128xf32, #tpu.memory_space<hbm>>)
      tpu.yield
    }) : () -> ()
    %add3A_27 = arith.constant 384 : i32
    %add3A_28 = arith.addi %mul3A_0, %add3A_27 : i32
    "tpu.region"() ({
      %run_scoped3A = tpu.sem_alloc : memref<!tpu.dma_semaphore, #tpu.memory_space<semaphore_mem>>
      %dma_start3A = arith.constant 0 : i32
      %dma_start3A_31 = tpu.memref_slice %arg6[%arg0, %add3A_28, %dma_start3A] : memref<2x10240x128xf32, #tpu.memory_space<hbm>> -> memref<1x128x128xf32, #tpu.memory_space<hbm>>
      %dma_start3A_32 = tpu.memref_squeeze %dma_start3A_31 : memref<1x128x128xf32, #tpu.memory_space<hbm>> -> memref<128x128xf32, #tpu.memory_space<hbm>>
      %dma_start3A_33 = arith.constant 0 : i32
      %dma_start3A_34 = tpu.memref_slice %arg10[%add3A_28, %dma_start3A_33] : memref<10240x128xf32, #tpu.memory_space<vmem_shared>> -> memref<128x128xf32, #tpu.memory_space<vmem_shared>>
      tpu.enqueue_dma source(%dma_start3A_34 : memref<128x128xf32, #tpu.memory_space<vmem_shared>>) target(%dma_start3A_32 : memref<128x128xf32, #tpu.memory_space<hbm>>) target_semaphore(%run_scoped3A : memref<!tpu.dma_semaphore, #tpu.memory_space<semaphore_mem>>)
      %dma_wait3A = arith.constant 0 : i32
      %dma_wait3A_35 = tpu.memref_slice %arg6[%arg0, %add3A_28, %dma_wait3A] : memref<2x10240x128xf32, #tpu.memory_space<hbm>> -> memref<1x128x128xf32, #tpu.memory_space<hbm>>
      %dma_wait3A_36 = tpu.memref_squeeze %dma_wait3A_35 : memref<1x128x128xf32, #tpu.memory_space<hbm>> -> memref<128x128xf32, #tpu.memory_space<hbm>>
      %dma_wait3A_37 = arith.constant 0 : i32
      %dma_wait3A_38 = tpu.memref_slice %arg10[%add3A_28, %dma_wait3A_37] : memref<10240x128xf32, #tpu.memory_space<vmem_shared>> -> memref<128x128xf32, #tpu.memory_space<vmem_shared>>
      tpu.wait_dma2 semaphore(%run_scoped3A : memref<!tpu.dma_semaphore, #tpu.memory_space<semaphore_mem>>) src(%dma_wait3A_38 : memref<128x128xf32, #tpu.memory_space<vmem_shared>>) dst(%dma_wait3A_36 : memref<128x128xf32, #tpu.memory_space<hbm>>)
      tpu.yield
    }) : () -> ()
    %add3A_29 = arith.constant 512 : i32
    %add3A_30 = arith.addi %mul3A_0, %add3A_29 : i32
    "tpu.region"() ({
      %run_scoped3A = tpu.sem_alloc : memref<!tpu.dma_semaphore, #tpu.memory_space<semaphore_mem>>
      %dma_start3A = arith.constant 0 : i32
      %dma_start3A_31 = tpu.memref_slice %arg6[%arg0, %add3A_30, %dma_start3A] : memref<2x10240x128xf32, #tpu.memory_space<hbm>> -> memref<1x128x128xf32, #tpu.memory_space<hbm>>
      %dma_start3A_32 = tpu.memref_squeeze %dma_start3A_31 : memref<1x128x128xf32, #tpu.memory_space<hbm>> -> memref<128x128xf32, #tpu.memory_space<hbm>>
      %dma_start3A_33 = arith.constant 0 : i32
      %dma_start3A_34 = tpu.memref_slice %arg10[%add3A_30, %dma_start3A_33] : memref<10240x128xf32, #tpu.memory_space<vmem_shared>> -> memref<128x128xf32, #tpu.memory_space<vmem_shared>>
      tpu.enqueue_dma source(%dma_start3A_34 : memref<128x128xf32, #tpu.memory_space<vmem_shared>>) target(%dma_start3A_32 : memref<128x128xf32, #tpu.memory_space<hbm>>) target_semaphore(%run_scoped3A : memref<!tpu.dma_semaphore, #tpu.memory_space<semaphore_mem>>)
      %dma_wait3A = arith.constant 0 : i32
      %dma_wait3A_35 = tpu.memref_slice %arg6[%arg0, %add3A_30, %dma_wait3A] : memref<2x10240x128xf32, #tpu.memory_space<hbm>> -> memref<1x128x128xf32, #tpu.memory_space<hbm>>
      %dma_wait3A_36 = tpu.memref_squeeze %dma_wait3A_35 : memref<1x128x128xf32, #tpu.memory_space<hbm>> -> memref<128x128xf32, #tpu.memory_space<hbm>>
      %dma_wait3A_37 = arith.constant 0 : i32
      %dma_wait3A_38 = tpu.memref_slice %arg10[%add3A_30, %dma_wait3A_37] : memref<10240x128xf32, #tpu.memory_space<vmem_shared>> -> memref<128x128xf32, #tpu.memory_space<vmem_shared>>
      tpu.wait_dma2 semaphore(%run_scoped3A : memref<!tpu.dma_semaphore, #tpu.memory_space<semaphore_mem>>) src(%dma_wait3A_38 : memref<128x128xf32, #tpu.memory_space<vmem_shared>>) dst(%dma_wait3A_36 : memref<128x128xf32, #tpu.memory_space<hbm>>)
      tpu.yield
    }) : () -> ()
    return
  }
}

#map = affine_map<(d0, d1) -> (0, 0)>
#map1 = affine_map<(d0, d1) -> (0)>
#map2 = affine_map<(d0, d1) -> (0, 0, 0)>
module attributes {stable_mosaic.version = 14 : i64} {
  func.func @body(%arg0: i32, %arg1: i32, %arg2: memref<10000x128xf32, #tpu.memory_space<hbm>>, %arg3: memref<323584xi32, #tpu.memory_space<hbm>>, %arg4: memref<323584xi32, #tpu.memory_space<hbm>>, %arg5: memref<128x128xf32, #tpu.memory_space<hbm>>, %arg6: memref<2x10240x128xf32, #tpu.memory_space<hbm>>, %arg7: memref<128xi32, #tpu.memory_space<vmem>>, %arg8: memref<128xi32, #tpu.memory_space<vmem>>, %arg9: memref<128x128xf32, #tpu.memory_space<vmem>>, %arg10: memref<10240x128xf32, #tpu.memory_space<vmem_shared>>, %arg11: memref<!tpu.dma_semaphore, #tpu.memory_space<semaphore_mem>>) attributes {dimension_semantics = [#tpu.dimension_semantics<core_parallel>, #tpu.dimension_semantics<subcore_parallel>], iteration_bounds = array<i64: 2, 16>, scalar_prefetch = 0 : i64, scratch_operands = 5 : i64, tpu.core_type = #tpu.core_type<sc_vector_subcore>, window_params = [{transform_indices = #map}, {transform_indices = #map1}, {transform_indices = #map1}, {transform_indices = #map}, {transform_indices = #map2}]} {
    %mul3A = arith.constant 640 : i32
    %mul3A_0 = arith.muli %arg1, %mul3A : i32
    %add3A = arith.constant 0 : i32
    %add3A_1 = arith.addi %mul3A_0, %add3A : i32
    "tpu.region"() ({
      %run_scoped3A = tpu.sem_alloc : memref<!tpu.dma_semaphore, #tpu.memory_space<semaphore_mem>>
      %dma_start3A = arith.constant 0 : i32
      %dma_start3A_31 = tpu.memref_slice %arg10[%add3A_1, %dma_start3A] : memref<10240x128xf32, #tpu.memory_space<vmem_shared>> -> memref<128x128xf32, #tpu.memory_space<vmem_shared>>
      tpu.enqueue_dma source(%arg5 : memref<128x128xf32, #tpu.memory_space<hbm>>) target(%dma_start3A_31 : memref<128x128xf32, #tpu.memory_space<vmem_shared>>) target_semaphore(%run_scoped3A : memref<!tpu.dma_semaphore, #tpu.memory_space<semaphore_mem>>)
      %dma_wait3A = arith.constant 0 : i32
      %dma_wait3A_32 = tpu.memref_slice %arg10[%add3A_1, %dma_wait3A] : memref<10240x128xf32, #tpu.memory_space<vmem_shared>> -> memref<128x128xf32, #tpu.memory_space<vmem_shared>>
      tpu.wait_dma2 semaphore(%run_scoped3A : memref<!tpu.dma_semaphore, #tpu.memory_space<semaphore_mem>>) src(%arg5 : memref<128x128xf32, #tpu.memory_space<hbm>>) dst(%dma_wait3A_32 : memref<128x128xf32, #tpu.memory_space<vmem_shared>>)
      tpu.yield
    }) : () -> ()
    %add3A_2 = arith.constant 128 : i32
    %add3A_3 = arith.addi %mul3A_0, %add3A_2 : i32
    "tpu.region"() ({
      %run_scoped3A = tpu.sem_alloc : memref<!tpu.dma_semaphore, #tpu.memory_space<semaphore_mem>>
      %dma_start3A = arith.constant 0 : i32
      %dma_start3A_31 = tpu.memref_slice %arg10[%add3A_3, %dma_start3A] : memref<10240x128xf32, #tpu.memory_space<vmem_shared>> -> memref<128x128xf32, #tpu.memory_space<vmem_shared>>
      tpu.enqueue_dma source(%arg5 : memref<128x128xf32, #tpu.memory_space<hbm>>) target(%dma_start3A_31 : memref<128x128xf32, #tpu.memory_space<vmem_shared>>) target_semaphore(%run_scoped3A : memref<!tpu.dma_semaphore, #tpu.memory_space<semaphore_mem>>)
      %dma_wait3A = arith.constant 0 : i32
      %dma_wait3A_32 = tpu.memref_slice %arg10[%add3A_3, %dma_wait3A] : memref<10240x128xf32, #tpu.memory_space<vmem_shared>> -> memref<128x128xf32, #tpu.memory_space<vmem_shared>>
      tpu.wait_dma2 semaphore(%run_scoped3A : memref<!tpu.dma_semaphore, #tpu.memory_space<semaphore_mem>>) src(%arg5 : memref<128x128xf32, #tpu.memory_space<hbm>>) dst(%dma_wait3A_32 : memref<128x128xf32, #tpu.memory_space<vmem_shared>>)
      tpu.yield
    }) : () -> ()
    %add3A_4 = arith.constant 256 : i32
    %add3A_5 = arith.addi %mul3A_0, %add3A_4 : i32
    "tpu.region"() ({
      %run_scoped3A = tpu.sem_alloc : memref<!tpu.dma_semaphore, #tpu.memory_space<semaphore_mem>>
      %dma_start3A = arith.constant 0 : i32
      %dma_start3A_31 = tpu.memref_slice %arg10[%add3A_5, %dma_start3A] : memref<10240x128xf32, #tpu.memory_space<vmem_shared>> -> memref<128x128xf32, #tpu.memory_space<vmem_shared>>
      tpu.enqueue_dma source(%arg5 : memref<128x128xf32, #tpu.memory_space<hbm>>) target(%dma_start3A_31 : memref<128x128xf32, #tpu.memory_space<vmem_shared>>) target_semaphore(%run_scoped3A : memref<!tpu.dma_semaphore, #tpu.memory_space<semaphore_mem>>)
      %dma_wait3A = arith.constant 0 : i32
      %dma_wait3A_32 = tpu.memref_slice %arg10[%add3A_5, %dma_wait3A] : memref<10240x128xf32, #tpu.memory_space<vmem_shared>> -> memref<128x128xf32, #tpu.memory_space<vmem_shared>>
      tpu.wait_dma2 semaphore(%run_scoped3A : memref<!tpu.dma_semaphore, #tpu.memory_space<semaphore_mem>>) src(%arg5 : memref<128x128xf32, #tpu.memory_space<hbm>>) dst(%dma_wait3A_32 : memref<128x128xf32, #tpu.memory_space<vmem_shared>>)
      tpu.yield
    }) : () -> ()
    %add3A_6 = arith.constant 384 : i32
    %add3A_7 = arith.addi %mul3A_0, %add3A_6 : i32
    "tpu.region"() ({
      %run_scoped3A = tpu.sem_alloc : memref<!tpu.dma_semaphore, #tpu.memory_space<semaphore_mem>>
      %dma_start3A = arith.constant 0 : i32
      %dma_start3A_31 = tpu.memref_slice %arg10[%add3A_7, %dma_start3A] : memref<10240x128xf32, #tpu.memory_space<vmem_shared>> -> memref<128x128xf32, #tpu.memory_space<vmem_shared>>
      tpu.enqueue_dma source(%arg5 : memref<128x128xf32, #tpu.memory_space<hbm>>) target(%dma_start3A_31 : memref<128x128xf32, #tpu.memory_space<vmem_shared>>) target_semaphore(%run_scoped3A : memref<!tpu.dma_semaphore, #tpu.memory_space<semaphore_mem>>)
      %dma_wait3A = arith.constant 0 : i32
      %dma_wait3A_32 = tpu.memref_slice %arg10[%add3A_7, %dma_wait3A] : memref<10240x128xf32, #tpu.memory_space<vmem_shared>> -> memref<128x128xf32, #tpu.memory_space<vmem_shared>>
      tpu.wait_dma2 semaphore(%run_scoped3A : memref<!tpu.dma_semaphore, #tpu.memory_space<semaphore_mem>>) src(%arg5 : memref<128x128xf32, #tpu.memory_space<hbm>>) dst(%dma_wait3A_32 : memref<128x128xf32, #tpu.memory_space<vmem_shared>>)
      tpu.yield
    }) : () -> ()
    %add3A_8 = arith.constant 512 : i32
    %add3A_9 = arith.addi %mul3A_0, %add3A_8 : i32
    "tpu.region"() ({
      %run_scoped3A = tpu.sem_alloc : memref<!tpu.dma_semaphore, #tpu.memory_space<semaphore_mem>>
      %dma_start3A = arith.constant 0 : i32
      %dma_start3A_31 = tpu.memref_slice %arg10[%add3A_9, %dma_start3A] : memref<10240x128xf32, #tpu.memory_space<vmem_shared>> -> memref<128x128xf32, #tpu.memory_space<vmem_shared>>
      tpu.enqueue_dma source(%arg5 : memref<128x128xf32, #tpu.memory_space<hbm>>) target(%dma_start3A_31 : memref<128x128xf32, #tpu.memory_space<vmem_shared>>) target_semaphore(%run_scoped3A : memref<!tpu.dma_semaphore, #tpu.memory_space<semaphore_mem>>)
      %dma_wait3A = arith.constant 0 : i32
      %dma_wait3A_32 = tpu.memref_slice %arg10[%add3A_9, %dma_wait3A] : memref<10240x128xf32, #tpu.memory_space<vmem_shared>> -> memref<128x128xf32, #tpu.memory_space<vmem_shared>>
      tpu.wait_dma2 semaphore(%run_scoped3A : memref<!tpu.dma_semaphore, #tpu.memory_space<semaphore_mem>>) src(%arg5 : memref<128x128xf32, #tpu.memory_space<hbm>>) dst(%dma_wait3A_32 : memref<128x128xf32, #tpu.memory_space<vmem_shared>>)
      tpu.yield
    }) : () -> ()
    %barrier3A = arith.constant 0 : index
    tpu.barrier barrier_id(%barrier3A)
    %mul3A_10 = arith.constant 16 : i32
    %mul3A_11 = arith.muli %arg0, %mul3A_10 : i32
    %add3A_12 = arith.addi %mul3A_11, %arg1 : i32
    %mul3A_13 = arith.constant 10112 : i32
    %mul3A_14 = arith.muli %add3A_12, %mul3A_13 : i32
    %scan3A = arith.constant 0 : i32
    %scan3A_15 = arith.constant 0 : i32
    %scan3A_16 = arith.constant 79 : i32
    %scan3A_17 = arith.addi %scan3A_15, %scan3A_16 : i32
    %scan3A_18 = arith.constant 1 : i32
    scf.for %scan3A_31 = %scan3A_15 to %scan3A_17 step %scan3A_18  : i32 {
      %mul3A_32 = arith.constant 128 : i32
      %mul3A_33 = arith.muli %scan3A_31, %mul3A_32 : i32
      %add3A_34 = arith.addi %mul3A_14, %mul3A_33 : i32
      "tpu.region"() ({
        %run_scoped3A = tpu.sem_alloc : memref<!tpu.dma_semaphore, #tpu.memory_space<semaphore_mem>>
        %dma_start3A_39 = tpu.memref_slice %arg3[%add3A_34] : memref<323584xi32, #tpu.memory_space<hbm>> -> memref<128xi32, #tpu.memory_space<hbm>>
        %dma_start3A_40 = tpu.memref_slice %arg3[%add3A_34] : memref<323584xi32, #tpu.memory_space<hbm>> -> memref<128xi32, #tpu.memory_space<hbm>>
        tpu.enqueue_dma source(%dma_start3A_40 : memref<128xi32, #tpu.memory_space<hbm>>) target(%arg7 : memref<128xi32, #tpu.memory_space<vmem>>) target_semaphore(%run_scoped3A : memref<!tpu.dma_semaphore, #tpu.memory_space<semaphore_mem>>)
        %dma_wait3A_41 = tpu.memref_slice %arg3[%add3A_34] : memref<323584xi32, #tpu.memory_space<hbm>> -> memref<128xi32, #tpu.memory_space<hbm>>
        %dma_wait3A_42 = tpu.memref_slice %arg3[%add3A_34] : memref<323584xi32, #tpu.memory_space<hbm>> -> memref<128xi32, #tpu.memory_space<hbm>>
        tpu.wait_dma2 semaphore(%run_scoped3A : memref<!tpu.dma_semaphore, #tpu.memory_space<semaphore_mem>>) src(%dma_wait3A_42 : memref<128xi32, #tpu.memory_space<hbm>>) dst(%arg7 : memref<128xi32, #tpu.memory_space<vmem>>)
        tpu.yield
      }) : () -> ()
      "tpu.region"() ({
        %run_scoped3A = tpu.sem_alloc : memref<!tpu.dma_semaphore, #tpu.memory_space<semaphore_mem>>
        %dma_start3A_39 = tpu.memref_slice %arg4[%add3A_34] : memref<323584xi32, #tpu.memory_space<hbm>> -> memref<128xi32, #tpu.memory_space<hbm>>
        %dma_start3A_40 = tpu.memref_slice %arg4[%add3A_34] : memref<323584xi32, #tpu.memory_space<hbm>> -> memref<128xi32, #tpu.memory_space<hbm>>
        tpu.enqueue_dma source(%dma_start3A_40 : memref<128xi32, #tpu.memory_space<hbm>>) target(%arg8 : memref<128xi32, #tpu.memory_space<vmem>>) target_semaphore(%run_scoped3A : memref<!tpu.dma_semaphore, #tpu.memory_space<semaphore_mem>>)
        %dma_wait3A_41 = tpu.memref_slice %arg4[%add3A_34] : memref<323584xi32, #tpu.memory_space<hbm>> -> memref<128xi32, #tpu.memory_space<hbm>>
        %dma_wait3A_42 = tpu.memref_slice %arg4[%add3A_34] : memref<323584xi32, #tpu.memory_space<hbm>> -> memref<128xi32, #tpu.memory_space<hbm>>
        tpu.wait_dma2 semaphore(%run_scoped3A : memref<!tpu.dma_semaphore, #tpu.memory_space<semaphore_mem>>) src(%dma_wait3A_42 : memref<128xi32, #tpu.memory_space<hbm>>) dst(%arg8 : memref<128xi32, #tpu.memory_space<vmem>>)
        tpu.yield
      }) : () -> ()
      %dma_start3A = arith.constant 0 : i32
      %dma_start3A_35 = arith.constant 0 : i32
      %dma_start3A_36 = tpu.memref_slice %arg2[%dma_start3A, %dma_start3A_35] : memref<10000x128xf32, #tpu.memory_space<hbm>> -> memref<10000x128xf32, #tpu.memory_space<hbm>>
      tpu.enqueue_indirect_dma source(%dma_start3A_36 : memref<10000x128xf32, #tpu.memory_space<hbm>>) target(%arg9 : memref<128x128xf32, #tpu.memory_space<vmem>>) offsets(%arg7 : memref<128xi32, #tpu.memory_space<vmem>>) semaphore(%arg11 : memref<!tpu.dma_semaphore, #tpu.memory_space<semaphore_mem>>)
      %dma_wait3A = arith.constant 0 : i32
      %dma_wait3A_37 = arith.constant 0 : i32
      %dma_wait3A_38 = tpu.memref_slice %arg2[%dma_wait3A, %dma_wait3A_37] : memref<10000x128xf32, #tpu.memory_space<hbm>> -> memref<10000x128xf32, #tpu.memory_space<hbm>>
      tpu.wait_indirect_dma semaphore(%arg11 : memref<!tpu.dma_semaphore, #tpu.memory_space<semaphore_mem>>) src(%dma_wait3A_38 : memref<10000x128xf32, #tpu.memory_space<hbm>>) dst(%arg9 : memref<128x128xf32, #tpu.memory_space<vmem>>)
      "tpu.region"() ({
        %run_scoped3A = tpu.sem_alloc : memref<!tpu.dma_semaphore, #tpu.memory_space<semaphore_mem>>
        %dma_start3A_39 = arith.constant 0 : i32
        %dma_start3A_40 = arith.constant 0 : i32
        %dma_start3A_41 = tpu.memref_slice %arg10[%dma_start3A_39, %dma_start3A_40] : memref<10240x128xf32, #tpu.memory_space<vmem_shared>> -> memref<10240x128xf32, #tpu.memory_space<vmem_shared>>
        tpu.enqueue_indirect_dma source(%arg9 : memref<128x128xf32, #tpu.memory_space<vmem>>) target(%dma_start3A_41 : memref<10240x128xf32, #tpu.memory_space<vmem_shared>>) offsets(%arg8 : memref<128xi32, #tpu.memory_space<vmem>>) semaphore(%run_scoped3A : memref<!tpu.dma_semaphore, #tpu.memory_space<semaphore_mem>>) {add = true}
        %dma_wait3A_42 = arith.constant 0 : i32
        %dma_wait3A_43 = arith.constant 0 : i32
        %dma_wait3A_44 = tpu.memref_slice %arg10[%dma_wait3A_42, %dma_wait3A_43] : memref<10240x128xf32, #tpu.memory_space<vmem_shared>> -> memref<10240x128xf32, #tpu.memory_space<vmem_shared>>
        tpu.wait_indirect_dma semaphore(%run_scoped3A : memref<!tpu.dma_semaphore, #tpu.memory_space<semaphore_mem>>) src(%arg9 : memref<128x128xf32, #tpu.memory_space<vmem>>) dst(%dma_wait3A_44 : memref<10240x128xf32, #tpu.memory_space<vmem_shared>>)
        tpu.yield
      }) : () -> ()
    }
    %scan3A_19 = arith.constant 79 : i32
    %barrier3A_20 = arith.constant 0 : index
    tpu.barrier barrier_id(%barrier3A_20)
    %add3A_21 = arith.constant 0 : i32
    %add3A_22 = arith.addi %mul3A_0, %add3A_21 : i32
    "tpu.region"() ({
      %run_scoped3A = tpu.sem_alloc : memref<!tpu.dma_semaphore, #tpu.memory_space<semaphore_mem>>
      %dma_start3A = arith.constant 0 : i32
      %dma_start3A_31 = tpu.memref_slice %arg6[%arg0, %add3A_22, %dma_start3A] : memref<2x10240x128xf32, #tpu.memory_space<hbm>> -> memref<1x128x128xf32, #tpu.memory_space<hbm>>
      %dma_start3A_32 = tpu.memref_squeeze %dma_start3A_31 : memref<1x128x128xf32, #tpu.memory_space<hbm>> -> memref<128x128xf32, #tpu.memory_space<hbm>>
      %dma_start3A_33 = arith.constant 0 : i32
      %dma_start3A_34 = tpu.memref_slice %arg10[%add3A_22, %dma_start3A_33] : memref<10240x128xf32, #tpu.memory_space<vmem_shared>> -> memref<128x128xf32, #tpu.memory_space<vmem_shared>>
      tpu.enqueue_dma source(%dma_start3A_34 : memref<128x128xf32, #tpu.memory_space<vmem_shared>>) target(%dma_start3A_32 : memref<128x128xf32, #tpu.memory_space<hbm>>) target_semaphore(%run_scoped3A : memref<!tpu.dma_semaphore, #tpu.memory_space<semaphore_mem>>)
      %dma_wait3A = arith.constant 0 : i32
      %dma_wait3A_35 = tpu.memref_slice %arg6[%arg0, %add3A_22, %dma_wait3A] : memref<2x10240x128xf32, #tpu.memory_space<hbm>> -> memref<1x128x128xf32, #tpu.memory_space<hbm>>
      %dma_wait3A_36 = tpu.memref_squeeze %dma_wait3A_35 : memref<1x128x128xf32, #tpu.memory_space<hbm>> -> memref<128x128xf32, #tpu.memory_space<hbm>>
      %dma_wait3A_37 = arith.constant 0 : i32
      %dma_wait3A_38 = tpu.memref_slice %arg10[%add3A_22, %dma_wait3A_37] : memref<10240x128xf32, #tpu.memory_space<vmem_shared>> -> memref<128x128xf32, #tpu.memory_space<vmem_shared>>
      tpu.wait_dma2 semaphore(%run_scoped3A : memref<!tpu.dma_semaphore, #tpu.memory_space<semaphore_mem>>) src(%dma_wait3A_38 : memref<128x128xf32, #tpu.memory_space<vmem_shared>>) dst(%dma_wait3A_36 : memref<128x128xf32, #tpu.memory_space<hbm>>)
      tpu.yield
    }) : () -> ()
    %add3A_23 = arith.constant 128 : i32
    %add3A_24 = arith.addi %mul3A_0, %add3A_23 : i32
    "tpu.region"() ({
      %run_scoped3A = tpu.sem_alloc : memref<!tpu.dma_semaphore, #tpu.memory_space<semaphore_mem>>
      %dma_start3A = arith.constant 0 : i32
      %dma_start3A_31 = tpu.memref_slice %arg6[%arg0, %add3A_24, %dma_start3A] : memref<2x10240x128xf32, #tpu.memory_space<hbm>> -> memref<1x128x128xf32, #tpu.memory_space<hbm>>
      %dma_start3A_32 = tpu.memref_squeeze %dma_start3A_31 : memref<1x128x128xf32, #tpu.memory_space<hbm>> -> memref<128x128xf32, #tpu.memory_space<hbm>>
      %dma_start3A_33 = arith.constant 0 : i32
      %dma_start3A_34 = tpu.memref_slice %arg10[%add3A_24, %dma_start3A_33] : memref<10240x128xf32, #tpu.memory_space<vmem_shared>> -> memref<128x128xf32, #tpu.memory_space<vmem_shared>>
      tpu.enqueue_dma source(%dma_start3A_34 : memref<128x128xf32, #tpu.memory_space<vmem_shared>>) target(%dma_start3A_32 : memref<128x128xf32, #tpu.memory_space<hbm>>) target_semaphore(%run_scoped3A : memref<!tpu.dma_semaphore, #tpu.memory_space<semaphore_mem>>)
      %dma_wait3A = arith.constant 0 : i32
      %dma_wait3A_35 = tpu.memref_slice %arg6[%arg0, %add3A_24, %dma_wait3A] : memref<2x10240x128xf32, #tpu.memory_space<hbm>> -> memref<1x128x128xf32, #tpu.memory_space<hbm>>
      %dma_wait3A_36 = tpu.memref_squeeze %dma_wait3A_35 : memref<1x128x128xf32, #tpu.memory_space<hbm>> -> memref<128x128xf32, #tpu.memory_space<hbm>>
      %dma_wait3A_37 = arith.constant 0 : i32
      %dma_wait3A_38 = tpu.memref_slice %arg10[%add3A_24, %dma_wait3A_37] : memref<10240x128xf32, #tpu.memory_space<vmem_shared>> -> memref<128x128xf32, #tpu.memory_space<vmem_shared>>
      tpu.wait_dma2 semaphore(%run_scoped3A : memref<!tpu.dma_semaphore, #tpu.memory_space<semaphore_mem>>) src(%dma_wait3A_38 : memref<128x128xf32, #tpu.memory_space<vmem_shared>>) dst(%dma_wait3A_36 : memref<128x128xf32, #tpu.memory_space<hbm>>)
      tpu.yield
    }) : () -> ()
    %add3A_25 = arith.constant 256 : i32
    %add3A_26 = arith.addi %mul3A_0, %add3A_25 : i32
    "tpu.region"() ({
      %run_scoped3A = tpu.sem_alloc : memref<!tpu.dma_semaphore, #tpu.memory_space<semaphore_mem>>
      %dma_start3A = arith.constant 0 : i32
      %dma_start3A_31 = tpu.memref_slice %arg6[%arg0, %add3A_26, %dma_start3A] : memref<2x10240x128xf32, #tpu.memory_space<hbm>> -> memref<1x128x128xf32, #tpu.memory_space<hbm>>
      %dma_start3A_32 = tpu.memref_squeeze %dma_start3A_31 : memref<1x128x128xf32, #tpu.memory_space<hbm>> -> memref<128x128xf32, #tpu.memory_space<hbm>>
      %dma_start3A_33 = arith.constant 0 : i32
      %dma_start3A_34 = tpu.memref_slice %arg10[%add3A_26, %dma_start3A_33] : memref<10240x128xf32, #tpu.memory_space<vmem_shared>> -> memref<128x128xf32, #tpu.memory_space<vmem_shared>>
      tpu.enqueue_dma source(%dma_start3A_34 : memref<128x128xf32, #tpu.memory_space<vmem_shared>>) target(%dma_start3A_32 : memref<128x128xf32, #tpu.memory_space<hbm>>) target_semaphore(%run_scoped3A : memref<!tpu.dma_semaphore, #tpu.memory_space<semaphore_mem>>)
      %dma_wait3A = arith.constant 0 : i32
      %dma_wait3A_35 = tpu.memref_slice %arg6[%arg0, %add3A_26, %dma_wait3A] : memref<2x10240x128xf32, #tpu.memory_space<hbm>> -> memref<1x128x128xf32, #tpu.memory_space<hbm>>
      %dma_wait3A_36 = tpu.memref_squeeze %dma_wait3A_35 : memref<1x128x128xf32, #tpu.memory_space<hbm>> -> memref<128x128xf32, #tpu.memory_space<hbm>>
      %dma_wait3A_37 = arith.constant 0 : i32
      %dma_wait3A_38 = tpu.memref_slice %arg10[%add3A_26, %dma_wait3A_37] : memref<10240x128xf32, #tpu.memory_space<vmem_shared>> -> memref<128x128xf32, #tpu.memory_space<vmem_shared>>
      tpu.wait_dma2 semaphore(%run_scoped3A : memref<!tpu.dma_semaphore, #tpu.memory_space<semaphore_mem>>) src(%dma_wait3A_38 : memref<128x128xf32, #tpu.memory_space<vmem_shared>>) dst(%dma_wait3A_36 : memref<128x128xf32, #tpu.memory_space<hbm>>)
      tpu.yield
    }) : () -> ()
    %add3A_27 = arith.constant 384 : i32
    %add3A_28 = arith.addi %mul3A_0, %add3A_27 : i32
    "tpu.region"() ({
      %run_scoped3A = tpu.sem_alloc : memref<!tpu.dma_semaphore, #tpu.memory_space<semaphore_mem>>
      %dma_start3A = arith.constant 0 : i32
      %dma_start3A_31 = tpu.memref_slice %arg6[%arg0, %add3A_28, %dma_start3A] : memref<2x10240x128xf32, #tpu.memory_space<hbm>> -> memref<1x128x128xf32, #tpu.memory_space<hbm>>
      %dma_start3A_32 = tpu.memref_squeeze %dma_start3A_31 : memref<1x128x128xf32, #tpu.memory_space<hbm>> -> memref<128x128xf32, #tpu.memory_space<hbm>>
      %dma_start3A_33 = arith.constant 0 : i32
      %dma_start3A_34 = tpu.memref_slice %arg10[%add3A_28, %dma_start3A_33] : memref<10240x128xf32, #tpu.memory_space<vmem_shared>> -> memref<128x128xf32, #tpu.memory_space<vmem_shared>>
      tpu.enqueue_dma source(%dma_start3A_34 : memref<128x128xf32, #tpu.memory_space<vmem_shared>>) target(%dma_start3A_32 : memref<128x128xf32, #tpu.memory_space<hbm>>) target_semaphore(%run_scoped3A : memref<!tpu.dma_semaphore, #tpu.memory_space<semaphore_mem>>)
      %dma_wait3A = arith.constant 0 : i32
      %dma_wait3A_35 = tpu.memref_slice %arg6[%arg0, %add3A_28, %dma_wait3A] : memref<2x10240x128xf32, #tpu.memory_space<hbm>> -> memref<1x128x128xf32, #tpu.memory_space<hbm>>
      %dma_wait3A_36 = tpu.memref_squeeze %dma_wait3A_35 : memref<1x128x128xf32, #tpu.memory_space<hbm>> -> memref<128x128xf32, #tpu.memory_space<hbm>>
      %dma_wait3A_37 = arith.constant 0 : i32
      %dma_wait3A_38 = tpu.memref_slice %arg10[%add3A_28, %dma_wait3A_37] : memref<10240x128xf32, #tpu.memory_space<vmem_shared>> -> memref<128x128xf32, #tpu.memory_space<vmem_shared>>
      tpu.wait_dma2 semaphore(%run_scoped3A : memref<!tpu.dma_semaphore, #tpu.memory_space<semaphore_mem>>) src(%dma_wait3A_38 : memref<128x128xf32, #tpu.memory_space<vmem_shared>>) dst(%dma_wait3A_36 : memref<128x128xf32, #tpu.memory_space<hbm>>)
      tpu.yield
    }) : () -> ()
    %add3A_29 = arith.constant 512 : i32
    %add3A_30 = arith.addi %mul3A_0, %add3A_29 : i32
    "tpu.region"() ({
      %run_scoped3A = tpu.sem_alloc : memref<!tpu.dma_semaphore, #tpu.memory_space<semaphore_mem>>
      %dma_start3A = arith.constant 0 : i32
      %dma_start3A_31 = tpu.memref_slice %arg6[%arg0, %add3A_30, %dma_start3A] : memref<2x10240x128xf32, #tpu.memory_space<hbm>> -> memref<1x128x128xf32, #tpu.memory_space<hbm>>
      %dma_start3A_32 = tpu.memref_squeeze %dma_start3A_31 : memref<1x128x128xf32, #tpu.memory_space<hbm>> -> memref<128x128xf32, #tpu.memory_space<hbm>>
      %dma_start3A_33 = arith.constant 0 : i32
      %dma_start3A_34 = tpu.memref_slice %arg10[%add3A_30, %dma_start3A_33] : memref<10240x128xf32, #tpu.memory_space<vmem_shared>> -> memref<128x128xf32, #tpu.memory_space<vmem_shared>>
      tpu.enqueue_dma source(%dma_start3A_34 : memref<128x128xf32, #tpu.memory_space<vmem_shared>>) target(%dma_start3A_32 : memref<128x128xf32, #tpu.memory_space<hbm>>) target_semaphore(%run_scoped3A : memref<!tpu.dma_semaphore, #tpu.memory_space<semaphore_mem>>)
      %dma_wait3A = arith.constant 0 : i32
      %dma_wait3A_35 = tpu.memref_slice %arg6[%arg0, %add3A_30, %dma_wait3A] : memref<2x10240x128xf32, #tpu.memory_space<hbm>> -> memref<1x128x128xf32, #tpu.memory_space<hbm>>
      %dma_wait3A_36 = tpu.memref_squeeze %dma_wait3A_35 : memref<1x128x128xf32, #tpu.memory_space<hbm>> -> memref<128x128xf32, #tpu.memory_space<hbm>>
      %dma_wait3A_37 = arith.constant 0 : i32
      %dma_wait3A_38 = tpu.memref_slice %arg10[%add3A_30, %dma_wait3A_37] : memref<10240x128xf32, #tpu.memory_space<vmem_shared>> -> memref<128x128xf32, #tpu.memory_space<vmem_shared>>
      tpu.wait_dma2 semaphore(%run_scoped3A : memref<!tpu.dma_semaphore, #tpu.memory_space<semaphore_mem>>) src(%dma_wait3A_38 : memref<128x128xf32, #tpu.memory_space<vmem_shared>>) dst(%dma_wait3A_36 : memref<128x128xf32, #tpu.memory_space<hbm>>)
      tpu.yield
    }) : () -> ()
    return
  }
}

#map = affine_map<(d0, d1) -> (0, 0)>
#map1 = affine_map<(d0, d1) -> (0)>
#map2 = affine_map<(d0, d1) -> (0, 0, 0)>
module attributes {stable_mosaic.version = 14 : i64} {
  func.func @body(%arg0: i32, %arg1: i32, %arg2: memref<10000x128xf32, #tpu.memory_space<hbm>>, %arg3: memref<323584xi32, #tpu.memory_space<hbm>>, %arg4: memref<323584xi32, #tpu.memory_space<hbm>>, %arg5: memref<128x128xf32, #tpu.memory_space<hbm>>, %arg6: memref<2x10240x128xf32, #tpu.memory_space<hbm>>, %arg7: memref<128xi32, #tpu.memory_space<vmem>>, %arg8: memref<128xi32, #tpu.memory_space<vmem>>, %arg9: memref<128x128xf32, #tpu.memory_space<vmem>>, %arg10: memref<10240x128xf32, #tpu.memory_space<vmem_shared>>, %arg11: memref<!tpu.dma_semaphore, #tpu.memory_space<semaphore_mem>>) attributes {dimension_semantics = [#tpu.dimension_semantics<core_parallel>, #tpu.dimension_semantics<subcore_parallel>], iteration_bounds = array<i64: 2, 16>, scalar_prefetch = 0 : i64, scratch_operands = 5 : i64, tpu.core_type = #tpu.core_type<sc_vector_subcore>, window_params = [{transform_indices = #map}, {transform_indices = #map1}, {transform_indices = #map1}, {transform_indices = #map}, {transform_indices = #map2}]} {
    %mul3A = arith.constant 640 : i32
    %mul3A_0 = arith.muli %arg1, %mul3A : i32
    %add3A = arith.constant 0 : i32
    %add3A_1 = arith.addi %mul3A_0, %add3A : i32
    "tpu.region"() ({
      %run_scoped3A = tpu.sem_alloc : memref<!tpu.dma_semaphore, #tpu.memory_space<semaphore_mem>>
      %dma_start3A = arith.constant 0 : i32
      %dma_start3A_31 = tpu.memref_slice %arg10[%add3A_1, %dma_start3A] : memref<10240x128xf32, #tpu.memory_space<vmem_shared>> -> memref<128x128xf32, #tpu.memory_space<vmem_shared>>
      tpu.enqueue_dma source(%arg5 : memref<128x128xf32, #tpu.memory_space<hbm>>) target(%dma_start3A_31 : memref<128x128xf32, #tpu.memory_space<vmem_shared>>) target_semaphore(%run_scoped3A : memref<!tpu.dma_semaphore, #tpu.memory_space<semaphore_mem>>)
      %dma_wait3A = arith.constant 0 : i32
      %dma_wait3A_32 = tpu.memref_slice %arg10[%add3A_1, %dma_wait3A] : memref<10240x128xf32, #tpu.memory_space<vmem_shared>> -> memref<128x128xf32, #tpu.memory_space<vmem_shared>>
      tpu.wait_dma2 semaphore(%run_scoped3A : memref<!tpu.dma_semaphore, #tpu.memory_space<semaphore_mem>>) src(%arg5 : memref<128x128xf32, #tpu.memory_space<hbm>>) dst(%dma_wait3A_32 : memref<128x128xf32, #tpu.memory_space<vmem_shared>>)
      tpu.yield
    }) : () -> ()
    %add3A_2 = arith.constant 128 : i32
    %add3A_3 = arith.addi %mul3A_0, %add3A_2 : i32
    "tpu.region"() ({
      %run_scoped3A = tpu.sem_alloc : memref<!tpu.dma_semaphore, #tpu.memory_space<semaphore_mem>>
      %dma_start3A = arith.constant 0 : i32
      %dma_start3A_31 = tpu.memref_slice %arg10[%add3A_3, %dma_start3A] : memref<10240x128xf32, #tpu.memory_space<vmem_shared>> -> memref<128x128xf32, #tpu.memory_space<vmem_shared>>
      tpu.enqueue_dma source(%arg5 : memref<128x128xf32, #tpu.memory_space<hbm>>) target(%dma_start3A_31 : memref<128x128xf32, #tpu.memory_space<vmem_shared>>) target_semaphore(%run_scoped3A : memref<!tpu.dma_semaphore, #tpu.memory_space<semaphore_mem>>)
      %dma_wait3A = arith.constant 0 : i32
      %dma_wait3A_32 = tpu.memref_slice %arg10[%add3A_3, %dma_wait3A] : memref<10240x128xf32, #tpu.memory_space<vmem_shared>> -> memref<128x128xf32, #tpu.memory_space<vmem_shared>>
      tpu.wait_dma2 semaphore(%run_scoped3A : memref<!tpu.dma_semaphore, #tpu.memory_space<semaphore_mem>>) src(%arg5 : memref<128x128xf32, #tpu.memory_space<hbm>>) dst(%dma_wait3A_32 : memref<128x128xf32, #tpu.memory_space<vmem_shared>>)
      tpu.yield
    }) : () -> ()
    %add3A_4 = arith.constant 256 : i32
    %add3A_5 = arith.addi %mul3A_0, %add3A_4 : i32
    "tpu.region"() ({
      %run_scoped3A = tpu.sem_alloc : memref<!tpu.dma_semaphore, #tpu.memory_space<semaphore_mem>>
      %dma_start3A = arith.constant 0 : i32
      %dma_start3A_31 = tpu.memref_slice %arg10[%add3A_5, %dma_start3A] : memref<10240x128xf32, #tpu.memory_space<vmem_shared>> -> memref<128x128xf32, #tpu.memory_space<vmem_shared>>
      tpu.enqueue_dma source(%arg5 : memref<128x128xf32, #tpu.memory_space<hbm>>) target(%dma_start3A_31 : memref<128x128xf32, #tpu.memory_space<vmem_shared>>) target_semaphore(%run_scoped3A : memref<!tpu.dma_semaphore, #tpu.memory_space<semaphore_mem>>)
      %dma_wait3A = arith.constant 0 : i32
      %dma_wait3A_32 = tpu.memref_slice %arg10[%add3A_5, %dma_wait3A] : memref<10240x128xf32, #tpu.memory_space<vmem_shared>> -> memref<128x128xf32, #tpu.memory_space<vmem_shared>>
      tpu.wait_dma2 semaphore(%run_scoped3A : memref<!tpu.dma_semaphore, #tpu.memory_space<semaphore_mem>>) src(%arg5 : memref<128x128xf32, #tpu.memory_space<hbm>>) dst(%dma_wait3A_32 : memref<128x128xf32, #tpu.memory_space<vmem_shared>>)
      tpu.yield
    }) : () -> ()
    %add3A_6 = arith.constant 384 : i32
    %add3A_7 = arith.addi %mul3A_0, %add3A_6 : i32
    "tpu.region"() ({
      %run_scoped3A = tpu.sem_alloc : memref<!tpu.dma_semaphore, #tpu.memory_space<semaphore_mem>>
      %dma_start3A = arith.constant 0 : i32
      %dma_start3A_31 = tpu.memref_slice %arg10[%add3A_7, %dma_start3A] : memref<10240x128xf32, #tpu.memory_space<vmem_shared>> -> memref<128x128xf32, #tpu.memory_space<vmem_shared>>
      tpu.enqueue_dma source(%arg5 : memref<128x128xf32, #tpu.memory_space<hbm>>) target(%dma_start3A_31 : memref<128x128xf32, #tpu.memory_space<vmem_shared>>) target_semaphore(%run_scoped3A : memref<!tpu.dma_semaphore, #tpu.memory_space<semaphore_mem>>)
      %dma_wait3A = arith.constant 0 : i32
      %dma_wait3A_32 = tpu.memref_slice %arg10[%add3A_7, %dma_wait3A] : memref<10240x128xf32, #tpu.memory_space<vmem_shared>> -> memref<128x128xf32, #tpu.memory_space<vmem_shared>>
      tpu.wait_dma2 semaphore(%run_scoped3A : memref<!tpu.dma_semaphore, #tpu.memory_space<semaphore_mem>>) src(%arg5 : memref<128x128xf32, #tpu.memory_space<hbm>>) dst(%dma_wait3A_32 : memref<128x128xf32, #tpu.memory_space<vmem_shared>>)
      tpu.yield
    }) : () -> ()
    %add3A_8 = arith.constant 512 : i32
    %add3A_9 = arith.addi %mul3A_0, %add3A_8 : i32
    "tpu.region"() ({
      %run_scoped3A = tpu.sem_alloc : memref<!tpu.dma_semaphore, #tpu.memory_space<semaphore_mem>>
      %dma_start3A = arith.constant 0 : i32
      %dma_start3A_31 = tpu.memref_slice %arg10[%add3A_9, %dma_start3A] : memref<10240x128xf32, #tpu.memory_space<vmem_shared>> -> memref<128x128xf32, #tpu.memory_space<vmem_shared>>
      tpu.enqueue_dma source(%arg5 : memref<128x128xf32, #tpu.memory_space<hbm>>) target(%dma_start3A_31 : memref<128x128xf32, #tpu.memory_space<vmem_shared>>) target_semaphore(%run_scoped3A : memref<!tpu.dma_semaphore, #tpu.memory_space<semaphore_mem>>)
      %dma_wait3A = arith.constant 0 : i32
      %dma_wait3A_32 = tpu.memref_slice %arg10[%add3A_9, %dma_wait3A] : memref<10240x128xf32, #tpu.memory_space<vmem_shared>> -> memref<128x128xf32, #tpu.memory_space<vmem_shared>>
      tpu.wait_dma2 semaphore(%run_scoped3A : memref<!tpu.dma_semaphore, #tpu.memory_space<semaphore_mem>>) src(%arg5 : memref<128x128xf32, #tpu.memory_space<hbm>>) dst(%dma_wait3A_32 : memref<128x128xf32, #tpu.memory_space<vmem_shared>>)
      tpu.yield
    }) : () -> ()
    %barrier3A = arith.constant 0 : index
    tpu.barrier barrier_id(%barrier3A)
    %mul3A_10 = arith.constant 16 : i32
    %mul3A_11 = arith.muli %arg0, %mul3A_10 : i32
    %add3A_12 = arith.addi %mul3A_11, %arg1 : i32
    %mul3A_13 = arith.constant 10112 : i32
    %mul3A_14 = arith.muli %add3A_12, %mul3A_13 : i32
    %scan3A = arith.constant 0 : i32
    %scan3A_15 = arith.constant 0 : i32
    %scan3A_16 = arith.constant 79 : i32
    %scan3A_17 = arith.addi %scan3A_15, %scan3A_16 : i32
    %scan3A_18 = arith.constant 1 : i32
    scf.for %scan3A_31 = %scan3A_15 to %scan3A_17 step %scan3A_18  : i32 {
      %mul3A_32 = arith.constant 128 : i32
      %mul3A_33 = arith.muli %scan3A_31, %mul3A_32 : i32
      %add3A_34 = arith.addi %mul3A_14, %mul3A_33 : i32
      "tpu.region"() ({
        %run_scoped3A = tpu.sem_alloc : memref<!tpu.dma_semaphore, #tpu.memory_space<semaphore_mem>>
        %dma_start3A_39 = tpu.memref_slice %arg3[%add3A_34] : memref<323584xi32, #tpu.memory_space<hbm>> -> memref<128xi32, #tpu.memory_space<hbm>>
        %dma_start3A_40 = tpu.memref_slice %arg3[%add3A_34] : memref<323584xi32, #tpu.memory_space<hbm>> -> memref<128xi32, #tpu.memory_space<hbm>>
        tpu.enqueue_dma source(%dma_start3A_40 : memref<128xi32, #tpu.memory_space<hbm>>) target(%arg7 : memref<128xi32, #tpu.memory_space<vmem>>) target_semaphore(%run_scoped3A : memref<!tpu.dma_semaphore, #tpu.memory_space<semaphore_mem>>)
        %dma_wait3A_41 = tpu.memref_slice %arg3[%add3A_34] : memref<323584xi32, #tpu.memory_space<hbm>> -> memref<128xi32, #tpu.memory_space<hbm>>
        %dma_wait3A_42 = tpu.memref_slice %arg3[%add3A_34] : memref<323584xi32, #tpu.memory_space<hbm>> -> memref<128xi32, #tpu.memory_space<hbm>>
        tpu.wait_dma2 semaphore(%run_scoped3A : memref<!tpu.dma_semaphore, #tpu.memory_space<semaphore_mem>>) src(%dma_wait3A_42 : memref<128xi32, #tpu.memory_space<hbm>>) dst(%arg7 : memref<128xi32, #tpu.memory_space<vmem>>)
        tpu.yield
      }) : () -> ()
      "tpu.region"() ({
        %run_scoped3A = tpu.sem_alloc : memref<!tpu.dma_semaphore, #tpu.memory_space<semaphore_mem>>
        %dma_start3A_39 = tpu.memref_slice %arg4[%add3A_34] : memref<323584xi32, #tpu.memory_space<hbm>> -> memref<128xi32, #tpu.memory_space<hbm>>
        %dma_start3A_40 = tpu.memref_slice %arg4[%add3A_34] : memref<323584xi32, #tpu.memory_space<hbm>> -> memref<128xi32, #tpu.memory_space<hbm>>
        tpu.enqueue_dma source(%dma_start3A_40 : memref<128xi32, #tpu.memory_space<hbm>>) target(%arg8 : memref<128xi32, #tpu.memory_space<vmem>>) target_semaphore(%run_scoped3A : memref<!tpu.dma_semaphore, #tpu.memory_space<semaphore_mem>>)
        %dma_wait3A_41 = tpu.memref_slice %arg4[%add3A_34] : memref<323584xi32, #tpu.memory_space<hbm>> -> memref<128xi32, #tpu.memory_space<hbm>>
        %dma_wait3A_42 = tpu.memref_slice %arg4[%add3A_34] : memref<323584xi32, #tpu.memory_space<hbm>> -> memref<128xi32, #tpu.memory_space<hbm>>
        tpu.wait_dma2 semaphore(%run_scoped3A : memref<!tpu.dma_semaphore, #tpu.memory_space<semaphore_mem>>) src(%dma_wait3A_42 : memref<128xi32, #tpu.memory_space<hbm>>) dst(%arg8 : memref<128xi32, #tpu.memory_space<vmem>>)
        tpu.yield
      }) : () -> ()
      %dma_start3A = arith.constant 0 : i32
      %dma_start3A_35 = arith.constant 0 : i32
      %dma_start3A_36 = tpu.memref_slice %arg2[%dma_start3A, %dma_start3A_35] : memref<10000x128xf32, #tpu.memory_space<hbm>> -> memref<10000x128xf32, #tpu.memory_space<hbm>>
      tpu.enqueue_indirect_dma source(%dma_start3A_36 : memref<10000x128xf32, #tpu.memory_space<hbm>>) target(%arg9 : memref<128x128xf32, #tpu.memory_space<vmem>>) offsets(%arg7 : memref<128xi32, #tpu.memory_space<vmem>>) semaphore(%arg11 : memref<!tpu.dma_semaphore, #tpu.memory_space<semaphore_mem>>)
      %dma_wait3A = arith.constant 0 : i32
      %dma_wait3A_37 = arith.constant 0 : i32
      %dma_wait3A_38 = tpu.memref_slice %arg2[%dma_wait3A, %dma_wait3A_37] : memref<10000x128xf32, #tpu.memory_space<hbm>> -> memref<10000x128xf32, #tpu.memory_space<hbm>>
      tpu.wait_indirect_dma semaphore(%arg11 : memref<!tpu.dma_semaphore, #tpu.memory_space<semaphore_mem>>) src(%dma_wait3A_38 : memref<10000x128xf32, #tpu.memory_space<hbm>>) dst(%arg9 : memref<128x128xf32, #tpu.memory_space<vmem>>)
      "tpu.region"() ({
        %run_scoped3A = tpu.sem_alloc : memref<!tpu.dma_semaphore, #tpu.memory_space<semaphore_mem>>
        %dma_start3A_39 = arith.constant 0 : i32
        %dma_start3A_40 = arith.constant 0 : i32
        %dma_start3A_41 = tpu.memref_slice %arg10[%dma_start3A_39, %dma_start3A_40] : memref<10240x128xf32, #tpu.memory_space<vmem_shared>> -> memref<10240x128xf32, #tpu.memory_space<vmem_shared>>
        tpu.enqueue_indirect_dma source(%arg9 : memref<128x128xf32, #tpu.memory_space<vmem>>) target(%dma_start3A_41 : memref<10240x128xf32, #tpu.memory_space<vmem_shared>>) offsets(%arg8 : memref<128xi32, #tpu.memory_space<vmem>>) semaphore(%run_scoped3A : memref<!tpu.dma_semaphore, #tpu.memory_space<semaphore_mem>>) {add = true}
        %dma_wait3A_42 = arith.constant 0 : i32
        %dma_wait3A_43 = arith.constant 0 : i32
        %dma_wait3A_44 = tpu.memref_slice %arg10[%dma_wait3A_42, %dma_wait3A_43] : memref<10240x128xf32, #tpu.memory_space<vmem_shared>> -> memref<10240x128xf32, #tpu.memory_space<vmem_shared>>
        tpu.wait_indirect_dma semaphore(%run_scoped3A : memref<!tpu.dma_semaphore, #tpu.memory_space<semaphore_mem>>) src(%arg9 : memref<128x128xf32, #tpu.memory_space<vmem>>) dst(%dma_wait3A_44 : memref<10240x128xf32, #tpu.memory_space<vmem_shared>>)
        tpu.yield
      }) : () -> ()
    }
    %scan3A_19 = arith.constant 79 : i32
    %barrier3A_20 = arith.constant 0 : index
    tpu.barrier barrier_id(%barrier3A_20)
    %add3A_21 = arith.constant 0 : i32
    %add3A_22 = arith.addi %mul3A_0, %add3A_21 : i32
    "tpu.region"() ({
      %run_scoped3A = tpu.sem_alloc : memref<!tpu.dma_semaphore, #tpu.memory_space<semaphore_mem>>
      %dma_start3A = arith.constant 0 : i32
      %dma_start3A_31 = tpu.memref_slice %arg6[%arg0, %add3A_22, %dma_start3A] : memref<2x10240x128xf32, #tpu.memory_space<hbm>> -> memref<1x128x128xf32, #tpu.memory_space<hbm>>
      %dma_start3A_32 = tpu.memref_squeeze %dma_start3A_31 : memref<1x128x128xf32, #tpu.memory_space<hbm>> -> memref<128x128xf32, #tpu.memory_space<hbm>>
      %dma_start3A_33 = arith.constant 0 : i32
      %dma_start3A_34 = tpu.memref_slice %arg10[%add3A_22, %dma_start3A_33] : memref<10240x128xf32, #tpu.memory_space<vmem_shared>> -> memref<128x128xf32, #tpu.memory_space<vmem_shared>>
      tpu.enqueue_dma source(%dma_start3A_34 : memref<128x128xf32, #tpu.memory_space<vmem_shared>>) target(%dma_start3A_32 : memref<128x128xf32, #tpu.memory_space<hbm>>) target_semaphore(%run_scoped3A : memref<!tpu.dma_semaphore, #tpu.memory_space<semaphore_mem>>)
      %dma_wait3A = arith.constant 0 : i32
      %dma_wait3A_35 = tpu.memref_slice %arg6[%arg0, %add3A_22, %dma_wait3A] : memref<2x10240x128xf32, #tpu.memory_space<hbm>> -> memref<1x128x128xf32, #tpu.memory_space<hbm>>
      %dma_wait3A_36 = tpu.memref_squeeze %dma_wait3A_35 : memref<1x128x128xf32, #tpu.memory_space<hbm>> -> memref<128x128xf32, #tpu.memory_space<hbm>>
      %dma_wait3A_37 = arith.constant 0 : i32
      %dma_wait3A_38 = tpu.memref_slice %arg10[%add3A_22, %dma_wait3A_37] : memref<10240x128xf32, #tpu.memory_space<vmem_shared>> -> memref<128x128xf32, #tpu.memory_space<vmem_shared>>
      tpu.wait_dma2 semaphore(%run_scoped3A : memref<!tpu.dma_semaphore, #tpu.memory_space<semaphore_mem>>) src(%dma_wait3A_38 : memref<128x128xf32, #tpu.memory_space<vmem_shared>>) dst(%dma_wait3A_36 : memref<128x128xf32, #tpu.memory_space<hbm>>)
      tpu.yield
    }) : () -> ()
    %add3A_23 = arith.constant 128 : i32
    %add3A_24 = arith.addi %mul3A_0, %add3A_23 : i32
    "tpu.region"() ({
      %run_scoped3A = tpu.sem_alloc : memref<!tpu.dma_semaphore, #tpu.memory_space<semaphore_mem>>
      %dma_start3A = arith.constant 0 : i32
      %dma_start3A_31 = tpu.memref_slice %arg6[%arg0, %add3A_24, %dma_start3A] : memref<2x10240x128xf32, #tpu.memory_space<hbm>> -> memref<1x128x128xf32, #tpu.memory_space<hbm>>
      %dma_start3A_32 = tpu.memref_squeeze %dma_start3A_31 : memref<1x128x128xf32, #tpu.memory_space<hbm>> -> memref<128x128xf32, #tpu.memory_space<hbm>>
      %dma_start3A_33 = arith.constant 0 : i32
      %dma_start3A_34 = tpu.memref_slice %arg10[%add3A_24, %dma_start3A_33] : memref<10240x128xf32, #tpu.memory_space<vmem_shared>> -> memref<128x128xf32, #tpu.memory_space<vmem_shared>>
      tpu.enqueue_dma source(%dma_start3A_34 : memref<128x128xf32, #tpu.memory_space<vmem_shared>>) target(%dma_start3A_32 : memref<128x128xf32, #tpu.memory_space<hbm>>) target_semaphore(%run_scoped3A : memref<!tpu.dma_semaphore, #tpu.memory_space<semaphore_mem>>)
      %dma_wait3A = arith.constant 0 : i32
      %dma_wait3A_35 = tpu.memref_slice %arg6[%arg0, %add3A_24, %dma_wait3A] : memref<2x10240x128xf32, #tpu.memory_space<hbm>> -> memref<1x128x128xf32, #tpu.memory_space<hbm>>
      %dma_wait3A_36 = tpu.memref_squeeze %dma_wait3A_35 : memref<1x128x128xf32, #tpu.memory_space<hbm>> -> memref<128x128xf32, #tpu.memory_space<hbm>>
      %dma_wait3A_37 = arith.constant 0 : i32
      %dma_wait3A_38 = tpu.memref_slice %arg10[%add3A_24, %dma_wait3A_37] : memref<10240x128xf32, #tpu.memory_space<vmem_shared>> -> memref<128x128xf32, #tpu.memory_space<vmem_shared>>
      tpu.wait_dma2 semaphore(%run_scoped3A : memref<!tpu.dma_semaphore, #tpu.memory_space<semaphore_mem>>) src(%dma_wait3A_38 : memref<128x128xf32, #tpu.memory_space<vmem_shared>>) dst(%dma_wait3A_36 : memref<128x128xf32, #tpu.memory_space<hbm>>)
      tpu.yield
    }) : () -> ()
    %add3A_25 = arith.constant 256 : i32
    %add3A_26 = arith.addi %mul3A_0, %add3A_25 : i32
    "tpu.region"() ({
      %run_scoped3A = tpu.sem_alloc : memref<!tpu.dma_semaphore, #tpu.memory_space<semaphore_mem>>
      %dma_start3A = arith.constant 0 : i32
      %dma_start3A_31 = tpu.memref_slice %arg6[%arg0, %add3A_26, %dma_start3A] : memref<2x10240x128xf32, #tpu.memory_space<hbm>> -> memref<1x128x128xf32, #tpu.memory_space<hbm>>
      %dma_start3A_32 = tpu.memref_squeeze %dma_start3A_31 : memref<1x128x128xf32, #tpu.memory_space<hbm>> -> memref<128x128xf32, #tpu.memory_space<hbm>>
      %dma_start3A_33 = arith.constant 0 : i32
      %dma_start3A_34 = tpu.memref_slice %arg10[%add3A_26, %dma_start3A_33] : memref<10240x128xf32, #tpu.memory_space<vmem_shared>> -> memref<128x128xf32, #tpu.memory_space<vmem_shared>>
      tpu.enqueue_dma source(%dma_start3A_34 : memref<128x128xf32, #tpu.memory_space<vmem_shared>>) target(%dma_start3A_32 : memref<128x128xf32, #tpu.memory_space<hbm>>) target_semaphore(%run_scoped3A : memref<!tpu.dma_semaphore, #tpu.memory_space<semaphore_mem>>)
      %dma_wait3A = arith.constant 0 : i32
      %dma_wait3A_35 = tpu.memref_slice %arg6[%arg0, %add3A_26, %dma_wait3A] : memref<2x10240x128xf32, #tpu.memory_space<hbm>> -> memref<1x128x128xf32, #tpu.memory_space<hbm>>
      %dma_wait3A_36 = tpu.memref_squeeze %dma_wait3A_35 : memref<1x128x128xf32, #tpu.memory_space<hbm>> -> memref<128x128xf32, #tpu.memory_space<hbm>>
      %dma_wait3A_37 = arith.constant 0 : i32
      %dma_wait3A_38 = tpu.memref_slice %arg10[%add3A_26, %dma_wait3A_37] : memref<10240x128xf32, #tpu.memory_space<vmem_shared>> -> memref<128x128xf32, #tpu.memory_space<vmem_shared>>
      tpu.wait_dma2 semaphore(%run_scoped3A : memref<!tpu.dma_semaphore, #tpu.memory_space<semaphore_mem>>) src(%dma_wait3A_38 : memref<128x128xf32, #tpu.memory_space<vmem_shared>>) dst(%dma_wait3A_36 : memref<128x128xf32, #tpu.memory_space<hbm>>)
      tpu.yield
    }) : () -> ()
    %add3A_27 = arith.constant 384 : i32
    %add3A_28 = arith.addi %mul3A_0, %add3A_27 : i32
    "tpu.region"() ({
      %run_scoped3A = tpu.sem_alloc : memref<!tpu.dma_semaphore, #tpu.memory_space<semaphore_mem>>
      %dma_start3A = arith.constant 0 : i32
      %dma_start3A_31 = tpu.memref_slice %arg6[%arg0, %add3A_28, %dma_start3A] : memref<2x10240x128xf32, #tpu.memory_space<hbm>> -> memref<1x128x128xf32, #tpu.memory_space<hbm>>
      %dma_start3A_32 = tpu.memref_squeeze %dma_start3A_31 : memref<1x128x128xf32, #tpu.memory_space<hbm>> -> memref<128x128xf32, #tpu.memory_space<hbm>>
      %dma_start3A_33 = arith.constant 0 : i32
      %dma_start3A_34 = tpu.memref_slice %arg10[%add3A_28, %dma_start3A_33] : memref<10240x128xf32, #tpu.memory_space<vmem_shared>> -> memref<128x128xf32, #tpu.memory_space<vmem_shared>>
      tpu.enqueue_dma source(%dma_start3A_34 : memref<128x128xf32, #tpu.memory_space<vmem_shared>>) target(%dma_start3A_32 : memref<128x128xf32, #tpu.memory_space<hbm>>) target_semaphore(%run_scoped3A : memref<!tpu.dma_semaphore, #tpu.memory_space<semaphore_mem>>)
      %dma_wait3A = arith.constant 0 : i32
      %dma_wait3A_35 = tpu.memref_slice %arg6[%arg0, %add3A_28, %dma_wait3A] : memref<2x10240x128xf32, #tpu.memory_space<hbm>> -> memref<1x128x128xf32, #tpu.memory_space<hbm>>
      %dma_wait3A_36 = tpu.memref_squeeze %dma_wait3A_35 : memref<1x128x128xf32, #tpu.memory_space<hbm>> -> memref<128x128xf32, #tpu.memory_space<hbm>>
      %dma_wait3A_37 = arith.constant 0 : i32
      %dma_wait3A_38 = tpu.memref_slice %arg10[%add3A_28, %dma_wait3A_37] : memref<10240x128xf32, #tpu.memory_space<vmem_shared>> -> memref<128x128xf32, #tpu.memory_space<vmem_shared>>
      tpu.wait_dma2 semaphore(%run_scoped3A : memref<!tpu.dma_semaphore, #tpu.memory_space<semaphore_mem>>) src(%dma_wait3A_38 : memref<128x128xf32, #tpu.memory_space<vmem_shared>>) dst(%dma_wait3A_36 : memref<128x128xf32, #tpu.memory_space<hbm>>)
      tpu.yield
    }) : () -> ()
    %add3A_29 = arith.constant 512 : i32
    %add3A_30 = arith.addi %mul3A_0, %add3A_29 : i32
    "tpu.region"() ({
      %run_scoped3A = tpu.sem_alloc : memref<!tpu.dma_semaphore, #tpu.memory_space<semaphore_mem>>
      %dma_start3A = arith.constant 0 : i32
      %dma_start3A_31 = tpu.memref_slice %arg6[%arg0, %add3A_30, %dma_start3A] : memref<2x10240x128xf32, #tpu.memory_space<hbm>> -> memref<1x128x128xf32, #tpu.memory_space<hbm>>
      %dma_start3A_32 = tpu.memref_squeeze %dma_start3A_31 : memref<1x128x128xf32, #tpu.memory_space<hbm>> -> memref<128x128xf32, #tpu.memory_space<hbm>>
      %dma_start3A_33 = arith.constant 0 : i32
      %dma_start3A_34 = tpu.memref_slice %arg10[%add3A_30, %dma_start3A_33] : memref<10240x128xf32, #tpu.memory_space<vmem_shared>> -> memref<128x128xf32, #tpu.memory_space<vmem_shared>>
      tpu.enqueue_dma source(%dma_start3A_34 : memref<128x128xf32, #tpu.memory_space<vmem_shared>>) target(%dma_start3A_32 : memref<128x128xf32, #tpu.memory_space<hbm>>) target_semaphore(%run_scoped3A : memref<!tpu.dma_semaphore, #tpu.memory_space<semaphore_mem>>)
      %dma_wait3A = arith.constant 0 : i32
      %dma_wait3A_35 = tpu.memref_slice %arg6[%arg0, %add3A_30, %dma_wait3A] : memref<2x10240x128xf32, #tpu.memory_space<hbm>> -> memref<1x128x128xf32, #tpu.memory_space<hbm>>
      %dma_wait3A_36 = tpu.memref_squeeze %dma_wait3A_35 : memref<1x128x128xf32, #tpu.memory_space<hbm>> -> memref<128x128xf32, #tpu.memory_space<hbm>>
      %dma_wait3A_37 = arith.constant 0 : i32
      %dma_wait3A_38 = tpu.memref_slice %arg10[%add3A_30, %dma_wait3A_37] : memref<10240x128xf32, #tpu.memory_space<vmem_shared>> -> memref<128x128xf32, #tpu.memory_space<vmem_shared>>
      tpu.wait_dma2 semaphore(%run_scoped3A : memref<!tpu.dma_semaphore, #tpu.memory_space<semaphore_mem>>) src(%dma_wait3A_38 : memref<128x128xf32, #tpu.memory_space<vmem_shared>>) dst(%dma_wait3A_36 : memref<128x128xf32, #tpu.memory_space<hbm>>)
      tpu.yield
    }) : () -> ()
    return
  }
}

module attributes {stable_mosaic.version = 14 : i64} {
  func.func @body(%arg0: i32, %arg1: memref<1000x128xf32, #tpu.memory_space<vmem>>, %arg2: memref<1000x128xf32, #tpu.memory_space<vmem>>, %arg3: memref<1000x128xf32, #tpu.memory_space<vmem>>, %arg4: memref<1000x1xf32, #tpu.memory_space<vmem>>, %arg5: memref<1000x1xf32, #tpu.memory_space<vmem>>, %arg6: memref<128x256xf32, #tpu.memory_space<vmem>>, %arg7: memref<128x256xf32, #tpu.memory_space<vmem>>, %arg8: memref<1x256xf32, #tpu.memory_space<vmem>>, %arg9: memref<1000x128xf32, #tpu.memory_space<vmem>>, %arg10: memref<1000x128xf32, #tpu.memory_space<vmem>>) attributes {dimension_semantics = [#tpu.dimension_semantics<arbitrary>], iteration_bounds = array<i64: 10>, scalar_prefetch = 0 : i64, scratch_operands = 0 : i64, tpu.core_type = #tpu.core_type<tc>, window_params = [{transform_indices = @transform_0, window_bounds = array<i64: 1000, 128>}, {transform_indices = @transform_1, window_bounds = array<i64: 1000, 128>}, {transform_indices = @transform_2, window_bounds = array<i64: 1000, 128>}, {transform_indices = @transform_3, window_bounds = array<i64: 1000, 1>}, {transform_indices = @transform_4, window_bounds = array<i64: 1000, 1>}, {pipeline_mode = #tpu.pipeline_mode<synchronous>, transform_indices = @transform_5, window_bounds = array<i64: 128, 256>}, {pipeline_mode = #tpu.pipeline_mode<synchronous>, transform_indices = @transform_6, window_bounds = array<i64: 128, 256>}, {pipeline_mode = #tpu.pipeline_mode<synchronous>, transform_indices = @transform_7, window_bounds = array<i64: 1, 256>}, {transform_indices = @transform_8, window_bounds = array<i64: 1000, 128>}, {transform_indices = @transform_9, window_bounds = array<i64: 1000, 128>}]} {
    %get3A = arith.constant 0 : index
    %get3A_0 = arith.constant 0 : index
    %get3A_1 = vector.load %arg4[%get3A, %get3A_0] : memref<1000x1xf32, #tpu.memory_space<vmem>>, vector<1000x1xf32>
    %get3A_2 = arith.constant 0 : index
    %get3A_3 = arith.constant 0 : index
    %get3A_4 = vector.load %arg5[%get3A_2, %get3A_3] : memref<1000x1xf32, #tpu.memory_space<vmem>>, vector<1000x1xf32>
    %add3A = arith.addf %get3A_1, %get3A_4 : vector<1000x1xf32>
    %max3A = arith.constant 1.000000e+00 : f32
    %max3A_5 = vector.broadcast %max3A : f32 to vector<1000x1xf32>
    %max3A_6 = arith.maximumf %add3A, %max3A_5 : vector<1000x1xf32>
    %div3A = arith.constant 1.000000e+00 : f32
    %div3A_7 = vector.broadcast %div3A : f32 to vector<1000x1xf32>
    %div3A_8 = arith.divf %div3A_7, %max3A_6 : vector<1000x1xf32>
    %get3A_9 = arith.constant 0 : index
    %get3A_10 = arith.constant 0 : index
    %get3A_11 = vector.load %arg2[%get3A_9, %get3A_10] : memref<1000x128xf32, #tpu.memory_space<vmem>>, vector<1000x128xf32>
    %get3A_12 = arith.constant 0 : index
    %get3A_13 = arith.constant 0 : index
    %get3A_14 = vector.load %arg3[%get3A_12, %get3A_13] : memref<1000x128xf32, #tpu.memory_space<vmem>>, vector<1000x128xf32>
    %add3A_15 = arith.addf %get3A_11, %get3A_14 : vector<1000x128xf32>
    %mul3A = vector.broadcast %div3A_8 : vector<1000x1xf32> to vector<1000x128xf32>
    %mul3A_16 = arith.mulf %add3A_15, %mul3A : vector<1000x128xf32>
    %get3A_17 = arith.constant 0 : index
    %get3A_18 = arith.constant 0 : index
    %get3A_19 = vector.load %arg1[%get3A_17, %get3A_18] : memref<1000x128xf32, #tpu.memory_space<vmem>>, vector<1000x128xf32>
    %get3A_20 = arith.constant 0 : index
    %get3A_21 = arith.constant 0 : index
    %get3A_22 = vector.load %arg6[%get3A_20, %get3A_21] : memref<128x256xf32, #tpu.memory_space<vmem>>, vector<128x256xf32>
    %dot_general3A = arith.constant dense<0.000000e+00> : vector<1000x256xf32>
    %dot_general3A_23 = tpu.matmul %get3A_19, %get3A_22, %dot_general3A {dimension_numbers = #tpu.dot_dimension_numbers<[1], [0], [0], [1], [0, 0, 1, 1], [], []>, transpose_lhs_hint = false} : vector<1000x128xf32>, vector<128x256xf32>, vector<1000x256xf32> -> vector<1000x256xf32>
    %get3A_24 = arith.constant 0 : index
    %get3A_25 = arith.constant 0 : index
    %get3A_26 = vector.load %arg7[%get3A_24, %get3A_25] : memref<128x256xf32, #tpu.memory_space<vmem>>, vector<128x256xf32>
    %dot_general3A_27 = arith.constant dense<0.000000e+00> : vector<1000x256xf32>
    %dot_general3A_28 = tpu.matmul %mul3A_16, %get3A_26, %dot_general3A_27 {dimension_numbers = #tpu.dot_dimension_numbers<[1], [0], [0], [1], [0, 0, 1, 1], [], []>, transpose_lhs_hint = false} : vector<1000x128xf32>, vector<128x256xf32>, vector<1000x256xf32> -> vector<1000x256xf32>
    %add3A_29 = arith.addf %dot_general3A_23, %dot_general3A_28 : vector<1000x256xf32>
    %get3A_30 = arith.constant 0 : index
    %get3A_31 = arith.constant 0 : index
    %get3A_32 = vector.load %arg8[%get3A_30, %get3A_31] : memref<1x256xf32, #tpu.memory_space<vmem>>, vector<1x256xf32>
    %add3A_33 = vector.broadcast %get3A_32 : vector<1x256xf32> to vector<1000x256xf32>
    %add3A_34 = arith.addf %add3A_29, %add3A_33 : vector<1000x256xf32>
    %max3A_35 = arith.constant 0.000000e+00 : f32
    %max3A_36 = vector.broadcast %max3A_35 : f32 to vector<1000x256xf32>
    %max3A_37 = arith.maximumf %add3A_34, %max3A_36 : vector<1000x256xf32>
    %slice3A = vector.extract_strided_slice %max3A_37 {offsets = [0, 0], sizes = [1000, 128], strides = [1, 1]} : vector<1000x256xf32> to vector<1000x128xf32>
    %swap3A = arith.constant 0 : index
    %swap3A_38 = arith.constant 0 : index
    %swap3A_39 = vector.load %arg9[%swap3A, %swap3A_38] : memref<1000x128xf32, #tpu.memory_space<vmem>>, vector<1000x128xf32>
    tpu.vector_store %arg9[%swap3A, %swap3A_38], %slice3A {strides = array<i32>} : memref<1000x128xf32, #tpu.memory_space<vmem>>, vector<1000x128xf32>,
    %slice3A_40 = vector.extract_strided_slice %max3A_37 {offsets = [0, 128], sizes = [1000, 128], strides = [1, 1]} : vector<1000x256xf32> to vector<1000x128xf32>
    %swap3A_41 = arith.constant 0 : index
    %swap3A_42 = arith.constant 0 : index
    %swap3A_43 = vector.load %arg10[%swap3A_41, %swap3A_42] : memref<1000x128xf32, #tpu.memory_space<vmem>>, vector<1000x128xf32>
    tpu.vector_store %arg10[%swap3A_41, %swap3A_42], %slice3A_40 {strides = array<i32>} : memref<1000x128xf32, #tpu.memory_space<vmem>>, vector<1000x128xf32>,
    return
  }
  func.func @transform_0(%arg0: i32) -> (i32, i32) {
    %c0_i32 = arith.constant 0 : i32
    %c0_i32_0 = arith.constant 0 : i32
    return %arg0, %c0_i32 : i32, i32
  }
  func.func @transform_1(%arg0: i32) -> (i32, i32) {
    %c0_i32 = arith.constant 0 : i32
    %c0_i32_0 = arith.constant 0 : i32
    return %arg0, %c0_i32 : i32, i32
  }
  func.func @transform_2(%arg0: i32) -> (i32, i32) {
    %c0_i32 = arith.constant 0 : i32
    %c0_i32_0 = arith.constant 0 : i32
    return %arg0, %c0_i32 : i32, i32
  }
  func.func @transform_3(%arg0: i32) -> (i32, i32) {
    %c0_i32 = arith.constant 0 : i32
    %c0_i32_0 = arith.constant 0 : i32
    return %arg0, %c0_i32 : i32, i32
  }
  func.func @transform_4(%arg0: i32) -> (i32, i32) {
    %c0_i32 = arith.constant 0 : i32
    %c0_i32_0 = arith.constant 0 : i32
    return %arg0, %c0_i32 : i32, i32
  }
  func.func @transform_5(%arg0: i32) -> (i32, i32) {
    %c0_i32 = arith.constant 0 : i32
    %c0_i32_0 = arith.constant 0 : i32
    %c0_i32_1 = arith.constant 0 : i32
    return %c0_i32, %c0_i32_0 : i32, i32
  }
  func.func @transform_6(%arg0: i32) -> (i32, i32) {
    %c0_i32 = arith.constant 0 : i32
    %c0_i32_0 = arith.constant 0 : i32
    %c0_i32_1 = arith.constant 0 : i32
    return %c0_i32, %c0_i32_0 : i32, i32
  }
  func.func @transform_7(%arg0: i32) -> (i32, i32) {
    %c0_i32 = arith.constant 0 : i32
    %c0_i32_0 = arith.constant 0 : i32
    %c0_i32_1 = arith.constant 0 : i32
    return %c0_i32, %c0_i32_0 : i32, i32
  }
  func.func @transform_8(%arg0: i32) -> (i32, i32) {
    %c0_i32 = arith.constant 0 : i32
    %c0_i32_0 = arith.constant 0 : i32
    return %arg0, %c0_i32 : i32, i32
  }
  func.func @transform_9(%arg0: i32) -> (i32, i32) {
    %c0_i32 = arith.constant 0 : i32
    %c0_i32_0 = arith.constant 0 : i32
    return %arg0, %c0_i32 : i32, i32
  }
}

module attributes {stable_mosaic.version = 14 : i64} {
  func.func @body(%arg0: i32, %arg1: memref<1000x128xf32, #tpu.memory_space<vmem>>, %arg2: memref<1000x128xf32, #tpu.memory_space<vmem>>, %arg3: memref<1000x128xf32, #tpu.memory_space<vmem>>, %arg4: memref<1000x128xf32, #tpu.memory_space<vmem>>, %arg5: memref<1000x128xf32, #tpu.memory_space<vmem>>, %arg6: memref<1000x128xf32, #tpu.memory_space<vmem>>, %arg7: memref<1000x1xf32, #tpu.memory_space<vmem>>, %arg8: memref<1000x1xf32, #tpu.memory_space<vmem>>, %arg9: memref<128x256xf32, #tpu.memory_space<vmem>>, %arg10: memref<128x256xf32, #tpu.memory_space<vmem>>, %arg11: memref<128x256xf32, #tpu.memory_space<vmem>>, %arg12: memref<128x256xf32, #tpu.memory_space<vmem>>, %arg13: memref<1x256xf32, #tpu.memory_space<vmem>>, %arg14: memref<256x128xf32, #tpu.memory_space<vmem>>, %arg15: memref<1000x256xf32, #tpu.memory_space<vmem>>, %arg16: memref<1000x128xf32, #tpu.memory_space<vmem>>) attributes {dimension_semantics = [#tpu.dimension_semantics<arbitrary>], iteration_bounds = array<i64: 10>, scalar_prefetch = 0 : i64, scratch_operands = 0 : i64, tpu.core_type = #tpu.core_type<tc>, window_params = [{transform_indices = @transform_0, window_bounds = array<i64: 1000, 128>}, {transform_indices = @transform_1, window_bounds = array<i64: 1000, 128>}, {transform_indices = @transform_2, window_bounds = array<i64: 1000, 128>}, {transform_indices = @transform_3, window_bounds = array<i64: 1000, 128>}, {transform_indices = @transform_4, window_bounds = array<i64: 1000, 128>}, {transform_indices = @transform_5, window_bounds = array<i64: 1000, 128>}, {transform_indices = @transform_6, window_bounds = array<i64: 1000, 1>}, {transform_indices = @transform_7, window_bounds = array<i64: 1000, 1>}, {pipeline_mode = #tpu.pipeline_mode<synchronous>, transform_indices = @transform_8, window_bounds = array<i64: 128, 256>}, {pipeline_mode = #tpu.pipeline_mode<synchronous>, transform_indices = @transform_9, window_bounds = array<i64: 128, 256>}, {pipeline_mode = #tpu.pipeline_mode<synchronous>, transform_indices = @transform_10, window_bounds = array<i64: 128, 256>}, {pipeline_mode = #tpu.pipeline_mode<synchronous>, transform_indices = @transform_11, window_bounds = array<i64: 128, 256>}, {pipeline_mode = #tpu.pipeline_mode<synchronous>, transform_indices = @transform_12, window_bounds = array<i64: 1, 256>}, {pipeline_mode = #tpu.pipeline_mode<synchronous>, transform_indices = @transform_13, window_bounds = array<i64: 256, 128>}, {transform_indices = @transform_14, window_bounds = array<i64: 1000, 256>}, {transform_indices = @transform_15, window_bounds = array<i64: 1000, 128>}]} {
    %get3A = arith.constant 0 : index
    %get3A_0 = arith.constant 0 : index
    %get3A_1 = vector.load %arg7[%get3A, %get3A_0] : memref<1000x1xf32, #tpu.memory_space<vmem>>, vector<1000x1xf32>
    %get3A_2 = arith.constant 0 : index
    %get3A_3 = arith.constant 0 : index
    %get3A_4 = vector.load %arg8[%get3A_2, %get3A_3] : memref<1000x1xf32, #tpu.memory_space<vmem>>, vector<1000x1xf32>
    %add3A = arith.addf %get3A_1, %get3A_4 : vector<1000x1xf32>
    %max3A = arith.constant 1.000000e+00 : f32
    %max3A_5 = vector.broadcast %max3A : f32 to vector<1000x1xf32>
    %max3A_6 = arith.maximumf %add3A, %max3A_5 : vector<1000x1xf32>
    %div3A = arith.constant 1.000000e+00 : f32
    %div3A_7 = vector.broadcast %div3A : f32 to vector<1000x1xf32>
    %div3A_8 = arith.divf %div3A_7, %max3A_6 : vector<1000x1xf32>
    %get3A_9 = arith.constant 0 : index
    %get3A_10 = arith.constant 0 : index
    %get3A_11 = vector.load %arg3[%get3A_9, %get3A_10] : memref<1000x128xf32, #tpu.memory_space<vmem>>, vector<1000x128xf32>
    %get3A_12 = arith.constant 0 : index
    %get3A_13 = arith.constant 0 : index
    %get3A_14 = vector.load %arg4[%get3A_12, %get3A_13] : memref<1000x128xf32, #tpu.memory_space<vmem>>, vector<1000x128xf32>
    %add3A_15 = arith.addf %get3A_11, %get3A_14 : vector<1000x128xf32>
    %mul3A = vector.broadcast %div3A_8 : vector<1000x1xf32> to vector<1000x128xf32>
    %mul3A_16 = arith.mulf %add3A_15, %mul3A : vector<1000x128xf32>
    %get3A_17 = arith.constant 0 : index
    %get3A_18 = arith.constant 0 : index
    %get3A_19 = vector.load %arg5[%get3A_17, %get3A_18] : memref<1000x128xf32, #tpu.memory_space<vmem>>, vector<1000x128xf32>
    %get3A_20 = arith.constant 0 : index
    %get3A_21 = arith.constant 0 : index
    %get3A_22 = vector.load %arg6[%get3A_20, %get3A_21] : memref<1000x128xf32, #tpu.memory_space<vmem>>, vector<1000x128xf32>
    %add3A_23 = arith.addf %get3A_19, %get3A_22 : vector<1000x128xf32>
    %mul3A_24 = vector.broadcast %div3A_8 : vector<1000x1xf32> to vector<1000x128xf32>
    %mul3A_25 = arith.mulf %add3A_23, %mul3A_24 : vector<1000x128xf32>
    %get3A_26 = arith.constant 0 : index
    %get3A_27 = arith.constant 0 : index
    %get3A_28 = vector.load %arg1[%get3A_26, %get3A_27] : memref<1000x128xf32, #tpu.memory_space<vmem>>, vector<1000x128xf32>
    %get3A_29 = arith.constant 0 : index
    %get3A_30 = arith.constant 0 : index
    %get3A_31 = vector.load %arg9[%get3A_29, %get3A_30] : memref<128x256xf32, #tpu.memory_space<vmem>>, vector<128x256xf32>
    %dot_general3A = arith.constant dense<0.000000e+00> : vector<1000x256xf32>
    %dot_general3A_32 = tpu.matmul %get3A_28, %get3A_31, %dot_general3A {dimension_numbers = #tpu.dot_dimension_numbers<[1], [0], [0], [1], [0, 0, 1, 1], [], []>, transpose_lhs_hint = false} : vector<1000x128xf32>, vector<128x256xf32>, vector<1000x256xf32> -> vector<1000x256xf32>
    %get3A_33 = arith.constant 0 : index
    %get3A_34 = arith.constant 0 : index
    %get3A_35 = vector.load %arg2[%get3A_33, %get3A_34] : memref<1000x128xf32, #tpu.memory_space<vmem>>, vector<1000x128xf32>
    %get3A_36 = arith.constant 0 : index
    %get3A_37 = arith.constant 0 : index
    %get3A_38 = vector.load %arg10[%get3A_36, %get3A_37] : memref<128x256xf32, #tpu.memory_space<vmem>>, vector<128x256xf32>
    %dot_general3A_39 = arith.constant dense<0.000000e+00> : vector<1000x256xf32>
    %dot_general3A_40 = tpu.matmul %get3A_35, %get3A_38, %dot_general3A_39 {dimension_numbers = #tpu.dot_dimension_numbers<[1], [0], [0], [1], [0, 0, 1, 1], [], []>, transpose_lhs_hint = false} : vector<1000x128xf32>, vector<128x256xf32>, vector<1000x256xf32> -> vector<1000x256xf32>
    %add3A_41 = arith.addf %dot_general3A_32, %dot_general3A_40 : vector<1000x256xf32>
    %get3A_42 = arith.constant 0 : index
    %get3A_43 = arith.constant 0 : index
    %get3A_44 = vector.load %arg11[%get3A_42, %get3A_43] : memref<128x256xf32, #tpu.memory_space<vmem>>, vector<128x256xf32>
    %dot_general3A_45 = arith.constant dense<0.000000e+00> : vector<1000x256xf32>
    %dot_general3A_46 = tpu.matmul %mul3A_16, %get3A_44, %dot_general3A_45 {dimension_numbers = #tpu.dot_dimension_numbers<[1], [0], [0], [1], [0, 0, 1, 1], [], []>, transpose_lhs_hint = false} : vector<1000x128xf32>, vector<128x256xf32>, vector<1000x256xf32> -> vector<1000x256xf32>
    %add3A_47 = arith.addf %add3A_41, %dot_general3A_46 : vector<1000x256xf32>
    %get3A_48 = arith.constant 0 : index
    %get3A_49 = arith.constant 0 : index
    %get3A_50 = vector.load %arg12[%get3A_48, %get3A_49] : memref<128x256xf32, #tpu.memory_space<vmem>>, vector<128x256xf32>
    %dot_general3A_51 = arith.constant dense<0.000000e+00> : vector<1000x256xf32>
    %dot_general3A_52 = tpu.matmul %mul3A_25, %get3A_50, %dot_general3A_51 {dimension_numbers = #tpu.dot_dimension_numbers<[1], [0], [0], [1], [0, 0, 1, 1], [], []>, transpose_lhs_hint = false} : vector<1000x128xf32>, vector<128x256xf32>, vector<1000x256xf32> -> vector<1000x256xf32>
    %add3A_53 = arith.addf %add3A_47, %dot_general3A_52 : vector<1000x256xf32>
    %get3A_54 = arith.constant 0 : index
    %get3A_55 = arith.constant 0 : index
    %get3A_56 = vector.load %arg13[%get3A_54, %get3A_55] : memref<1x256xf32, #tpu.memory_space<vmem>>, vector<1x256xf32>
    %add3A_57 = vector.broadcast %get3A_56 : vector<1x256xf32> to vector<1000x256xf32>
    %add3A_58 = arith.addf %add3A_53, %add3A_57 : vector<1000x256xf32>
    %max3A_59 = arith.constant 0.000000e+00 : f32
    %max3A_60 = vector.broadcast %max3A_59 : f32 to vector<1000x256xf32>
    %max3A_61 = arith.maximumf %add3A_58, %max3A_60 : vector<1000x256xf32>
    %swap3A = arith.constant 0 : index
    %swap3A_62 = arith.constant 0 : index
    %swap3A_63 = vector.load %arg15[%swap3A, %swap3A_62] : memref<1000x256xf32, #tpu.memory_space<vmem>>, vector<1000x256xf32>
    tpu.vector_store %arg15[%swap3A, %swap3A_62], %max3A_61 {strides = array<i32>} : memref<1000x256xf32, #tpu.memory_space<vmem>>, vector<1000x256xf32>,
    %get3A_64 = arith.constant 0 : index
    %get3A_65 = arith.constant 0 : index
    %get3A_66 = vector.load %arg14[%get3A_64, %get3A_65] : memref<256x128xf32, #tpu.memory_space<vmem>>, vector<256x128xf32>
    %dot_general3A_67 = arith.constant dense<0.000000e+00> : vector<1000x128xf32>
    %dot_general3A_68 = tpu.matmul %max3A_61, %get3A_66, %dot_general3A_67 {dimension_numbers = #tpu.dot_dimension_numbers<[1], [0], [0], [1], [0, 0, 1, 1], [], []>, transpose_lhs_hint = false} : vector<1000x256xf32>, vector<256x128xf32>, vector<1000x128xf32> -> vector<1000x128xf32>
    %swap3A_69 = arith.constant 0 : index
    %swap3A_70 = arith.constant 0 : index
    %swap3A_71 = vector.load %arg16[%swap3A_69, %swap3A_70] : memref<1000x128xf32, #tpu.memory_space<vmem>>, vector<1000x128xf32>
    tpu.vector_store %arg16[%swap3A_69, %swap3A_70], %dot_general3A_68 {strides = array<i32>} : memref<1000x128xf32, #tpu.memory_space<vmem>>, vector<1000x128xf32>,
    return
  }
  func.func @transform_0(%arg0: i32) -> (i32, i32) {
    %c0_i32 = arith.constant 0 : i32
    %c0_i32_0 = arith.constant 0 : i32
    return %arg0, %c0_i32 : i32, i32
  }
  func.func @transform_1(%arg0: i32) -> (i32, i32) {
    %c0_i32 = arith.constant 0 : i32
    %c0_i32_0 = arith.constant 0 : i32
    return %arg0, %c0_i32 : i32, i32
  }
  func.func @transform_2(%arg0: i32) -> (i32, i32) {
    %c0_i32 = arith.constant 0 : i32
    %c0_i32_0 = arith.constant 0 : i32
    return %arg0, %c0_i32 : i32, i32
  }
  func.func @transform_3(%arg0: i32) -> (i32, i32) {
    %c0_i32 = arith.constant 0 : i32
    %c0_i32_0 = arith.constant 0 : i32
    return %arg0, %c0_i32 : i32, i32
  }
  func.func @transform_4(%arg0: i32) -> (i32, i32) {
    %c0_i32 = arith.constant 0 : i32
    %c0_i32_0 = arith.constant 0 : i32
    return %arg0, %c0_i32 : i32, i32
  }
  func.func @transform_5(%arg0: i32) -> (i32, i32) {
    %c0_i32 = arith.constant 0 : i32
    %c0_i32_0 = arith.constant 0 : i32
    return %arg0, %c0_i32 : i32, i32
  }
  func.func @transform_6(%arg0: i32) -> (i32, i32) {
    %c0_i32 = arith.constant 0 : i32
    %c0_i32_0 = arith.constant 0 : i32
    return %arg0, %c0_i32 : i32, i32
  }
  func.func @transform_7(%arg0: i32) -> (i32, i32) {
    %c0_i32 = arith.constant 0 : i32
    %c0_i32_0 = arith.constant 0 : i32
    return %arg0, %c0_i32 : i32, i32
  }
  func.func @transform_8(%arg0: i32) -> (i32, i32) {
    %c0_i32 = arith.constant 0 : i32
    %c0_i32_0 = arith.constant 0 : i32
    %c0_i32_1 = arith.constant 0 : i32
    return %c0_i32, %c0_i32_0 : i32, i32
  }
  func.func @transform_9(%arg0: i32) -> (i32, i32) {
    %c0_i32 = arith.constant 0 : i32
    %c0_i32_0 = arith.constant 0 : i32
    %c0_i32_1 = arith.constant 0 : i32
    return %c0_i32, %c0_i32_0 : i32, i32
  }
  func.func @transform_10(%arg0: i32) -> (i32, i32) {
    %c0_i32 = arith.constant 0 : i32
    %c0_i32_0 = arith.constant 0 : i32
    %c0_i32_1 = arith.constant 0 : i32
    return %c0_i32, %c0_i32_0 : i32, i32
  }
  func.func @transform_11(%arg0: i32) -> (i32, i32) {
    %c0_i32 = arith.constant 0 : i32
    %c0_i32_0 = arith.constant 0 : i32
    %c0_i32_1 = arith.constant 0 : i32
    return %c0_i32, %c0_i32_0 : i32, i32
  }
  func.func @transform_12(%arg0: i32) -> (i32, i32) {
    %c0_i32 = arith.constant 0 : i32
    %c0_i32_0 = arith.constant 0 : i32
    %c0_i32_1 = arith.constant 0 : i32
    return %c0_i32, %c0_i32_0 : i32, i32
  }
  func.func @transform_13(%arg0: i32) -> (i32, i32) {
    %c0_i32 = arith.constant 0 : i32
    %c0_i32_0 = arith.constant 0 : i32
    %c0_i32_1 = arith.constant 0 : i32
    return %c0_i32, %c0_i32_0 : i32, i32
  }
  func.func @transform_14(%arg0: i32) -> (i32, i32) {
    %c0_i32 = arith.constant 0 : i32
    %c0_i32_0 = arith.constant 0 : i32
    return %arg0, %c0_i32 : i32, i32
  }
  func.func @transform_15(%arg0: i32) -> (i32, i32) {
    %c0_i32 = arith.constant 0 : i32
    %c0_i32_0 = arith.constant 0 : i32
    return %arg0, %c0_i32 : i32, i32
  }
}

module attributes {stable_mosaic.version = 14 : i64} {
  func.func @body(%arg0: i32, %arg1: memref<1000x256xf32, #tpu.memory_space<vmem>>, %arg2: memref<1000x128xf32, #tpu.memory_space<vmem>>, %arg3: memref<1000x128xf32, #tpu.memory_space<vmem>>, %arg4: memref<1000x1xf32, #tpu.memory_space<vmem>>, %arg5: memref<1000x1xf32, #tpu.memory_space<vmem>>, %arg6: memref<256x128xf32, #tpu.memory_space<vmem>>, %arg7: memref<1x128xf32, #tpu.memory_space<vmem>>, %arg8: memref<1000x128xf32, #tpu.memory_space<vmem>>) attributes {dimension_semantics = [#tpu.dimension_semantics<arbitrary>], iteration_bounds = array<i64: 10>, scalar_prefetch = 0 : i64, scratch_operands = 0 : i64, tpu.core_type = #tpu.core_type<tc>, window_params = [{transform_indices = @transform_0, window_bounds = array<i64: 1000, 256>}, {transform_indices = @transform_1, window_bounds = array<i64: 1000, 128>}, {transform_indices = @transform_2, window_bounds = array<i64: 1000, 128>}, {transform_indices = @transform_3, window_bounds = array<i64: 1000, 1>}, {transform_indices = @transform_4, window_bounds = array<i64: 1000, 1>}, {pipeline_mode = #tpu.pipeline_mode<synchronous>, transform_indices = @transform_5, window_bounds = array<i64: 256, 128>}, {pipeline_mode = #tpu.pipeline_mode<synchronous>, transform_indices = @transform_6, window_bounds = array<i64: 1, 128>}, {transform_indices = @transform_7, window_bounds = array<i64: 1000, 128>}]} {
    %get3A = arith.constant 0 : index
    %get3A_0 = arith.constant 0 : index
    %get3A_1 = vector.load %arg4[%get3A, %get3A_0] : memref<1000x1xf32, #tpu.memory_space<vmem>>, vector<1000x1xf32>
    %get3A_2 = arith.constant 0 : index
    %get3A_3 = arith.constant 0 : index
    %get3A_4 = vector.load %arg5[%get3A_2, %get3A_3] : memref<1000x1xf32, #tpu.memory_space<vmem>>, vector<1000x1xf32>
    %add3A = arith.addf %get3A_1, %get3A_4 : vector<1000x1xf32>
    %max3A = arith.constant 1.000000e+00 : f32
    %max3A_5 = vector.broadcast %max3A : f32 to vector<1000x1xf32>
    %max3A_6 = arith.maximumf %add3A, %max3A_5 : vector<1000x1xf32>
    %div3A = arith.constant 1.000000e+00 : f32
    %div3A_7 = vector.broadcast %div3A : f32 to vector<1000x1xf32>
    %div3A_8 = arith.divf %div3A_7, %max3A_6 : vector<1000x1xf32>
    %get3A_9 = arith.constant 0 : index
    %get3A_10 = arith.constant 0 : index
    %get3A_11 = vector.load %arg2[%get3A_9, %get3A_10] : memref<1000x128xf32, #tpu.memory_space<vmem>>, vector<1000x128xf32>
    %get3A_12 = arith.constant 0 : index
    %get3A_13 = arith.constant 0 : index
    %get3A_14 = vector.load %arg3[%get3A_12, %get3A_13] : memref<1000x128xf32, #tpu.memory_space<vmem>>, vector<1000x128xf32>
    %add3A_15 = arith.addf %get3A_11, %get3A_14 : vector<1000x128xf32>
    %mul3A = vector.broadcast %div3A_8 : vector<1000x1xf32> to vector<1000x128xf32>
    %mul3A_16 = arith.mulf %add3A_15, %mul3A : vector<1000x128xf32>
    %get3A_17 = arith.constant 0 : index
    %get3A_18 = arith.constant 0 : index
    %get3A_19 = vector.load %arg1[%get3A_17, %get3A_18] : memref<1000x256xf32, #tpu.memory_space<vmem>>, vector<1000x256xf32>
    %get3A_20 = arith.constant 0 : index
    %get3A_21 = arith.constant 0 : index
    %get3A_22 = vector.load %arg6[%get3A_20, %get3A_21] : memref<256x128xf32, #tpu.memory_space<vmem>>, vector<256x128xf32>
    %dot_general3A = arith.constant dense<0.000000e+00> : vector<1000x128xf32>
    %dot_general3A_23 = tpu.matmul %get3A_19, %get3A_22, %dot_general3A {dimension_numbers = #tpu.dot_dimension_numbers<[1], [0], [0], [1], [0, 0, 1, 1], [], []>, transpose_lhs_hint = false} : vector<1000x256xf32>, vector<256x128xf32>, vector<1000x128xf32> -> vector<1000x128xf32>
    %add3A_24 = arith.addf %dot_general3A_23, %mul3A_16 : vector<1000x128xf32>
    %get3A_25 = arith.constant 0 : index
    %get3A_26 = arith.constant 0 : index
    %get3A_27 = vector.load %arg7[%get3A_25, %get3A_26] : memref<1x128xf32, #tpu.memory_space<vmem>>, vector<1x128xf32>
    %add3A_28 = vector.broadcast %get3A_27 : vector<1x128xf32> to vector<1000x128xf32>
    %add3A_29 = arith.addf %add3A_24, %add3A_28 : vector<1000x128xf32>
    %swap3A = arith.constant 0 : index
    %swap3A_30 = arith.constant 0 : index
    %swap3A_31 = vector.load %arg8[%swap3A, %swap3A_30] : memref<1000x128xf32, #tpu.memory_space<vmem>>, vector<1000x128xf32>
    tpu.vector_store %arg8[%swap3A, %swap3A_30], %add3A_29 {strides = array<i32>} : memref<1000x128xf32, #tpu.memory_space<vmem>>, vector<1000x128xf32>,
    return
  }
  func.func @transform_0(%arg0: i32) -> (i32, i32) {
    %c0_i32 = arith.constant 0 : i32
    %c0_i32_0 = arith.constant 0 : i32
    return %arg0, %c0_i32 : i32, i32
  }
  func.func @transform_1(%arg0: i32) -> (i32, i32) {
    %c0_i32 = arith.constant 0 : i32
    %c0_i32_0 = arith.constant 0 : i32
    return %arg0, %c0_i32 : i32, i32
  }
  func.func @transform_2(%arg0: i32) -> (i32, i32) {
    %c0_i32 = arith.constant 0 : i32
    %c0_i32_0 = arith.constant 0 : i32
    return %arg0, %c0_i32 : i32, i32
  }
  func.func @transform_3(%arg0: i32) -> (i32, i32) {
    %c0_i32 = arith.constant 0 : i32
    %c0_i32_0 = arith.constant 0 : i32
    return %arg0, %c0_i32 : i32, i32
  }
  func.func @transform_4(%arg0: i32) -> (i32, i32) {
    %c0_i32 = arith.constant 0 : i32
    %c0_i32_0 = arith.constant 0 : i32
    return %arg0, %c0_i32 : i32, i32
  }
  func.func @transform_5(%arg0: i32) -> (i32, i32) {
    %c0_i32 = arith.constant 0 : i32
    %c0_i32_0 = arith.constant 0 : i32
    %c0_i32_1 = arith.constant 0 : i32
    return %c0_i32, %c0_i32_0 : i32, i32
  }
  func.func @transform_6(%arg0: i32) -> (i32, i32) {
    %c0_i32 = arith.constant 0 : i32
    %c0_i32_0 = arith.constant 0 : i32
    %c0_i32_1 = arith.constant 0 : i32
    return %c0_i32, %c0_i32_0 : i32, i32
  }
  func.func @transform_7(%arg0: i32) -> (i32, i32) {
    %c0_i32 = arith.constant 0 : i32
    %c0_i32_0 = arith.constant 0 : i32
    return %arg0, %c0_i32 : i32, i32
  }
}

</mosaic_0001>

<sc_bundles>
// kernel: kernel.12.cloned.1.call-start
scs
__scs_entry_jumppad:
0x0: {  	(pc) =	sbr.rel $0x88, $3  }
0x1: {  	(tag) =	ssettag $0x0;
	lr =	simm.s32 $0x1  }
0x2: {  	[smem:$0x3F96] =	sst lr;
	_ =	strace $0xD0000000  }
0x3: {  	_ = 	snop  }
0x4: {  	_ = 	snop  }
0x5: {  	_ = 	snop  }
0x6: {  	_ = 	snop  }
0x7: {  	_ = 	snop  }
__scs_overlays_trampoline_lowered:
0x8: {  	[smem:$0x3FA5] =	sst s0  }
0x9: {  	[smem:$0x3FA6] =	sst s1  }
0xa: {  	[smem:$0x3FA7] =	sst s2  }
0xb: {  	[smem:$0x3FA8] =	sst s3  }
0xc: {  	[smem:$0x3FA9] =	sst s4  }
0xd: {  	[smem:$0x3FAA] =	sst s5  }
0xe: {  	[smem:$0x3FAB] =	sst s6  }
0xf: {  	[smem:$0x3FAC] =	sst s7  }
0x10: {  	[smem:$0x3FAD] =	sst s8  }
0x11: {  	[smem:$0x3FAE] =	sst s9;
	s0 =	simm.s32 @!p0 $0x0  }
0x12: {  	s1 =	sld [smem:$0x3F94];
	s0 =	simm.s32 @p0 $0x1  }
0x13: {  	[smem:$0x3FAF] =	sst s0;
	s0 =	simm.s32 @!p1 $0x0  }
0x14: {  	s2 =	sld [smem:$0x3F93];
	s0 =	simm.s32 @p1 $0x1  }
0x15: {  	[smem:$0x3FB0] =	sst s0;
	s0 =	simm.s32 @!p2 $0x0  }
0x16: {  	s3 =	sld [smem:$0x3FDB];
	s0 =	simm.s32 @p2 $0x1  }
0x17: {  	s4 =	simm.s32 $0x1BF5;
	[smem:$0x3FB2] =	sst s0  }
0x18: {  	s0 =	sld [smem:$0x3F95];
	_ =	swait.ge [sflag:s4], $0x0  }
0x19: {  	s7 =	sld [smem:$0x3F96]  }
0x1a: {  	s8 =	sadd.s32 $0xFFFFE003, lr  }
0x1b: {  	s9 =	sadd.s32 $0xFFFFFEF7, lr;
	s5 =	simm.s32 $0xFFFFFFFF;
	p2 =	slt.u32 s8, $0xFFFFF086  }
0x1c: {  	p1 =	slt.u32 s9, $0xF7A;
	s5 =	simm.s32 @!p2 $0x0  }
0x1d: {  	s5 =	simm.s32 @p1 $0x1;
	p0 =	seq.s32 s7, s2  }
0x1e: {  	s7 =	smul.u32 @!p0 $0xF7A, s2;
	p2 =	seq.s32 @!p0 s5, $0x0  }
0x1f: {  	s9 =	smul.u32 $0xF7A, s1;
	s8 =	simm.s32 @!p0 $0x1BF5;
	p2 =	por !p2, p0  }
0x20: {  	[sflag:s8] =	ssyncset.s32 @!p0 $0xFFFFF086;
	s6 =	sadd.s32 @!p0 s3, s7;
	s7 =	simm.s32 @!p0 $0x108  }
0x21: {  	s3 =	sadd.s32 s3, s9;
	s6 =	sadd.s32 @!p0 $0x88, s6;
	s7 =	simm.s32 @p2 $0x1082  }
0x22: {  	[simem:s7], [sflag:s8] =	dma.local @!p0 [hbm:s6], $0xF7A  }
0x23: {  	s9 =	sor.u32 $0xD0000000, s2;
	s6 =	simm.s32 $0x108;
	_ =	swait.ge @!p0 [sflag:s8], $0x0  }
0x24: {  	s3 =	sadd.s32 $0x88, s3;
	s6 =	simm.s32 @!p1 $0x1082;
	[sflag:s4] =	ssyncset.s32 $0xFFFFF086  }
0x25: {  	[simem:s6], [sflag:s4] =	dma.local [hbm:s3], $0xF7A  }
0x26: {  	[smem:$0x3F96] =	sst s1;
	(tag) =	ssettag s2;
	_ =	strace s9  }
0x27: {  	s1 =	sld [smem:$0x3FA6]  }
0x28: {  	s2 =	sld [smem:$0x3FA7]  }
0x29: {  	s4 =	sld [smem:$0x3FA9]  }
0x2a: {  	p0 =	seq.s32 s5, $0x0;
	s5 =	sld [smem:$0x3FAA]  }
0x2b: {  	s6 =	sld [smem:$0x3FAB]  }
0x2c: {  	s7 =	sld [smem:$0x3FAC]  }
0x2d: {  	s3 =	simm.s32 $0x108;
	s8 =	sld [smem:$0x3FAD]  }
0x2e: {  	s3 =	simm.s32 @!p0 $0x1082;
	s9 =	sld [smem:$0x3FAE]  }
0x2f: {  	lr =	sadd.s32 s0, s3;
	s0 =	sld [smem:$0x3FA5]  }
0x30: {  	s3 =	sld [smem:$0x3FA8]  }
0x31: {  	[smem:$0x3FB1] =	sst s10  }
0x32: {  	s10 =	sld [smem:$0x3FAF];
	_ =	sdelay $0x3  }
0x33: {  	p0 =	seq.s32 s10, $0x1;
	s10 =	sld [smem:$0x3FB1];
	_ =	sdelay $0x3  }
0x34: {  	[smem:$0x3FB1] =	sst s10  }
0x35: {  	s10 =	sld [smem:$0x3FB0];
	_ =	sdelay $0x3  }
0x36: {  	p1 =	seq.s32 s10, $0x1;
	s10 =	sld [smem:$0x3FB1];
	_ =	sdelay $0x3  }
0x37: {  	[smem:$0x3FB1] =	sst s10  }
0x38: {  	s10 =	sld [smem:$0x3FB2]  }
0x39: {  	_ = 	snop;
	(pc) =	sbr.ind lr, $3  }
0x3a: {  	_ = 	snop  }
0x3b: {  	_ = 	snop  }
0x3c: {  	p2 =	seq.s32 s10, $0x1;
	s10 =	sld [smem:$0x3FB1]  }
0x3d: {  	_ =	shalt  }
0x3e: {  	_ =	shalt  }
0x3f: {  	_ =	shalt  }
0x40: {  	_ =	shalt  }
0x41: {  	_ =	shalt  }
0x42: {  	_ =	shalt  }
0x43: {  	_ =	shalt  }
0x44: {  	_ =	shalt  }
0x45: {  	_ =	shalt  }
0x46: {  	_ =	shalt  }
0x47: {  	_ =	shalt  }
0x48: {  	_ =	shalt  }
0x49: {  	_ =	shalt  }
0x4a: {  	_ =	shalt  }
0x4b: {  	_ =	shalt  }
0x4c: {  	_ =	shalt  }
0x4d: {  	_ =	shalt  }
0x4e: {  	_ =	shalt  }
0x4f: {  	_ =	shalt  }
0x50: {  	_ =	shalt  }
0x51: {  	_ =	shalt  }
0x52: {  	_ =	shalt  }
0x53: {  	_ =	shalt  }
0x54: {  	_ =	shalt  }
0x55: {  	_ =	shalt  }
0x56: {  	_ =	shalt  }
0x57: {  	_ =	shalt  }
0x58: {  	_ =	shalt  }
0x59: {  	_ =	shalt  }
0x5a: {  	_ =	shalt  }
0x5b: {  	_ =	shalt  }
0x5c: {  	_ =	shalt  }
0x5d: {  	_ =	shalt  }
0x5e: {  	_ =	shalt  }
0x5f: {  	_ =	shalt  }
0x60: {  	_ =	shalt  }
0x61: {  	_ =	shalt  }
0x62: {  	_ =	shalt  }
0x63: {  	_ =	shalt  }
0x64: {  	_ =	shalt  }
0x65: {  	_ =	shalt  }
0x66: {  	_ =	shalt  }
0x67: {  	_ =	shalt  }
0x68: {  	_ =	shalt  }
0x69: {  	_ =	shalt  }
0x6a: {  	_ =	shalt  }
0x6b: {  	_ =	shalt  }
0x6c: {  	_ =	shalt  }
0x6d: {  	_ =	shalt  }
0x6e: {  	_ =	shalt  }
0x6f: {  	_ =	shalt  }
0x70: {  	_ =	shalt  }
0x71: {  	_ =	shalt  }
0x72: {  	_ =	shalt  }
0x73: {  	_ =	shalt  }
0x74: {  	_ =	shalt  }
0x75: {  	_ =	shalt  }
0x76: {  	_ =	shalt  }
0x77: {  	_ =	shalt  }
0x78: {  	_ =	shalt  }
0x79: {  	_ =	shalt  }
0x7a: {  	_ =	shalt  }
0x7b: {  	_ =	shalt  }
0x7c: {  	_ =	shalt  }
0x7d: {  	_ =	shalt  }
0x7e: {  	_ =	shalt  }
0x7f: {  	_ =	shalt  }
0x80: {  	_ =	shalt  }
0x81: {  	_ =	shalt  }
0x82: {  	_ =	shalt  }
0x83: {  	_ =	shalt  }
0x84: {  	_ =	shalt  }
0x85: {  	_ =	shalt  }
0x86: {  	_ =	shalt  }
0x87: {  	_ =	shalt  }
.Lfunc_end0:
.L_simem_size_0:
called_computation.1_lowered:
.L_overlay_start_0:
0x88: {  	s2 =	sld [smem:$0x3FD9]  }
0x89: {  	s3 =	sld [smem:$0x3FFE];
	_ =	sdelay $0x1  }
0x8a: {  	s1 =	srdreg.scid  }
0x8b: {  	s0 =	sand.u32 $0x1, s1  }
0x8c: {  	s17 =	sshll.u32 s0, $0xA;
	s2 =	sadd.s32 s3, s2  }
0x8d: {  	s2 =	sadd.s32 s2, s17  }
0x8e: {  	[smem:$0x3FBD] =	sst s2  }
0x8f: {  	_ = 	snop  }
0x90: {  	s2 =	sld [smem:$0x3FD0];
	(tm) =	ssettm $0x1  }
0x91: {  	s18 =	sld [smem:$0x3FFB];
	_ =	sdelay $0x3  }
0x92: {  	_ =	strace s18  }
0x93: {  	s3 =	sld [smem:$0x3FFC];
	_ =	sdelay $0x3  }
0x94: {  	_ =	strace s3  }
0x95: {  	s3 =	sld [smem:$0x3FFD];
	_ =	sdelay $0x3  }
0x96: {  	_ =	strace s3  }
0x97: {  	_ =	strace $0x8FFFFFFF  }
0x98: {  	s19 =	sld [smem:$0x3FDB];
	_ =	sdelay $0x1  }
0x99: {  	s4 =	simm.s32 $_scs_section_size  }
0x9a: {  	s5 =	simm.s32 $_size__tile_overlayer_lowered;
	s6 =	simm.s32 $_tile_overlayer_lowered  }
0x9b: {  	s22 =	simm.s32 $0x1BFF;
	s21 =	sshll.u32 s6, $0x1;
	s3 =	sadd.s32 s4, s19  }
0x9c: {  	s7 =	simm.s32 $0x0;
	s20 =	sshll.u32 s5, $0x1;
	s5 =	sadd.s32 s21, s3  }
0x9d: {  	[timem:s7], [sflag:s22] =	dma.local [hbm:s5], s20  }
0x9e: {  	_ =	swait.ge [sflag:s22], s20  }
0x9f: {  	s4 =	ssub.s32 $0x0, s20;
	[sflag:s22] =	ssyncset.done $0x0  }
0xa0: {  	[sflag:s22] =	ssyncadd.s32 s4;
	_ =	sdelay $0x1  }
0xa1: {  	s23 =	simm.s32 $0x1B8B  }
0xa2: {  	_ =	swait.ge [sflag:s23], $0x1  }
0xa3: {  	[sflag:s23] =	ssyncset.done $0x0  }
0xa4: {  	s25 =	simm.s32 $0x1B8E;
	s24 =	sld [smem:$0x3FFE];
	[sflag:s23] =	ssyncadd.s32 $0xFFFFFFFF  }
0xa5: {  	s26 =	simm.s32 $execute0_lowered;
	[smem:$0x3FD2] =	sst s25  }
0xa6: {  	s5 =	sshll.u32 s26, $0x1;
	_ =	strace $0x80000049;
	[dreg:$0x1] =	wrdreg $0xFFFFFFFF  }
0xa7: {  	s28 =	simm.s32 $_size_execute0_lowered;
	s3 =	sadd.s32 s3, s5;
	[dreg:$0x0] =	wrdreg $0x0  }
0xa8: {  	s5 =	sshll.u32 s28, $0x1;
	[dreg:$0x2] =	wrdreg s3  }
0xa9: {  	[dreg:$0x3] =	wrdreg s5  }
0xaa: {  	[dreg:$0x4] =	wrdreg $0xC0  }
0xab: {  	_ =	task [dreg:s7], $0x5FFFF  }
0xac: {  	[dreg:$0x1] =	wrdreg $0xFFFFFFFF  }
0xad: {  	[dreg:$0x0] =	wrdreg $0x60  }
0xae: {  	[dreg:$0x2] =	wrdreg s24  }
0xaf: {  	[dreg:$0x3] =	wrdreg s2  }
0xb0: {  	[dreg:$0x4] =	wrdreg $0x41000  }
0xb1: {  	[dreg:$0x5] =	wrdreg $0x9  }
0xb2: {  	_ =	task.clear_ibuf [dreg:s7], $0x6FFFF;
	_ =	strace $0x90000049  }
0xb3: {  	s29 =	simm.s32 $0x9;
	_ =	strace $0x8000004B  }
0xb4: {  	_ =	swait.ge [sflag:s29], $0x1  }
0xb5: {  	[sflag:s29] =	ssyncadd.s32 $0xFFFFFFFF  }
0xb6: {  	_ =	strace $0x9000004B  }
0xb7: {  	_ =	sfence  }
0xb8: {  	s30 =	sld [smem:$0x0];
	_ =	sdelay $0x2  }
0xb9: {  	s31 =	sshll.u32 s1, $0xD;
	s1 =	sshrl.u32 s1, $0x2  }
0xba: {  	s3 =	sand.u32 $0x4000, s31;
	s1 =	sadd.s32 s1, s30  }
0xbb: {  	s0 =	sor.u32 s3, s0;
	s1 =	sshll.u32 s1, $0x11  }
0xbc: {  	s0 =	sor.u32 s1, s0  }
0xbd: {  	s0 =	sadd.s32 $0x8F2B, s0  }
0xbe: {  	[sflag:s0] =	ssyncadd.remote.s32 $0x1  }
0xbf: {  	_ =	sfence.sel $0xFFFF  }
0xc0: {  	[dreg:$0x0] =	wrdreg $0xFFFFFFFF;
	(pc) =	sbr.abs _section_cstart, $3  }
0xc1: {  	[dreg:$0x1] =	wrdreg $0xFFFFFFFF  }
0xc2: {  	_ =	task.clear_ibuf [dreg:s7], $0x2FFFF;
	_ =	strace $0x9FFFFFFF  }
0xc3: {  	(tm) =	ssettm $0x7FFFFFFF  }
tec
execute0_lowered:
.L_overlay_start_1:
0x0: {  	(tag) =	ssettag $0x1  }
0x1: {  	s0 =	rddreg [dreg:$0x0]  }
0x2: {  	s19 =	rddreg [dreg:$0x1]  }
0x3: {  	s1 =	rddreg [dreg:$0x2]  }
0x4: {  	s2 =	simm.s32 $0x0;
	s3 =	srdreg.scid;
	s24 =	stileid.u32  }
0x5: {  	s22 =	simm.s32 $0x100;
	s23 =	simm.s32 $0x1;
	s7 =	smul.u32 $0x50000, s24  }
0x6: {  	[smem:$0x7FF] =	sst s2;
	s9 =	sand.u32 $0x1, s3;
	s12 =	smul.u32 $0x14000, s24  }
0x7: {  	s4 =	sadd.s32 $0xFA00, s0;
	s5 =	sadd.s32 $0xF200, s0;
	s29 =	smul.u32 $0x4F0, s24  }
0x8: {  	s26 =	sshll.u32 s24, $0x6;
	s24 =	simm.s32 $0x0;
	s20 =	smul.u32 $0x4F00, s9  }
0x9: {  	_ =	strace $0x8000004A;
	s6 =	ssub.s32 $0x2, s9;
	s16 =	smul.u32 $0x140000, s9  }
0xa: {  	s8 =	sshrl.u32 s6, $0x1;
	s25 =	sshrl.u32 s7, $0x2;
	s13 =	sadd.s32 $0x4000, s12  }
0xb: {  	s7 =	sor.u32 $0x1C02, s26;
	s14 =	sadd.s32 $0x8000, s12;
	s15 =	sadd.s32 $0xC000, s12  }
0xc: {  	s21 =	sadd.s32 $0x10000, s12;
	s17 =	sadd.s32 s20, s0;
	s0 =	sadd.s32 $0xAEA00, s0  }
0xd: {  	s18 =	ssub.s32 s6, s8;
	s6 =	sadd.s32 s25, s1;
	s28 =	sadd.s32 s13, s1  }
0xe: {  	s9 =	sadd.s32 s14, s1;
	s10 =	sadd.s32 s15, s1;
	s11 =	sadd.s32 s21, s1  }
0xf: {  	s12 =	sadd.s32 s12, s16;
	s13 =	sadd.s32 s16, s13;
	s14 =	sadd.s32 s16, s14  }
0x10: {  	s15 =	sadd.s32 s16, s15;
	s16 =	sadd.s32 s16, s21;
	s31 =	sadd.s32 s20, s19  }
0x11: {  	s20 =	simm.s32 $0x2;
	s21 =	simm.s32 $0x80;
	[dreg:$0x4] =	wrdreg s6  }
0x12: {  	[dreg:$0x5] =	wrdreg s28;
	s12 =	sshrl.u32 s12, $0x3;
	s13 =	sshrl.u32 s13, $0x3  }
0x13: {  	s14 =	sshrl.u32 s14, $0x3;
	s15 =	sshrl.u32 s15, $0x3;
	s16 =	sshrl.u32 s16, $0x3  }
0x14: {  	s30 =	sadd.s32 s29, s17;
	s17 =	smax.u32 s18, $0x1;
	s19 =	sadd.s32 s29, s31  }
0x15: {  	s12 =	sadd.s32 s0, s12;
	s13 =	sadd.s32 s0, s13;
	s14 =	sadd.s32 s0, s14  }
0x16: {  	s15 =	sadd.s32 s0, s15;
	s16 =	sadd.s32 s0, s16;
	s18 =	sadd.s32 $0x5400, s30  }
.LBB2_1:
0x17: {  	s0 =	rddreg [dreg:$0x4]  }
0x18: {  	s25 =	sshrl.u32 s0, $0x3  }
0x19: {  	[spmem:s25], [sflag:s7] =	dma.local [hbm:s5], $0x800  }
0x1a: {  	_ =	swait.ge [sflag:s20], $0x800  }
0x1b: {  	[sflag:s20] =	ssyncset.done $0x0;
	s3 =	rddreg [dreg:$0x5]  }
0x1c: {  	[sflag:s20] =	ssyncadd.s32 $0xFFFFF800;
	s26 =	sshrl.u32 s3, $0x3  }
0x1d: {  	[spmem:s26], [sflag:s7] =	dma.local [hbm:s5], $0x800  }
0x1e: {  	_ =	swait.ge [sflag:s20], $0x800  }
0x1f: {  	[sflag:s20] =	ssyncset.done $0x0  }
0x20: {  	s28 =	sshrl.u32 s9, $0x3;
	[sflag:s20] =	ssyncadd.s32 $0xFFFFF800  }
0x21: {  	[spmem:s28], [sflag:s7] =	dma.local [hbm:s5], $0x800  }
0x22: {  	_ =	swait.ge [sflag:s20], $0x800  }
0x23: {  	[sflag:s20] =	ssyncset.done $0x0  }
0x24: {  	s29 =	sshrl.u32 s10, $0x3;
	[sflag:s20] =	ssyncadd.s32 $0xFFFFF800  }
0x25: {  	[spmem:s29], [sflag:s7] =	dma.local [hbm:s5], $0x800  }
0x26: {  	_ =	swait.ge [sflag:s20], $0x800  }
0x27: {  	[sflag:s20] =	ssyncset.done $0x0  }
0x28: {  	s30 =	sshrl.u32 s11, $0x3;
	[sflag:s20] =	ssyncadd.s32 $0xFFFFF800  }
0x29: {  	[spmem:s30], [sflag:s7] =	dma.local [hbm:s5], $0x800  }
0x2a: {  	_ =	swait.ge [sflag:s20], $0x800  }
0x2b: {  	[sflag:s20] =	ssyncset.done $0x0  }
0x2c: {  	[sflag:s20] =	ssyncadd.s32 $0xFFFFF800  }
0x2d: {  	s6 =	sadd.s32 $0x0, s19;
	[bflag:$0x0] =	sbarrier.arrive $0xFFFF  }
0x2e: {  	[tilespmem:s2], [sflag:$0x2] =	stream.linear.gather [hbm4b:s6+s2], $0x80, $0x38;
	[tilespmem:$0x18100] =	vst v63  }
0x2f: {  	_ =	swait.ge [sflag:s20], $0x80  }
0x30: {  	[sflag:s20] =	ssyncset.done $0x0  }
0x31: {  	s8 =	sadd.s32 $0x0, s18;
	[sflag:s20] =	ssyncadd.s32 $0xFFFFFF80  }
0x32: {  	[tilespmem:s21], [sflag:$0x2] =	stream.linear.gather [hbm4b:s8+s2], $0x80, $0x38;
	[tilespmem:$0x18100] =	vst v63  }
0x33: {  	_ =	swait.ge [sflag:s20], $0x80  }
0x34: {  	[sflag:s20] =	ssyncset.done $0x0  }
0x35: {  	[sflag:s20] =	ssyncadd.s32 $0xFFFFFF80  }
0x36: {  	[tilespmem:s22], [sflag:$0x1] =	stream.indirect.gather [hbm4b:s4+s21], $0x80, s2, s21, $0xb8;
	[tilespmem:$0x18100] =	vst v63  }
0x37: {  	_ =	swait.ge [sflag:s23], $0x4000  }
0x38: {  	[sflag:s23] =	ssyncset.done $0x0  }
0x39: {  	[sflag:s23] =	ssyncadd.s32 $0xFFFFC000  }
0x3a: {  	[spmem:s1] =	stream.indirect.scatter.add.f32 [tilespmem:s22], [sflag:$0x2], $0x80, s21, s21, $0xb8;
	[tilespmem:$0x18100] =	vst v63  }
0x3b: {  	_ =	swait.ge [sflag:s20], $0x4000  }
0x3c: {  	s31 =	simm.s32 $0x10;
	s0 =	simm.s32 $0x20;
	[sflag:s20] =	ssyncset.done $0x0  }
.LBB2_2:
0x3d: {  	s3 =	sadd.s32 s31, s19  }
0x3e: {  	[sflag:s20] =	ssyncadd.s32 $0xFFFFC000;
	s6 =	smov.u32 s0;
	s8 =	sadd.s32 $0x10, s0  }
0x3f: {  	[tilespmem:s2], [sflag:$0x2] =	stream.linear.gather [hbm4b:s3+s2], $0x80, $0x38;
	[tilespmem:$0x18100] =	vst v63  }
0x40: {  	p0 =	sne.s32 s0, $0x4E0;
	_ =	swait.ge [sflag:s20], $0x80  }
0x41: {  	[sflag:s20] =	ssyncset.done $0x0  }
0x42: {  	s0 =	sadd.s32 s31, s18;
	s31 =	smov.u32 s6;
	[sflag:s20] =	ssyncadd.s32 $0xFFFFFF80  }
0x43: {  	[tilespmem:s21], [sflag:$0x2] =	stream.linear.gather [hbm4b:s0+s2], $0x80, $0x38;
	[tilespmem:$0x18100] =	vst v63  }
0x44: {  	_ =	swait.ge [sflag:s20], $0x80  }
0x45: {  	[sflag:s20] =	ssyncset.done $0x0  }
0x46: {  	[sflag:s20] =	ssyncadd.s32 $0xFFFFFF80  }
0x47: {  	[tilespmem:s22], [sflag:$0x1] =	stream.indirect.gather [hbm4b:s4+s21], $0x80, s2, s21, $0xb8;
	[tilespmem:$0x18100] =	vst v63  }
0x48: {  	_ =	swait.ge [sflag:s23], $0x4000  }
.Ltmp0:
0x49: {  	[sflag:s23] =	ssyncset.done $0x0;
	(pc) =	sbr.rel @p0 .LBB2_2-.Ltmp0, $4  }
0x4a: {  	[sflag:s23] =	ssyncadd.s32 $0xFFFFC000  }
0x4b: {  	[spmem:s1] =	stream.indirect.scatter.add.f32 [tilespmem:s22], [sflag:$0x2], $0x80, s21, s21, $0xb8;
	[tilespmem:$0x18100] =	vst v63  }
0x4c: {  	_ =	swait.ge [sflag:s20], $0x4000  }
0x4d: {  	s0 =	smov.u32 s8;
	[sflag:s20] =	ssyncset.done $0x0  }
0x4e: {  	s0 =	sadd.s32 s31, s19;
	[sflag:s20] =	ssyncadd.s32 $0xFFFFC000  }
0x4f: {  	[tilespmem:s2], [sflag:$0x2] =	stream.linear.gather [hbm4b:s0+s2], $0x80, $0x38;
	[tilespmem:$0x18100] =	vst v63  }
0x50: {  	_ =	swait.ge [sflag:s20], $0x80  }
0x51: {  	[sflag:s20] =	ssyncset.done $0x0  }
0x52: {  	s31 =	sadd.s32 s31, s18;
	[sflag:s20] =	ssyncadd.s32 $0xFFFFFF80  }
0x53: {  	[tilespmem:s21], [sflag:$0x2] =	stream.linear.gather [hbm4b:s31+s2], $0x80, $0x38;
	[tilespmem:$0x18100] =	vst v63  }
0x54: {  	_ =	swait.ge [sflag:s20], $0x80  }
0x55: {  	[sflag:s20] =	ssyncset.done $0x0  }
0x56: {  	[sflag:s20] =	ssyncadd.s32 $0xFFFFFF80  }
0x57: {  	[tilespmem:s22], [sflag:$0x1] =	stream.indirect.gather [hbm4b:s4+s21], $0x80, s2, s21, $0xb8;
	[tilespmem:$0x18100] =	vst v63  }
0x58: {  	_ =	swait.ge [sflag:s23], $0x4000  }
0x59: {  	[sflag:s23] =	ssyncset.done $0x0  }
0x5a: {  	[sflag:s23] =	ssyncadd.s32 $0xFFFFC000  }
0x5b: {  	[spmem:s1] =	stream.indirect.scatter.add.f32 [tilespmem:s22], [sflag:$0x2], $0x80, s21, s21, $0xb8;
	[tilespmem:$0x18100] =	vst v63  }
0x5c: {  	_ =	swait.ge [sflag:s20], $0x4000  }
0x5d: {  	[sflag:s20] =	ssyncset.done $0x0  }
0x5e: {  	[sflag:s20] =	ssyncadd.s32 $0xFFFFC000  }
0x5f: {  	[bflag:$0x0] =	sbarrier.arrive $0xFFFF  }
0x60: {  	[hbm:s12], [sflag:s7] =	dma.local [spmem:s25], $0x800  }
0x61: {  	_ =	swait.ge [sflag:s20], $0x800  }
0x62: {  	[sflag:s20] =	ssyncset.done $0x0  }
0x63: {  	[sflag:s20] =	ssyncadd.s32 $0xFFFFF800  }
0x64: {  	[hbm:s13], [sflag:s7] =	dma.local [spmem:s26], $0x800  }
0x65: {  	_ =	swait.ge [sflag:s20], $0x800  }
0x66: {  	[sflag:s20] =	ssyncset.done $0x0  }
0x67: {  	[sflag:s20] =	ssyncadd.s32 $0xFFFFF800  }
0x68: {  	[hbm:s14], [sflag:s7] =	dma.local [spmem:s28], $0x800  }
0x69: {  	_ =	swait.ge [sflag:s20], $0x800  }
0x6a: {  	[sflag:s20] =	ssyncset.done $0x0  }
0x6b: {  	[sflag:s20] =	ssyncadd.s32 $0xFFFFF800  }
0x6c: {  	[hbm:s15], [sflag:s7] =	dma.local [spmem:s29], $0x800  }
0x6d: {  	s24 =	sadd.s32 $0x1, s24;
	_ =	swait.ge [sflag:s20], $0x800  }
0x6e: {  	p0 =	sne.s32 s24, s17;
	[sflag:s20] =	ssyncset.done $0x0  }
.Ltmp1:
0x6f: {  	[sflag:s20] =	ssyncadd.s32 $0xFFFFF800;
	(pc) =	sbr.rel @p0 .LBB2_1-.Ltmp1, $4  }
0x70: {  	[hbm:s16], [sflag:s7] =	dma.local [spmem:s30], $0x800  }
0x71: {  	_ =	swait.ge [sflag:s20], $0x800  }
0x72: {  	[sflag:s20] =	ssyncset.done $0x0  }
0x73: {  	[sflag:s20] =	ssyncadd.s32 $0xFFFFF800  }
0x74: {  	_ =	sfence.sel $0x180000  }
0x75: {  	[bflag:$0x0] =	sbarrier.arrive $0xFFFF  }
0x76: {  	_ =	strace $0x9000004A  }
0x77: {  	s0 =	stileid.u32;
	[bflag:$0x2] =	sbarrier.arrive $0xFFFF  }
0x78: {  	p0 =	sne.s32 s0, $0x0;
	s0 =	rddreg [dreg:$0x3]  }
0x79: {  	s0 =	sadd.s32 @!p0 $0x100000, s0  }
0x7a: {  	[sflag:s0] =	ssyncadd.tile.s32 @!p0 $0x1;
	_ =	shalt  }
.Lfunc_end2:
_tile_overlayer_lowered:
.L_overlay_start_2:
0x7b: {  	(tag) =	ssettag $0x2  }
0x7c: {  	s0 =	rddreg [dreg:$0x0];
	s2 =	stileid.u32  }
0x7d: {  	s1 =	rddreg [dreg:$0x1];
	p0 =	sne.s32 s2, $0x0  }
0x7e: {  	s3 =	rddreg [dreg:$0x2];
	[bflag:$0x3] =	sbarrier.arrive $0xFFFF;
	s2 =	simm.s32 @!p0 $0x1C02  }
0x7f: {  	[timem:s3], [sflag:s2] =	dma.local @!p0 [hbm:s0], s1  }
0x80: {  	s0 =	simm.s32 @!p0 $0x2  }
0x81: {  	_ =	swait.ge @!p0 [sflag:s0], s1  }
0x82: {  	s1 =	ssub.s32 @!p0 $0x0, s1;
	[sflag:s0] =	ssyncset.done @!p0 $0x0  }
0x83: {  	[sflag:s0] =	ssyncadd.s32 @!p0 s1  }
0x84: {  	[bflag:$0x3] =	sbarrier.arrive $0xFFFF  }
0x85: {  	_ =	shalt  }

// kernel: kernel.15.cloned.1.call-start
scs
__scs_entry_jumppad:
0x0: {  	(pc) =	sbr.rel $0x88, $3  }
0x1: {  	(tag) =	ssettag $0x0;
	lr =	simm.s32 $0x1  }
0x2: {  	[smem:$0x3F96] =	sst lr;
	_ =	strace $0xD0000000  }
0x3: {  	_ = 	snop  }
0x4: {  	_ = 	snop  }
0x5: {  	_ = 	snop  }
0x6: {  	_ = 	snop  }
0x7: {  	_ = 	snop  }
__scs_overlays_trampoline_lowered:
0x8: {  	[smem:$0x3FA5] =	sst s0  }
0x9: {  	[smem:$0x3FA6] =	sst s1  }
0xa: {  	[smem:$0x3FA7] =	sst s2  }
0xb: {  	[smem:$0x3FA8] =	sst s3  }
0xc: {  	[smem:$0x3FA9] =	sst s4  }
0xd: {  	[smem:$0x3FAA] =	sst s5  }
0xe: {  	[smem:$0x3FAB] =	sst s6  }
0xf: {  	[smem:$0x3FAC] =	sst s7  }
0x10: {  	[smem:$0x3FAD] =	sst s8  }
0x11: {  	[smem:$0x3FAE] =	sst s9;
	s0 =	simm.s32 @!p0 $0x0  }
0x12: {  	s1 =	sld [smem:$0x3F94];
	s0 =	simm.s32 @p0 $0x1  }
0x13: {  	[smem:$0x3FAF] =	sst s0;
	s0 =	simm.s32 @!p1 $0x0  }
0x14: {  	s2 =	sld [smem:$0x3F93];
	s0 =	simm.s32 @p1 $0x1  }
0x15: {  	[smem:$0x3FB0] =	sst s0;
	s0 =	simm.s32 @!p2 $0x0  }
0x16: {  	s3 =	sld [smem:$0x3FDB];
	s0 =	simm.s32 @p2 $0x1  }
0x17: {  	s4 =	simm.s32 $0x1BF5;
	[smem:$0x3FB2] =	sst s0  }
0x18: {  	s0 =	sld [smem:$0x3F95];
	_ =	swait.ge [sflag:s4], $0x0  }
0x19: {  	s7 =	sld [smem:$0x3F96]  }
0x1a: {  	s8 =	sadd.s32 $0xFFFFE003, lr  }
0x1b: {  	s9 =	sadd.s32 $0xFFFFFEF7, lr;
	s5 =	simm.s32 $0xFFFFFFFF;
	p2 =	slt.u32 s8, $0xFFFFF086  }
0x1c: {  	p1 =	slt.u32 s9, $0xF7A;
	s5 =	simm.s32 @!p2 $0x0  }
0x1d: {  	s5 =	simm.s32 @p1 $0x1;
	p0 =	seq.s32 s7, s2  }
0x1e: {  	s7 =	smul.u32 @!p0 $0xF7A, s2;
	p2 =	seq.s32 @!p0 s5, $0x0  }
0x1f: {  	s9 =	smul.u32 $0xF7A, s1;
	s8 =	simm.s32 @!p0 $0x1BF5;
	p2 =	por !p2, p0  }
0x20: {  	[sflag:s8] =	ssyncset.s32 @!p0 $0xFFFFF086;
	s6 =	sadd.s32 @!p0 s3, s7;
	s7 =	simm.s32 @!p0 $0x108  }
0x21: {  	s3 =	sadd.s32 s3, s9;
	s6 =	sadd.s32 @!p0 $0x88, s6;
	s7 =	simm.s32 @p2 $0x1082  }
0x22: {  	[simem:s7], [sflag:s8] =	dma.local @!p0 [hbm:s6], $0xF7A  }
0x23: {  	s9 =	sor.u32 $0xD0000000, s2;
	s6 =	simm.s32 $0x108;
	_ =	swait.ge @!p0 [sflag:s8], $0x0  }
0x24: {  	s3 =	sadd.s32 $0x88, s3;
	s6 =	simm.s32 @!p1 $0x1082;
	[sflag:s4] =	ssyncset.s32 $0xFFFFF086  }
0x25: {  	[simem:s6], [sflag:s4] =	dma.local [hbm:s3], $0xF7A  }
0x26: {  	[smem:$0x3F96] =	sst s1;
	(tag) =	ssettag s2;
	_ =	strace s9  }
0x27: {  	s1 =	sld [smem:$0x3FA6]  }
0x28: {  	s2 =	sld [smem:$0x3FA7]  }
0x29: {  	s4 =	sld [smem:$0x3FA9]  }
0x2a: {  	p0 =	seq.s32 s5, $0x0;
	s5 =	sld [smem:$0x3FAA]  }
0x2b: {  	s6 =	sld [smem:$0x3FAB]  }
0x2c: {  	s7 =	sld [smem:$0x3FAC]  }
0x2d: {  	s3 =	simm.s32 $0x108;
	s8 =	sld [smem:$0x3FAD]  }
0x2e: {  	s3 =	simm.s32 @!p0 $0x1082;
	s9 =	sld [smem:$0x3FAE]  }
0x2f: {  	lr =	sadd.s32 s0, s3;
	s0 =	sld [smem:$0x3FA5]  }
0x30: {  	s3 =	sld [smem:$0x3FA8]  }
0x31: {  	[smem:$0x3FB1] =	sst s10  }
0x32: {  	s10 =	sld [smem:$0x3FAF];
	_ =	sdelay $0x3  }
0x33: {  	p0 =	seq.s32 s10, $0x1;
	s10 =	sld [smem:$0x3FB1];
	_ =	sdelay $0x3  }
0x34: {  	[smem:$0x3FB1] =	sst s10  }
0x35: {  	s10 =	sld [smem:$0x3FB0];
	_ =	sdelay $0x3  }
0x36: {  	p1 =	seq.s32 s10, $0x1;
	s10 =	sld [smem:$0x3FB1];
	_ =	sdelay $0x3  }
0x37: {  	[smem:$0x3FB1] =	sst s10  }
0x38: {  	s10 =	sld [smem:$0x3FB2]  }
0x39: {  	_ = 	snop;
	(pc) =	sbr.ind lr, $3  }
0x3a: {  	_ = 	snop  }
0x3b: {  	_ = 	snop  }
0x3c: {  	p2 =	seq.s32 s10, $0x1;
	s10 =	sld [smem:$0x3FB1]  }
0x3d: {  	_ =	shalt  }
0x3e: {  	_ =	shalt  }
0x3f: {  	_ =	shalt  }
0x40: {  	_ =	shalt  }
0x41: {  	_ =	shalt  }
0x42: {  	_ =	shalt  }
0x43: {  	_ =	shalt  }
0x44: {  	_ =	shalt  }
0x45: {  	_ =	shalt  }
0x46: {  	_ =	shalt  }
0x47: {  	_ =	shalt  }
0x48: {  	_ =	shalt  }
0x49: {  	_ =	shalt  }
0x4a: {  	_ =	shalt  }
0x4b: {  	_ =	shalt  }
0x4c: {  	_ =	shalt  }
0x4d: {  	_ =	shalt  }
0x4e: {  	_ =	shalt  }
0x4f: {  	_ =	shalt  }
0x50: {  	_ =	shalt  }
0x51: {  	_ =	shalt  }
0x52: {  	_ =	shalt  }
0x53: {  	_ =	shalt  }
0x54: {  	_ =	shalt  }
0x55: {  	_ =	shalt  }
0x56: {  	_ =	shalt  }
0x57: {  	_ =	shalt  }
0x58: {  	_ =	shalt  }
0x59: {  	_ =	shalt  }
0x5a: {  	_ =	shalt  }
0x5b: {  	_ =	shalt  }
0x5c: {  	_ =	shalt  }
0x5d: {  	_ =	shalt  }
0x5e: {  	_ =	shalt  }
0x5f: {  	_ =	shalt  }
0x60: {  	_ =	shalt  }
0x61: {  	_ =	shalt  }
0x62: {  	_ =	shalt  }
0x63: {  	_ =	shalt  }
0x64: {  	_ =	shalt  }
0x65: {  	_ =	shalt  }
0x66: {  	_ =	shalt  }
0x67: {  	_ =	shalt  }
0x68: {  	_ =	shalt  }
0x69: {  	_ =	shalt  }
0x6a: {  	_ =	shalt  }
0x6b: {  	_ =	shalt  }
0x6c: {  	_ =	shalt  }
0x6d: {  	_ =	shalt  }
0x6e: {  	_ =	shalt  }
0x6f: {  	_ =	shalt  }
0x70: {  	_ =	shalt  }
0x71: {  	_ =	shalt  }
0x72: {  	_ =	shalt  }
0x73: {  	_ =	shalt  }
0x74: {  	_ =	shalt  }
0x75: {  	_ =	shalt  }
0x76: {  	_ =	shalt  }
0x77: {  	_ =	shalt  }
0x78: {  	_ =	shalt  }
0x79: {  	_ =	shalt  }
0x7a: {  	_ =	shalt  }
0x7b: {  	_ =	shalt  }
0x7c: {  	_ =	shalt  }
0x7d: {  	_ =	shalt  }
0x7e: {  	_ =	shalt  }
0x7f: {  	_ =	shalt  }
0x80: {  	_ =	shalt  }
0x81: {  	_ =	shalt  }
0x82: {  	_ =	shalt  }
0x83: {  	_ =	shalt  }
0x84: {  	_ =	shalt  }
0x85: {  	_ =	shalt  }
0x86: {  	_ =	shalt  }
0x87: {  	_ =	shalt  }
.Lfunc_end0:
.L_simem_size_0:
called_computation.2_lowered:
.L_overlay_start_0:
0x88: {  	s2 =	sld [smem:$0x3FD9]  }
0x89: {  	s3 =	sld [smem:$0x3FFE];
	_ =	sdelay $0x1  }
0x8a: {  	s1 =	srdreg.scid  }
0x8b: {  	s0 =	sand.u32 $0x1, s1  }
0x8c: {  	s17 =	sshll.u32 s0, $0xA;
	s2 =	sadd.s32 s3, s2  }
0x8d: {  	s2 =	sadd.s32 s2, s17  }
0x8e: {  	[smem:$0x3FBD] =	sst s2  }
0x8f: {  	_ = 	snop  }
0x90: {  	s18 =	sld [smem:$0x3FD0];
	(tm) =	ssettm $0x1  }
0x91: {  	s19 =	sld [smem:$0x3FFB];
	_ =	sdelay $0x3  }
0x92: {  	_ =	strace s19  }
0x93: {  	s2 =	sld [smem:$0x3FFC];
	_ =	sdelay $0x3  }
0x94: {  	_ =	strace s2  }
0x95: {  	s2 =	sld [smem:$0x3FFD];
	_ =	sdelay $0x3  }
0x96: {  	_ =	strace s2  }
0x97: {  	_ =	strace $0x8FFFFFFF  }
0x98: {  	s20 =	sld [smem:$0x3FDB];
	_ =	sdelay $0x1  }
0x99: {  	s4 =	simm.s32 $_scs_section_size  }
0x9a: {  	s5 =	simm.s32 $_size__tile_overlayer_lowered;
	s6 =	simm.s32 $_tile_overlayer_lowered  }
0x9b: {  	s7 =	simm.s32 $0x1BFF;
	s21 =	sshll.u32 s6, $0x1;
	s4 =	sadd.s32 s4, s20  }
0x9c: {  	s22 =	simm.s32 $0x0;
	s5 =	sshll.u32 s5, $0x1;
	s6 =	sadd.s32 s21, s4  }
0x9d: {  	[timem:s22], [sflag:s7] =	dma.local [hbm:s6], s5  }
0x9e: {  	_ =	swait.ge [sflag:s7], s5  }
0x9f: {  	s5 =	ssub.s32 $0x0, s5;
	[sflag:s7] =	ssyncset.done $0x0  }
0xa0: {  	[sflag:s7] =	ssyncadd.s32 s5;
	_ =	sdelay $0x1  }
0xa1: {  	s23 =	simm.s32 $0x1B8B  }
0xa2: {  	_ =	swait.ge [sflag:s23], $0x1  }
0xa3: {  	[sflag:s23] =	ssyncset.done $0x0  }
0xa4: {  	[sflag:s23] =	ssyncadd.s32 $0xFFFFFFFF  }
0xa5: {  	s5 =	sld [smem:$0x0]  }
0xa6: {  	s6 =	sand.u32 $0xFFFFFFFE, s1  }
0xa7: {  	p0 =	sne.s32 s1, s6  }
0xa8: {  	s6 =	sshll.u32 @p0 s6, $0xE  }
0xa9: {  	s6 =	sadd.s32 @p0 $0x11B8D, s6;
	s7 =	sshll.u32 @p0 s5, $0x11  }
0xaa: {  	s6 =	sor.u32 @p0 s7, s6  }
0xab: {  	[sflag:s6] =	ssyncadd.remote.s32 @p0 $0x1;
	_ =	sdelay $0x1  }
0xac: {  	s6 =	simm.s32 @p0 $0x1B8D  }
0xad: {  	_ =	swait.eq @p0 [sflag:s6], $0x1  }
0xae: {  	[sflag:s6] =	ssyncadd.s32 @p0 $0xFFFFFFFF  }
0xaf: {  	s7 =	sshll.u32 @!p0 s1, $0xE  }
0xb0: {  	s7 =	sor.u32 @!p0 $0x4000, s7;
	s6 =	simm.s32 @!p0 $0x1B8D  }
0xb1: {  	s5 =	sshll.u32 @!p0 s5, $0x11;
	s7 =	sadd.s32 @!p0 $0x11B8D, s7;
	_ =	swait.eq @!p0 [sflag:s6], $0x1  }
0xb2: {  	s5 =	sor.u32 @!p0 s5, s7;
	[sflag:s6] =	ssyncadd.s32 @!p0 $0xFFFFFFFF  }
0xb3: {  	s25 =	simm.s32 $0x1B8E;
	s24 =	sld [smem:$0x3FFE];
	[sflag:s5] =	ssyncadd.remote.s32 @!p0 $0x1  }
0xb4: {  	s26 =	simm.s32 $execute0_lowered;
	[smem:$0x3FD2] =	sst s25  }
0xb5: {  	s6 =	sshll.u32 s26, $0x1;
	_ =	strace $0x8000004C;
	[dreg:$0x1] =	wrdreg $0xFFFFFFFF  }
0xb6: {  	s28 =	simm.s32 $_size_execute0_lowered;
	s4 =	sadd.s32 s4, s6;
	[dreg:$0x0] =	wrdreg $0x0  }
0xb7: {  	s6 =	sshll.u32 s28, $0x1;
	[dreg:$0x2] =	wrdreg s4  }
0xb8: {  	[dreg:$0x3] =	wrdreg s6  }
0xb9: {  	[dreg:$0x4] =	wrdreg $0xC0  }
0xba: {  	_ =	task [dreg:s22], $0x5FFFF  }
0xbb: {  	[dreg:$0x1] =	wrdreg $0xFFFFFFFF  }
0xbc: {  	[dreg:$0x0] =	wrdreg $0x60  }
0xbd: {  	[dreg:$0x2] =	wrdreg s24  }
0xbe: {  	[dreg:$0x3] =	wrdreg s18  }
0xbf: {  	[dreg:$0x4] =	wrdreg $0x41000  }
0xc0: {  	[dreg:$0x5] =	wrdreg $0xA  }
0xc1: {  	_ =	task.clear_ibuf [dreg:s22], $0x6FFFF;
	_ =	strace $0x9000004C  }
0xc2: {  	s29 =	simm.s32 $0xA;
	_ =	strace $0x8000004E  }
0xc3: {  	_ =	swait.ge [sflag:s29], $0x1  }
0xc4: {  	[sflag:s29] =	ssyncadd.s32 $0xFFFFFFFF  }
0xc5: {  	_ =	strace $0x9000004E  }
0xc6: {  	_ =	sfence  }
0xc7: {  	s30 =	sld [smem:$0x0];
	_ =	sdelay $0x2  }
0xc8: {  	s31 =	sshll.u32 s1, $0xD;
	s1 =	sshrl.u32 s1, $0x2  }
0xc9: {  	s4 =	sand.u32 $0x4000, s31;
	s1 =	sadd.s32 s1, s30  }
0xca: {  	s0 =	sor.u32 s4, s0;
	s1 =	sshll.u32 s1, $0x11  }
0xcb: {  	s0 =	sor.u32 s1, s0  }
0xcc: {  	s0 =	sadd.s32 $0x8F2B, s0  }
0xcd: {  	[sflag:s0] =	ssyncadd.remote.s32 $0x1  }
0xce: {  	_ =	sfence.sel $0xFFFF  }
0xcf: {  	[dreg:$0x0] =	wrdreg $0xFFFFFFFF;
	(pc) =	sbr.abs _section_cstart, $3  }
0xd0: {  	[dreg:$0x1] =	wrdreg $0xFFFFFFFF  }
0xd1: {  	_ =	task.clear_ibuf [dreg:s22], $0x2FFFF;
	_ =	strace $0x9FFFFFFF  }
0xd2: {  	(tm) =	ssettm $0x7FFFFFFF  }
0xd3: {  	_ =	shalt  }
tec
execute0_lowered:
.L_overlay_start_1:
0x0: {  	(tag) =	ssettag $0x1  }
0x1: {  	s0 =	rddreg [dreg:$0x0]  }
0x2: {  	s19 =	rddreg [dreg:$0x1]  }
0x3: {  	s1 =	rddreg [dreg:$0x2]  }
0x4: {  	s2 =	simm.s32 $0x0;
	s3 =	srdreg.scid;
	s24 =	stileid.u32  }
0x5: {  	s22 =	simm.s32 $0x100;
	s23 =	simm.s32 $0x1;
	s7 =	smul.u32 $0x50000, s24  }
0x6: {  	[smem:$0x7FF] =	sst s2;
	s9 =	sand.u32 $0x1, s3;
	s12 =	smul.u32 $0x14000, s24  }
0x7: {  	s4 =	sadd.s32 $0x36C00, s0;
	s5 =	sadd.s32 $0xF200, s0;
	s29 =	smul.u32 $0x4F0, s24  }
0x8: {  	s26 =	sshll.u32 s24, $0x6;
	s24 =	simm.s32 $0x0;
	s20 =	smul.u32 $0x4F00, s9  }
0x9: {  	_ =	strace $0x8000004D;
	s6 =	ssub.s32 $0x2, s9;
	s16 =	smul.u32 $0x140000, s9  }
0xa: {  	s8 =	sshrl.u32 s6, $0x1;
	s25 =	sshrl.u32 s7, $0x2;
	s13 =	sadd.s32 $0x4000, s12  }
0xb: {  	s7 =	sor.u32 $0x1C02, s26;
	s14 =	sadd.s32 $0x8000, s12;
	s15 =	sadd.s32 $0xC000, s12  }
0xc: {  	s21 =	sadd.s32 $0x10000, s12;
	s17 =	sadd.s32 s20, s0;
	s0 =	sadd.s32 $0xFEA00, s0  }
0xd: {  	s18 =	ssub.s32 s6, s8;
	s6 =	sadd.s32 s25, s1;
	s28 =	sadd.s32 s13, s1  }
0xe: {  	s9 =	sadd.s32 s14, s1;
	s10 =	sadd.s32 s15, s1;
	s11 =	sadd.s32 s21, s1  }
0xf: {  	s12 =	sadd.s32 s12, s16;
	s13 =	sadd.s32 s16, s13;
	s14 =	sadd.s32 s16, s14  }
0x10: {  	s15 =	sadd.s32 s16, s15;
	s16 =	sadd.s32 s16, s21;
	s31 =	sadd.s32 s20, s19  }
0x11: {  	s20 =	simm.s32 $0x2;
	s21 =	simm.s32 $0x80;
	[dreg:$0x4] =	wrdreg s6  }
0x12: {  	[dreg:$0x5] =	wrdreg s28;
	s12 =	sshrl.u32 s12, $0x3;
	s13 =	sshrl.u32 s13, $0x3  }
0x13: {  	s14 =	sshrl.u32 s14, $0x3;
	s15 =	sshrl.u32 s15, $0x3;
	s16 =	sshrl.u32 s16, $0x3  }
0x14: {  	s30 =	sadd.s32 s29, s17;
	s17 =	smax.u32 s18, $0x1;
	s19 =	sadd.s32 s29, s31  }
0x15: {  	s12 =	sadd.s32 s0, s12;
	s13 =	sadd.s32 s0, s13;
	s14 =	sadd.s32 s0, s14  }
0x16: {  	s15 =	sadd.s32 s0, s15;
	s16 =	sadd.s32 s0, s16;
	s18 =	sadd.s32 $0x5400, s30  }
.LBB2_1:
0x17: {  	s0 =	rddreg [dreg:$0x4]  }
0x18: {  	s25 =	sshrl.u32 s0, $0x3  }
0x19: {  	[spmem:s25], [sflag:s7] =	dma.local [hbm:s5], $0x800  }
0x1a: {  	_ =	swait.ge [sflag:s20], $0x800  }
0x1b: {  	[sflag:s20] =	ssyncset.done $0x0;
	s3 =	rddreg [dreg:$0x5]  }
0x1c: {  	[sflag:s20] =	ssyncadd.s32 $0xFFFFF800;
	s26 =	sshrl.u32 s3, $0x3  }
0x1d: {  	[spmem:s26], [sflag:s7] =	dma.local [hbm:s5], $0x800  }
0x1e: {  	_ =	swait.ge [sflag:s20], $0x800  }
0x1f: {  	[sflag:s20] =	ssyncset.done $0x0  }
0x20: {  	s28 =	sshrl.u32 s9, $0x3;
	[sflag:s20] =	ssyncadd.s32 $0xFFFFF800  }
0x21: {  	[spmem:s28], [sflag:s7] =	dma.local [hbm:s5], $0x800  }
0x22: {  	_ =	swait.ge [sflag:s20], $0x800  }
0x23: {  	[sflag:s20] =	ssyncset.done $0x0  }
0x24: {  	s29 =	sshrl.u32 s10, $0x3;
	[sflag:s20] =	ssyncadd.s32 $0xFFFFF800  }
0x25: {  	[spmem:s29], [sflag:s7] =	dma.local [hbm:s5], $0x800  }
0x26: {  	_ =	swait.ge [sflag:s20], $0x800  }
0x27: {  	[sflag:s20] =	ssyncset.done $0x0  }
0x28: {  	s30 =	sshrl.u32 s11, $0x3;
	[sflag:s20] =	ssyncadd.s32 $0xFFFFF800  }
0x29: {  	[spmem:s30], [sflag:s7] =	dma.local [hbm:s5], $0x800  }
0x2a: {  	_ =	swait.ge [sflag:s20], $0x800  }
0x2b: {  	[sflag:s20] =	ssyncset.done $0x0  }
0x2c: {  	[sflag:s20] =	ssyncadd.s32 $0xFFFFF800  }
0x2d: {  	s6 =	sadd.s32 $0x0, s19;
	[bflag:$0x0] =	sbarrier.arrive $0xFFFF  }
0x2e: {  	[tilespmem:s2], [sflag:$0x2] =	stream.linear.gather [hbm4b:s6+s2], $0x80, $0x38;
	[tilespmem:$0x18100] =	vst v63  }
0x2f: {  	_ =	swait.ge [sflag:s20], $0x80  }
0x30: {  	[sflag:s20] =	ssyncset.done $0x0  }
0x31: {  	s8 =	sadd.s32 $0x0, s18;
	[sflag:s20] =	ssyncadd.s32 $0xFFFFFF80  }
0x32: {  	[tilespmem:s21], [sflag:$0x2] =	stream.linear.gather [hbm4b:s8+s2], $0x80, $0x38;
	[tilespmem:$0x18100] =	vst v63  }
0x33: {  	_ =	swait.ge [sflag:s20], $0x80  }
0x34: {  	[sflag:s20] =	ssyncset.done $0x0  }
0x35: {  	[sflag:s20] =	ssyncadd.s32 $0xFFFFFF80  }
0x36: {  	[tilespmem:s22], [sflag:$0x1] =	stream.indirect.gather [hbm4b:s4+s21], $0x80, s2, s21, $0xb8;
	[tilespmem:$0x18100] =	vst v63  }
0x37: {  	_ =	swait.ge [sflag:s23], $0x4000  }
0x38: {  	[sflag:s23] =	ssyncset.done $0x0  }
0x39: {  	[sflag:s23] =	ssyncadd.s32 $0xFFFFC000  }
0x3a: {  	[spmem:s1] =	stream.indirect.scatter.add.f32 [tilespmem:s22], [sflag:$0x2], $0x80, s21, s21, $0xb8;
	[tilespmem:$0x18100] =	vst v63  }
0x3b: {  	_ =	swait.ge [sflag:s20], $0x4000  }
0x3c: {  	s31 =	simm.s32 $0x10;
	s0 =	simm.s32 $0x20;
	[sflag:s20] =	ssyncset.done $0x0  }
.LBB2_2:
0x3d: {  	s3 =	sadd.s32 s31, s19  }
0x3e: {  	[sflag:s20] =	ssyncadd.s32 $0xFFFFC000;
	s6 =	smov.u32 s0;
	s8 =	sadd.s32 $0x10, s0  }
0x3f: {  	[tilespmem:s2], [sflag:$0x2] =	stream.linear.gather [hbm4b:s3+s2], $0x80, $0x38;
	[tilespmem:$0x18100] =	vst v63  }
0x40: {  	p0 =	sne.s32 s0, $0x4E0;
	_ =	swait.ge [sflag:s20], $0x80  }
0x41: {  	[sflag:s20] =	ssyncset.done $0x0  }
0x42: {  	s0 =	sadd.s32 s31, s18;
	s31 =	smov.u32 s6;
	[sflag:s20] =	ssyncadd.s32 $0xFFFFFF80  }
0x43: {  	[tilespmem:s21], [sflag:$0x2] =	stream.linear.gather [hbm4b:s0+s2], $0x80, $0x38;
	[tilespmem:$0x18100] =	vst v63  }
0x44: {  	_ =	swait.ge [sflag:s20], $0x80  }
0x45: {  	[sflag:s20] =	ssyncset.done $0x0  }
0x46: {  	[sflag:s20] =	ssyncadd.s32 $0xFFFFFF80  }
0x47: {  	[tilespmem:s22], [sflag:$0x1] =	stream.indirect.gather [hbm4b:s4+s21], $0x80, s2, s21, $0xb8;
	[tilespmem:$0x18100] =	vst v63  }
0x48: {  	_ =	swait.ge [sflag:s23], $0x4000  }
.Ltmp0:
0x49: {  	[sflag:s23] =	ssyncset.done $0x0;
	(pc) =	sbr.rel @p0 .LBB2_2-.Ltmp0, $4  }
0x4a: {  	[sflag:s23] =	ssyncadd.s32 $0xFFFFC000  }
0x4b: {  	[spmem:s1] =	stream.indirect.scatter.add.f32 [tilespmem:s22], [sflag:$0x2], $0x80, s21, s21, $0xb8;
	[tilespmem:$0x18100] =	vst v63  }
0x4c: {  	_ =	swait.ge [sflag:s20], $0x4000  }
0x4d: {  	s0 =	smov.u32 s8;
	[sflag:s20] =	ssyncset.done $0x0  }
0x4e: {  	s0 =	sadd.s32 s31, s19;
	[sflag:s20] =	ssyncadd.s32 $0xFFFFC000  }
0x4f: {  	[tilespmem:s2], [sflag:$0x2] =	stream.linear.gather [hbm4b:s0+s2], $0x80, $0x38;
	[tilespmem:$0x18100] =	vst v63  }
0x50: {  	_ =	swait.ge [sflag:s20], $0x80  }
0x51: {  	[sflag:s20] =	ssyncset.done $0x0  }
0x52: {  	s31 =	sadd.s32 s31, s18;
	[sflag:s20] =	ssyncadd.s32 $0xFFFFFF80  }
0x53: {  	[tilespmem:s21], [sflag:$0x2] =	stream.linear.gather [hbm4b:s31+s2], $0x80, $0x38;
	[tilespmem:$0x18100] =	vst v63  }
0x54: {  	_ =	swait.ge [sflag:s20], $0x80  }
0x55: {  	[sflag:s20] =	ssyncset.done $0x0  }
0x56: {  	[sflag:s20] =	ssyncadd.s32 $0xFFFFFF80  }
0x57: {  	[tilespmem:s22], [sflag:$0x1] =	stream.indirect.gather [hbm4b:s4+s21], $0x80, s2, s21, $0xb8;
	[tilespmem:$0x18100] =	vst v63  }
0x58: {  	_ =	swait.ge [sflag:s23], $0x4000  }
0x59: {  	[sflag:s23] =	ssyncset.done $0x0  }
0x5a: {  	[sflag:s23] =	ssyncadd.s32 $0xFFFFC000  }
0x5b: {  	[spmem:s1] =	stream.indirect.scatter.add.f32 [tilespmem:s22], [sflag:$0x2], $0x80, s21, s21, $0xb8;
	[tilespmem:$0x18100] =	vst v63  }
0x5c: {  	_ =	swait.ge [sflag:s20], $0x4000  }
0x5d: {  	[sflag:s20] =	ssyncset.done $0x0  }
0x5e: {  	[sflag:s20] =	ssyncadd.s32 $0xFFFFC000  }
0x5f: {  	[bflag:$0x0] =	sbarrier.arrive $0xFFFF  }
0x60: {  	[hbm:s12], [sflag:s7] =	dma.local [spmem:s25], $0x800  }
0x61: {  	_ =	swait.ge [sflag:s20], $0x800  }
0x62: {  	[sflag:s20] =	ssyncset.done $0x0  }
0x63: {  	[sflag:s20] =	ssyncadd.s32 $0xFFFFF800  }
0x64: {  	[hbm:s13], [sflag:s7] =	dma.local [spmem:s26], $0x800  }
0x65: {  	_ =	swait.ge [sflag:s20], $0x800  }
0x66: {  	[sflag:s20] =	ssyncset.done $0x0  }
0x67: {  	[sflag:s20] =	ssyncadd.s32 $0xFFFFF800  }
0x68: {  	[hbm:s14], [sflag:s7] =	dma.local [spmem:s28], $0x800  }
0x69: {  	_ =	swait.ge [sflag:s20], $0x800  }
0x6a: {  	[sflag:s20] =	ssyncset.done $0x0  }
0x6b: {  	[sflag:s20] =	ssyncadd.s32 $0xFFFFF800  }
0x6c: {  	[hbm:s15], [sflag:s7] =	dma.local [spmem:s29], $0x800  }
0x6d: {  	s24 =	sadd.s32 $0x1, s24;
	_ =	swait.ge [sflag:s20], $0x800  }
0x6e: {  	p0 =	sne.s32 s24, s17;
	[sflag:s20] =	ssyncset.done $0x0  }
.Ltmp1:
0x6f: {  	[sflag:s20] =	ssyncadd.s32 $0xFFFFF800;
	(pc) =	sbr.rel @p0 .LBB2_1-.Ltmp1, $4  }
0x70: {  	[hbm:s16], [sflag:s7] =	dma.local [spmem:s30], $0x800  }
0x71: {  	_ =	swait.ge [sflag:s20], $0x800  }
0x72: {  	[sflag:s20] =	ssyncset.done $0x0  }
0x73: {  	[sflag:s20] =	ssyncadd.s32 $0xFFFFF800  }
0x74: {  	_ =	sfence.sel $0x180000  }
0x75: {  	[bflag:$0x0] =	sbarrier.arrive $0xFFFF  }
0x76: {  	_ =	strace $0x9000004D  }
0x77: {  	s0 =	stileid.u32;
	[bflag:$0x2] =	sbarrier.arrive $0xFFFF  }
0x78: {  	p0 =	sne.s32 s0, $0x0;
	s0 =	rddreg [dreg:$0x3]  }
0x79: {  	s0 =	sadd.s32 @!p0 $0x100000, s0  }
0x7a: {  	[sflag:s0] =	ssyncadd.tile.s32 @!p0 $0x1;
	_ =	shalt  }
.Lfunc_end2:
_tile_overlayer_lowered:
.L_overlay_start_2:
0x7b: {  	(tag) =	ssettag $0x2  }
0x7c: {  	s0 =	rddreg [dreg:$0x0];
	s2 =	stileid.u32  }
0x7d: {  	s1 =	rddreg [dreg:$0x1];
	p0 =	sne.s32 s2, $0x0  }
0x7e: {  	s3 =	rddreg [dreg:$0x2];
	[bflag:$0x3] =	sbarrier.arrive $0xFFFF;
	s2 =	simm.s32 @!p0 $0x1C02  }
0x7f: {  	[timem:s3], [sflag:s2] =	dma.local @!p0 [hbm:s0], s1  }
0x80: {  	s0 =	simm.s32 @!p0 $0x2  }
0x81: {  	_ =	swait.ge @!p0 [sflag:s0], s1  }
0x82: {  	s1 =	ssub.s32 @!p0 $0x0, s1;
	[sflag:s0] =	ssyncset.done @!p0 $0x0  }
0x83: {  	[sflag:s0] =	ssyncadd.s32 @!p0 s1  }
0x84: {  	[bflag:$0x3] =	sbarrier.arrive $0xFFFF  }
0x85: {  	_ =	shalt  }

// kernel: kernel.18.cloned.1.call-start
scs
__scs_entry_jumppad:
0x0: {  	(pc) =	sbr.rel $0x88, $3  }
0x1: {  	(tag) =	ssettag $0x0;
	lr =	simm.s32 $0x1  }
0x2: {  	[smem:$0x3F96] =	sst lr;
	_ =	strace $0xD0000000  }
0x3: {  	_ = 	snop  }
0x4: {  	_ = 	snop  }
0x5: {  	_ = 	snop  }
0x6: {  	_ = 	snop  }
0x7: {  	_ = 	snop  }
__scs_overlays_trampoline_lowered:
0x8: {  	[smem:$0x3FA5] =	sst s0  }
0x9: {  	[smem:$0x3FA6] =	sst s1  }
0xa: {  	[smem:$0x3FA7] =	sst s2  }
0xb: {  	[smem:$0x3FA8] =	sst s3  }
0xc: {  	[smem:$0x3FA9] =	sst s4  }
0xd: {  	[smem:$0x3FAA] =	sst s5  }
0xe: {  	[smem:$0x3FAB] =	sst s6  }
0xf: {  	[smem:$0x3FAC] =	sst s7  }
0x10: {  	[smem:$0x3FAD] =	sst s8  }
0x11: {  	[smem:$0x3FAE] =	sst s9;
	s0 =	simm.s32 @!p0 $0x0  }
0x12: {  	s1 =	sld [smem:$0x3F94];
	s0 =	simm.s32 @p0 $0x1  }
0x13: {  	[smem:$0x3FAF] =	sst s0;
	s0 =	simm.s32 @!p1 $0x0  }
0x14: {  	s2 =	sld [smem:$0x3F93];
	s0 =	simm.s32 @p1 $0x1  }
0x15: {  	[smem:$0x3FB0] =	sst s0;
	s0 =	simm.s32 @!p2 $0x0  }
0x16: {  	s3 =	sld [smem:$0x3FDB];
	s0 =	simm.s32 @p2 $0x1  }
0x17: {  	s4 =	simm.s32 $0x1BF5;
	[smem:$0x3FB2] =	sst s0  }
0x18: {  	s0 =	sld [smem:$0x3F95];
	_ =	swait.ge [sflag:s4], $0x0  }
0x19: {  	s7 =	sld [smem:$0x3F96]  }
0x1a: {  	s8 =	sadd.s32 $0xFFFFE003, lr  }
0x1b: {  	s9 =	sadd.s32 $0xFFFFFEF7, lr;
	s5 =	simm.s32 $0xFFFFFFFF;
	p2 =	slt.u32 s8, $0xFFFFF086  }
0x1c: {  	p1 =	slt.u32 s9, $0xF7A;
	s5 =	simm.s32 @!p2 $0x0  }
0x1d: {  	s5 =	simm.s32 @p1 $0x1;
	p0 =	seq.s32 s7, s2  }
0x1e: {  	s7 =	smul.u32 @!p0 $0xF7A, s2;
	p2 =	seq.s32 @!p0 s5, $0x0  }
0x1f: {  	s9 =	smul.u32 $0xF7A, s1;
	s8 =	simm.s32 @!p0 $0x1BF5;
	p2 =	por !p2, p0  }
0x20: {  	[sflag:s8] =	ssyncset.s32 @!p0 $0xFFFFF086;
	s6 =	sadd.s32 @!p0 s3, s7;
	s7 =	simm.s32 @!p0 $0x108  }
0x21: {  	s3 =	sadd.s32 s3, s9;
	s6 =	sadd.s32 @!p0 $0x88, s6;
	s7 =	simm.s32 @p2 $0x1082  }
0x22: {  	[simem:s7], [sflag:s8] =	dma.local @!p0 [hbm:s6], $0xF7A  }
0x23: {  	s9 =	sor.u32 $0xD0000000, s2;
	s6 =	simm.s32 $0x108;
	_ =	swait.ge @!p0 [sflag:s8], $0x0  }
0x24: {  	s3 =	sadd.s32 $0x88, s3;
	s6 =	simm.s32 @!p1 $0x1082;
	[sflag:s4] =	ssyncset.s32 $0xFFFFF086  }
0x25: {  	[simem:s6], [sflag:s4] =	dma.local [hbm:s3], $0xF7A  }
0x26: {  	[smem:$0x3F96] =	sst s1;
	(tag) =	ssettag s2;
	_ =	strace s9  }
0x27: {  	s1 =	sld [smem:$0x3FA6]  }
0x28: {  	s2 =	sld [smem:$0x3FA7]  }
0x29: {  	s4 =	sld [smem:$0x3FA9]  }
0x2a: {  	p0 =	seq.s32 s5, $0x0;
	s5 =	sld [smem:$0x3FAA]  }
0x2b: {  	s6 =	sld [smem:$0x3FAB]  }
0x2c: {  	s7 =	sld [smem:$0x3FAC]  }
0x2d: {  	s3 =	simm.s32 $0x108;
	s8 =	sld [smem:$0x3FAD]  }
0x2e: {  	s3 =	simm.s32 @!p0 $0x1082;
	s9 =	sld [smem:$0x3FAE]  }
0x2f: {  	lr =	sadd.s32 s0, s3;
	s0 =	sld [smem:$0x3FA5]  }
0x30: {  	s3 =	sld [smem:$0x3FA8]  }
0x31: {  	[smem:$0x3FB1] =	sst s10  }
0x32: {  	s10 =	sld [smem:$0x3FAF];
	_ =	sdelay $0x3  }
0x33: {  	p0 =	seq.s32 s10, $0x1;
	s10 =	sld [smem:$0x3FB1];
	_ =	sdelay $0x3  }
0x34: {  	[smem:$0x3FB1] =	sst s10  }
0x35: {  	s10 =	sld [smem:$0x3FB0];
	_ =	sdelay $0x3  }
0x36: {  	p1 =	seq.s32 s10, $0x1;
	s10 =	sld [smem:$0x3FB1];
	_ =	sdelay $0x3  }
0x37: {  	[smem:$0x3FB1] =	sst s10  }
0x38: {  	s10 =	sld [smem:$0x3FB2]  }
0x39: {  	_ = 	snop;
	(pc) =	sbr.ind lr, $3  }
0x3a: {  	_ = 	snop  }
0x3b: {  	_ = 	snop  }
0x3c: {  	p2 =	seq.s32 s10, $0x1;
	s10 =	sld [smem:$0x3FB1]  }
0x3d: {  	_ =	shalt  }
0x3e: {  	_ =	shalt  }
0x3f: {  	_ =	shalt  }
0x40: {  	_ =	shalt  }
0x41: {  	_ =	shalt  }
0x42: {  	_ =	shalt  }
0x43: {  	_ =	shalt  }
0x44: {  	_ =	shalt  }
0x45: {  	_ =	shalt  }
0x46: {  	_ =	shalt  }
0x47: {  	_ =	shalt  }
0x48: {  	_ =	shalt  }
0x49: {  	_ =	shalt  }
0x4a: {  	_ =	shalt  }
0x4b: {  	_ =	shalt  }
0x4c: {  	_ =	shalt  }
0x4d: {  	_ =	shalt  }
0x4e: {  	_ =	shalt  }
0x4f: {  	_ =	shalt  }
0x50: {  	_ =	shalt  }
0x51: {  	_ =	shalt  }
0x52: {  	_ =	shalt  }
0x53: {  	_ =	shalt  }
0x54: {  	_ =	shalt  }
0x55: {  	_ =	shalt  }
0x56: {  	_ =	shalt  }
0x57: {  	_ =	shalt  }
0x58: {  	_ =	shalt  }
0x59: {  	_ =	shalt  }
0x5a: {  	_ =	shalt  }
0x5b: {  	_ =	shalt  }
0x5c: {  	_ =	shalt  }
0x5d: {  	_ =	shalt  }
0x5e: {  	_ =	shalt  }
0x5f: {  	_ =	shalt  }
0x60: {  	_ =	shalt  }
0x61: {  	_ =	shalt  }
0x62: {  	_ =	shalt  }
0x63: {  	_ =	shalt  }
0x64: {  	_ =	shalt  }
0x65: {  	_ =	shalt  }
0x66: {  	_ =	shalt  }
0x67: {  	_ =	shalt  }
0x68: {  	_ =	shalt  }
0x69: {  	_ =	shalt  }
0x6a: {  	_ =	shalt  }
0x6b: {  	_ =	shalt  }
0x6c: {  	_ =	shalt  }
0x6d: {  	_ =	shalt  }
0x6e: {  	_ =	shalt  }
0x6f: {  	_ =	shalt  }
0x70: {  	_ =	shalt  }
0x71: {  	_ =	shalt  }
0x72: {  	_ =	shalt  }
0x73: {  	_ =	shalt  }
0x74: {  	_ =	shalt  }
0x75: {  	_ =	shalt  }
0x76: {  	_ =	shalt  }
0x77: {  	_ =	shalt  }
0x78: {  	_ =	shalt  }
0x79: {  	_ =	shalt  }
0x7a: {  	_ =	shalt  }
0x7b: {  	_ =	shalt  }
0x7c: {  	_ =	shalt  }
0x7d: {  	_ =	shalt  }
0x7e: {  	_ =	shalt  }
0x7f: {  	_ =	shalt  }
0x80: {  	_ =	shalt  }
0x81: {  	_ =	shalt  }
0x82: {  	_ =	shalt  }
0x83: {  	_ =	shalt  }
0x84: {  	_ =	shalt  }
0x85: {  	_ =	shalt  }
0x86: {  	_ =	shalt  }
0x87: {  	_ =	shalt  }
.Lfunc_end0:
.L_simem_size_0:
called_computation.3_lowered:
.L_overlay_start_0:
0x88: {  	s2 =	sld [smem:$0x3FD9]  }
0x89: {  	s3 =	sld [smem:$0x3FFE];
	_ =	sdelay $0x1  }
0x8a: {  	s1 =	srdreg.scid  }
0x8b: {  	s0 =	sand.u32 $0x1, s1  }
0x8c: {  	s17 =	sshll.u32 s0, $0xA;
	s2 =	sadd.s32 s3, s2  }
0x8d: {  	s2 =	sadd.s32 s2, s17  }
0x8e: {  	[smem:$0x3FBD] =	sst s2  }
0x8f: {  	_ = 	snop  }
0x90: {  	s2 =	sld [smem:$0x3FD0];
	(tm) =	ssettm $0x1  }
0x91: {  	s18 =	sld [smem:$0x3FFB];
	_ =	sdelay $0x3  }
0x92: {  	_ =	strace s18  }
0x93: {  	s3 =	sld [smem:$0x3FFC];
	_ =	sdelay $0x3  }
0x94: {  	_ =	strace s3  }
0x95: {  	s3 =	sld [smem:$0x3FFD];
	_ =	sdelay $0x3  }
0x96: {  	_ =	strace s3  }
0x97: {  	_ =	strace $0x8FFFFFFF  }
0x98: {  	s19 =	sld [smem:$0x3FDB];
	_ =	sdelay $0x1  }
0x99: {  	s4 =	simm.s32 $_scs_section_size  }
0x9a: {  	s5 =	simm.s32 $_size__tile_overlayer_lowered;
	s6 =	simm.s32 $_tile_overlayer_lowered  }
0x9b: {  	s22 =	simm.s32 $0x1BFF;
	s21 =	sshll.u32 s6, $0x1;
	s3 =	sadd.s32 s4, s19  }
0x9c: {  	s7 =	simm.s32 $0x0;
	s20 =	sshll.u32 s5, $0x1;
	s5 =	sadd.s32 s21, s3  }
0x9d: {  	[timem:s7], [sflag:s22] =	dma.local [hbm:s5], s20  }
0x9e: {  	_ =	swait.ge [sflag:s22], s20  }
0x9f: {  	s4 =	ssub.s32 $0x0, s20;
	[sflag:s22] =	ssyncset.done $0x0  }
0xa0: {  	[sflag:s22] =	ssyncadd.s32 s4;
	_ =	sdelay $0x1  }
0xa1: {  	s23 =	simm.s32 $0x1B8B  }
0xa2: {  	_ =	swait.ge [sflag:s23], $0x1  }
0xa3: {  	[sflag:s23] =	ssyncset.done $0x0  }
0xa4: {  	s25 =	simm.s32 $0x1B8E;
	s24 =	sld [smem:$0x3FFE];
	[sflag:s23] =	ssyncadd.s32 $0xFFFFFFFF  }
0xa5: {  	s26 =	simm.s32 $execute0_lowered;
	[smem:$0x3FD2] =	sst s25  }
0xa6: {  	s5 =	sshll.u32 s26, $0x1;
	_ =	strace $0x8000004F;
	[dreg:$0x1] =	wrdreg $0xFFFFFFFF  }
0xa7: {  	s28 =	simm.s32 $_size_execute0_lowered;
	s3 =	sadd.s32 s3, s5;
	[dreg:$0x0] =	wrdreg $0x0  }
0xa8: {  	s5 =	sshll.u32 s28, $0x1;
	[dreg:$0x2] =	wrdreg s3  }
0xa9: {  	[dreg:$0x3] =	wrdreg s5  }
0xaa: {  	[dreg:$0x4] =	wrdreg $0xC0  }
0xab: {  	_ =	task [dreg:s7], $0x5FFFF  }
0xac: {  	[dreg:$0x1] =	wrdreg $0xFFFFFFFF  }
0xad: {  	[dreg:$0x0] =	wrdreg $0x60  }
0xae: {  	[dreg:$0x2] =	wrdreg s24  }
0xaf: {  	[dreg:$0x3] =	wrdreg s2  }
0xb0: {  	[dreg:$0x4] =	wrdreg $0x41000  }
0xb1: {  	[dreg:$0x5] =	wrdreg $0x9  }
0xb2: {  	_ =	task.clear_ibuf [dreg:s7], $0x6FFFF;
	_ =	strace $0x9000004F  }
0xb3: {  	s29 =	simm.s32 $0x9;
	_ =	strace $0x80000051  }
0xb4: {  	_ =	swait.ge [sflag:s29], $0x1  }
0xb5: {  	[sflag:s29] =	ssyncadd.s32 $0xFFFFFFFF  }
0xb6: {  	_ =	strace $0x90000051  }
0xb7: {  	_ =	sfence  }
0xb8: {  	s30 =	sld [smem:$0x0];
	_ =	sdelay $0x2  }
0xb9: {  	s31 =	sshll.u32 s1, $0xD;
	s1 =	sshrl.u32 s1, $0x2  }
0xba: {  	s3 =	sand.u32 $0x4000, s31;
	s1 =	sadd.s32 s1, s30  }
0xbb: {  	s0 =	sor.u32 s3, s0;
	s1 =	sshll.u32 s1, $0x11  }
0xbc: {  	s0 =	sor.u32 s1, s0  }
0xbd: {  	s0 =	sadd.s32 $0x8F2B, s0  }
0xbe: {  	[sflag:s0] =	ssyncadd.remote.s32 $0x1  }
0xbf: {  	_ =	sfence.sel $0xFFFF  }
0xc0: {  	[dreg:$0x0] =	wrdreg $0xFFFFFFFF;
	(pc) =	sbr.abs _section_cstart, $3  }
0xc1: {  	[dreg:$0x1] =	wrdreg $0xFFFFFFFF  }
0xc2: {  	_ =	task.clear_ibuf [dreg:s7], $0x2FFFF;
	_ =	strace $0x9FFFFFFF  }
0xc3: {  	(tm) =	ssettm $0x7FFFFFFF  }
tec
execute0_lowered:
.L_overlay_start_1:
0x0: {  	(tag) =	ssettag $0x1  }
0x1: {  	s0 =	rddreg [dreg:$0x0]  }
0x2: {  	s19 =	rddreg [dreg:$0x1]  }
0x3: {  	s1 =	rddreg [dreg:$0x2]  }
0x4: {  	s2 =	simm.s32 $0x0;
	s3 =	srdreg.scid;
	s24 =	stileid.u32  }
0x5: {  	s22 =	simm.s32 $0x100;
	s23 =	simm.s32 $0x1;
	s7 =	smul.u32 $0x50000, s24  }
0x6: {  	[smem:$0x7FF] =	sst s2;
	s9 =	sand.u32 $0x1, s3;
	s12 =	smul.u32 $0x14000, s24  }
0x7: {  	s4 =	sadd.s32 $0xAEA00, s0;
	s5 =	sadd.s32 $0xF200, s0;
	s29 =	smul.u32 $0x4F0, s24  }
0x8: {  	s26 =	sshll.u32 s24, $0x6;
	s24 =	simm.s32 $0x0;
	s20 =	smul.u32 $0x4F00, s9  }
0x9: {  	_ =	strace $0x80000050;
	s6 =	ssub.s32 $0x2, s9;
	s16 =	smul.u32 $0x140000, s9  }
0xa: {  	s8 =	sshrl.u32 s6, $0x1;
	s25 =	sshrl.u32 s7, $0x2;
	s13 =	sadd.s32 $0x4000, s12  }
0xb: {  	s7 =	sor.u32 $0x1C02, s26;
	s14 =	sadd.s32 $0x8000, s12;
	s15 =	sadd.s32 $0xC000, s12  }
0xc: {  	s21 =	sadd.s32 $0x10000, s12;
	s17 =	sadd.s32 s20, s0;
	s0 =	sadd.s32 $0xD5C00, s0  }
0xd: {  	s18 =	ssub.s32 s6, s8;
	s6 =	sadd.s32 s25, s1;
	s28 =	sadd.s32 s13, s1  }
0xe: {  	s9 =	sadd.s32 s14, s1;
	s10 =	sadd.s32 s15, s1;
	s11 =	sadd.s32 s21, s1  }
0xf: {  	s12 =	sadd.s32 s12, s16;
	s13 =	sadd.s32 s16, s13;
	s14 =	sadd.s32 s16, s14  }
0x10: {  	s15 =	sadd.s32 s16, s15;
	s16 =	sadd.s32 s16, s21;
	s31 =	sadd.s32 s20, s19  }
0x11: {  	s20 =	simm.s32 $0x2;
	s21 =	simm.s32 $0x80;
	[dreg:$0x4] =	wrdreg s6  }
0x12: {  	[dreg:$0x5] =	wrdreg s28;
	s12 =	sshrl.u32 s12, $0x3;
	s13 =	sshrl.u32 s13, $0x3  }
0x13: {  	s14 =	sshrl.u32 s14, $0x3;
	s15 =	sshrl.u32 s15, $0x3;
	s16 =	sshrl.u32 s16, $0x3  }
0x14: {  	s30 =	sadd.s32 s29, s17;
	s17 =	smax.u32 s18, $0x1;
	s19 =	sadd.s32 s29, s31  }
0x15: {  	s12 =	sadd.s32 s0, s12;
	s13 =	sadd.s32 s0, s13;
	s14 =	sadd.s32 s0, s14  }
0x16: {  	s15 =	sadd.s32 s0, s15;
	s16 =	sadd.s32 s0, s16;
	s18 =	sadd.s32 $0x5400, s30  }
.LBB2_1:
0x17: {  	s0 =	rddreg [dreg:$0x4]  }
0x18: {  	s25 =	sshrl.u32 s0, $0x3  }
0x19: {  	[spmem:s25], [sflag:s7] =	dma.local [hbm:s5], $0x800  }
0x1a: {  	_ =	swait.ge [sflag:s20], $0x800  }
0x1b: {  	[sflag:s20] =	ssyncset.done $0x0;
	s3 =	rddreg [dreg:$0x5]  }
0x1c: {  	[sflag:s20] =	ssyncadd.s32 $0xFFFFF800;
	s26 =	sshrl.u32 s3, $0x3  }
0x1d: {  	[spmem:s26], [sflag:s7] =	dma.local [hbm:s5], $0x800  }
0x1e: {  	_ =	swait.ge [sflag:s20], $0x800  }
0x1f: {  	[sflag:s20] =	ssyncset.done $0x0  }
0x20: {  	s28 =	sshrl.u32 s9, $0x3;
	[sflag:s20] =	ssyncadd.s32 $0xFFFFF800  }
0x21: {  	[spmem:s28], [sflag:s7] =	dma.local [hbm:s5], $0x800  }
0x22: {  	_ =	swait.ge [sflag:s20], $0x800  }
0x23: {  	[sflag:s20] =	ssyncset.done $0x0  }
0x24: {  	s29 =	sshrl.u32 s10, $0x3;
	[sflag:s20] =	ssyncadd.s32 $0xFFFFF800  }
0x25: {  	[spmem:s29], [sflag:s7] =	dma.local [hbm:s5], $0x800  }
0x26: {  	_ =	swait.ge [sflag:s20], $0x800  }
0x27: {  	[sflag:s20] =	ssyncset.done $0x0  }
0x28: {  	s30 =	sshrl.u32 s11, $0x3;
	[sflag:s20] =	ssyncadd.s32 $0xFFFFF800  }
0x29: {  	[spmem:s30], [sflag:s7] =	dma.local [hbm:s5], $0x800  }
0x2a: {  	_ =	swait.ge [sflag:s20], $0x800  }
0x2b: {  	[sflag:s20] =	ssyncset.done $0x0  }
0x2c: {  	[sflag:s20] =	ssyncadd.s32 $0xFFFFF800  }
0x2d: {  	s6 =	sadd.s32 $0x0, s19;
	[bflag:$0x0] =	sbarrier.arrive $0xFFFF  }
0x2e: {  	[tilespmem:s2], [sflag:$0x2] =	stream.linear.gather [hbm4b:s6+s2], $0x80, $0x38;
	[tilespmem:$0x18100] =	vst v63  }
0x2f: {  	_ =	swait.ge [sflag:s20], $0x80  }
0x30: {  	[sflag:s20] =	ssyncset.done $0x0  }
0x31: {  	s8 =	sadd.s32 $0x0, s18;
	[sflag:s20] =	ssyncadd.s32 $0xFFFFFF80  }
0x32: {  	[tilespmem:s21], [sflag:$0x2] =	stream.linear.gather [hbm4b:s8+s2], $0x80, $0x38;
	[tilespmem:$0x18100] =	vst v63  }
0x33: {  	_ =	swait.ge [sflag:s20], $0x80  }
0x34: {  	[sflag:s20] =	ssyncset.done $0x0  }
0x35: {  	[sflag:s20] =	ssyncadd.s32 $0xFFFFFF80  }
0x36: {  	[tilespmem:s22], [sflag:$0x1] =	stream.indirect.gather [hbm4b:s4+s21], $0x80, s2, s21, $0xb8;
	[tilespmem:$0x18100] =	vst v63  }
0x37: {  	_ =	swait.ge [sflag:s23], $0x4000  }
0x38: {  	[sflag:s23] =	ssyncset.done $0x0  }
0x39: {  	[sflag:s23] =	ssyncadd.s32 $0xFFFFC000  }
0x3a: {  	[spmem:s1] =	stream.indirect.scatter.add.f32 [tilespmem:s22], [sflag:$0x2], $0x80, s21, s21, $0xb8;
	[tilespmem:$0x18100] =	vst v63  }
0x3b: {  	_ =	swait.ge [sflag:s20], $0x4000  }
0x3c: {  	s31 =	simm.s32 $0x10;
	s0 =	simm.s32 $0x20;
	[sflag:s20] =	ssyncset.done $0x0  }
.LBB2_2:
0x3d: {  	s3 =	sadd.s32 s31, s19  }
0x3e: {  	[sflag:s20] =	ssyncadd.s32 $0xFFFFC000;
	s6 =	smov.u32 s0;
	s8 =	sadd.s32 $0x10, s0  }
0x3f: {  	[tilespmem:s2], [sflag:$0x2] =	stream.linear.gather [hbm4b:s3+s2], $0x80, $0x38;
	[tilespmem:$0x18100] =	vst v63  }
0x40: {  	p0 =	sne.s32 s0, $0x4E0;
	_ =	swait.ge [sflag:s20], $0x80  }
0x41: {  	[sflag:s20] =	ssyncset.done $0x0  }
0x42: {  	s0 =	sadd.s32 s31, s18;
	s31 =	smov.u32 s6;
	[sflag:s20] =	ssyncadd.s32 $0xFFFFFF80  }
0x43: {  	[tilespmem:s21], [sflag:$0x2] =	stream.linear.gather [hbm4b:s0+s2], $0x80, $0x38;
	[tilespmem:$0x18100] =	vst v63  }
0x44: {  	_ =	swait.ge [sflag:s20], $0x80  }
0x45: {  	[sflag:s20] =	ssyncset.done $0x0  }
0x46: {  	[sflag:s20] =	ssyncadd.s32 $0xFFFFFF80  }
0x47: {  	[tilespmem:s22], [sflag:$0x1] =	stream.indirect.gather [hbm4b:s4+s21], $0x80, s2, s21, $0xb8;
	[tilespmem:$0x18100] =	vst v63  }
0x48: {  	_ =	swait.ge [sflag:s23], $0x4000  }
.Ltmp0:
0x49: {  	[sflag:s23] =	ssyncset.done $0x0;
	(pc) =	sbr.rel @p0 .LBB2_2-.Ltmp0, $4  }
0x4a: {  	[sflag:s23] =	ssyncadd.s32 $0xFFFFC000  }
0x4b: {  	[spmem:s1] =	stream.indirect.scatter.add.f32 [tilespmem:s22], [sflag:$0x2], $0x80, s21, s21, $0xb8;
	[tilespmem:$0x18100] =	vst v63  }
0x4c: {  	_ =	swait.ge [sflag:s20], $0x4000  }
0x4d: {  	s0 =	smov.u32 s8;
	[sflag:s20] =	ssyncset.done $0x0  }
0x4e: {  	s0 =	sadd.s32 s31, s19;
	[sflag:s20] =	ssyncadd.s32 $0xFFFFC000  }
0x4f: {  	[tilespmem:s2], [sflag:$0x2] =	stream.linear.gather [hbm4b:s0+s2], $0x80, $0x38;
	[tilespmem:$0x18100] =	vst v63  }
0x50: {  	_ =	swait.ge [sflag:s20], $0x80  }
0x51: {  	[sflag:s20] =	ssyncset.done $0x0  }
0x52: {  	s31 =	sadd.s32 s31, s18;
	[sflag:s20] =	ssyncadd.s32 $0xFFFFFF80  }
0x53: {  	[tilespmem:s21], [sflag:$0x2] =	stream.linear.gather [hbm4b:s31+s2], $0x80, $0x38;
	[tilespmem:$0x18100] =	vst v63  }
0x54: {  	_ =	swait.ge [sflag:s20], $0x80  }
0x55: {  	[sflag:s20] =	ssyncset.done $0x0  }
0x56: {  	[sflag:s20] =	ssyncadd.s32 $0xFFFFFF80  }
0x57: {  	[tilespmem:s22], [sflag:$0x1] =	stream.indirect.gather [hbm4b:s4+s21], $0x80, s2, s21, $0xb8;
	[tilespmem:$0x18100] =	vst v63  }
0x58: {  	_ =	swait.ge [sflag:s23], $0x4000  }
0x59: {  	[sflag:s23] =	ssyncset.done $0x0  }
0x5a: {  	[sflag:s23] =	ssyncadd.s32 $0xFFFFC000  }
0x5b: {  	[spmem:s1] =	stream.indirect.scatter.add.f32 [tilespmem:s22], [sflag:$0x2], $0x80, s21, s21, $0xb8;
	[tilespmem:$0x18100] =	vst v63  }
0x5c: {  	_ =	swait.ge [sflag:s20], $0x4000  }
0x5d: {  	[sflag:s20] =	ssyncset.done $0x0  }
0x5e: {  	[sflag:s20] =	ssyncadd.s32 $0xFFFFC000  }
0x5f: {  	[bflag:$0x0] =	sbarrier.arrive $0xFFFF  }
0x60: {  	[hbm:s12], [sflag:s7] =	dma.local [spmem:s25], $0x800  }
0x61: {  	_ =	swait.ge [sflag:s20], $0x800  }
0x62: {  	[sflag:s20] =	ssyncset.done $0x0  }
0x63: {  	[sflag:s20] =	ssyncadd.s32 $0xFFFFF800  }
0x64: {  	[hbm:s13], [sflag:s7] =	dma.local [spmem:s26], $0x800  }
0x65: {  	_ =	swait.ge [sflag:s20], $0x800  }
0x66: {  	[sflag:s20] =	ssyncset.done $0x0  }
0x67: {  	[sflag:s20] =	ssyncadd.s32 $0xFFFFF800  }
0x68: {  	[hbm:s14], [sflag:s7] =	dma.local [spmem:s28], $0x800  }
0x69: {  	_ =	swait.ge [sflag:s20], $0x800  }
0x6a: {  	[sflag:s20] =	ssyncset.done $0x0  }
0x6b: {  	[sflag:s20] =	ssyncadd.s32 $0xFFFFF800  }
0x6c: {  	[hbm:s15], [sflag:s7] =	dma.local [spmem:s29], $0x800  }
0x6d: {  	s24 =	sadd.s32 $0x1, s24;
	_ =	swait.ge [sflag:s20], $0x800  }
0x6e: {  	p0 =	sne.s32 s24, s17;
	[sflag:s20] =	ssyncset.done $0x0  }
.Ltmp1:
0x6f: {  	[sflag:s20] =	ssyncadd.s32 $0xFFFFF800;
	(pc) =	sbr.rel @p0 .LBB2_1-.Ltmp1, $4  }
0x70: {  	[hbm:s16], [sflag:s7] =	dma.local [spmem:s30], $0x800  }
0x71: {  	_ =	swait.ge [sflag:s20], $0x800  }
0x72: {  	[sflag:s20] =	ssyncset.done $0x0  }
0x73: {  	[sflag:s20] =	ssyncadd.s32 $0xFFFFF800  }
0x74: {  	_ =	sfence.sel $0x180000  }
0x75: {  	[bflag:$0x0] =	sbarrier.arrive $0xFFFF  }
0x76: {  	_ =	strace $0x90000050  }
0x77: {  	s0 =	stileid.u32;
	[bflag:$0x2] =	sbarrier.arrive $0xFFFF  }
0x78: {  	p0 =	sne.s32 s0, $0x0;
	s0 =	rddreg [dreg:$0x3]  }
0x79: {  	s0 =	sadd.s32 @!p0 $0x100000, s0  }
0x7a: {  	[sflag:s0] =	ssyncadd.tile.s32 @!p0 $0x1;
	_ =	shalt  }
.Lfunc_end2:
_tile_overlayer_lowered:
.L_overlay_start_2:
0x7b: {  	(tag) =	ssettag $0x2  }
0x7c: {  	s0 =	rddreg [dreg:$0x0];
	s2 =	stileid.u32  }
0x7d: {  	s1 =	rddreg [dreg:$0x1];
	p0 =	sne.s32 s2, $0x0  }
0x7e: {  	s3 =	rddreg [dreg:$0x2];
	[bflag:$0x3] =	sbarrier.arrive $0xFFFF;
	s2 =	simm.s32 @!p0 $0x1C02  }
0x7f: {  	[timem:s3], [sflag:s2] =	dma.local @!p0 [hbm:s0], s1  }
0x80: {  	s0 =	simm.s32 @!p0 $0x2  }
0x81: {  	_ =	swait.ge @!p0 [sflag:s0], s1  }
0x82: {  	s1 =	ssub.s32 @!p0 $0x0, s1;
	[sflag:s0] =	ssyncset.done @!p0 $0x0  }
0x83: {  	[sflag:s0] =	ssyncadd.s32 @!p0 s1  }
0x84: {  	[bflag:$0x3] =	sbarrier.arrive $0xFFFF  }
0x85: {  	_ =	shalt  }

// kernel: kernel.9.cloned.1.call-start
scs
__scs_entry_jumppad:
0x0: {  	(pc) =	sbr.rel $0x88, $3  }
0x1: {  	(tag) =	ssettag $0x0;
	lr =	simm.s32 $0x1  }
0x2: {  	[smem:$0x3F96] =	sst lr;
	_ =	strace $0xD0000000  }
0x3: {  	_ = 	snop  }
0x4: {  	_ = 	snop  }
0x5: {  	_ = 	snop  }
0x6: {  	_ = 	snop  }
0x7: {  	_ = 	snop  }
__scs_overlays_trampoline_lowered:
0x8: {  	[smem:$0x3FA5] =	sst s0  }
0x9: {  	[smem:$0x3FA6] =	sst s1  }
0xa: {  	[smem:$0x3FA7] =	sst s2  }
0xb: {  	[smem:$0x3FA8] =	sst s3  }
0xc: {  	[smem:$0x3FA9] =	sst s4  }
0xd: {  	[smem:$0x3FAA] =	sst s5  }
0xe: {  	[smem:$0x3FAB] =	sst s6  }
0xf: {  	[smem:$0x3FAC] =	sst s7  }
0x10: {  	[smem:$0x3FAD] =	sst s8  }
0x11: {  	[smem:$0x3FAE] =	sst s9;
	s0 =	simm.s32 @!p0 $0x0  }
0x12: {  	s1 =	sld [smem:$0x3F94];
	s0 =	simm.s32 @p0 $0x1  }
0x13: {  	[smem:$0x3FAF] =	sst s0;
	s0 =	simm.s32 @!p1 $0x0  }
0x14: {  	s2 =	sld [smem:$0x3F93];
	s0 =	simm.s32 @p1 $0x1  }
0x15: {  	[smem:$0x3FB0] =	sst s0;
	s0 =	simm.s32 @!p2 $0x0  }
0x16: {  	s3 =	sld [smem:$0x3FDB];
	s0 =	simm.s32 @p2 $0x1  }
0x17: {  	s4 =	simm.s32 $0x1BF5;
	[smem:$0x3FB2] =	sst s0  }
0x18: {  	s0 =	sld [smem:$0x3F95];
	_ =	swait.ge [sflag:s4], $0x0  }
0x19: {  	s7 =	sld [smem:$0x3F96]  }
0x1a: {  	s8 =	sadd.s32 $0xFFFFE003, lr  }
0x1b: {  	s9 =	sadd.s32 $0xFFFFFEF7, lr;
	s5 =	simm.s32 $0xFFFFFFFF;
	p2 =	slt.u32 s8, $0xFFFFF086  }
0x1c: {  	p1 =	slt.u32 s9, $0xF7A;
	s5 =	simm.s32 @!p2 $0x0  }
0x1d: {  	s5 =	simm.s32 @p1 $0x1;
	p0 =	seq.s32 s7, s2  }
0x1e: {  	s7 =	smul.u32 @!p0 $0xF7A, s2;
	p2 =	seq.s32 @!p0 s5, $0x0  }
0x1f: {  	s9 =	smul.u32 $0xF7A, s1;
	s8 =	simm.s32 @!p0 $0x1BF5;
	p2 =	por !p2, p0  }
0x20: {  	[sflag:s8] =	ssyncset.s32 @!p0 $0xFFFFF086;
	s6 =	sadd.s32 @!p0 s3, s7;
	s7 =	simm.s32 @!p0 $0x108  }
0x21: {  	s3 =	sadd.s32 s3, s9;
	s6 =	sadd.s32 @!p0 $0x88, s6;
	s7 =	simm.s32 @p2 $0x1082  }
0x22: {  	[simem:s7], [sflag:s8] =	dma.local @!p0 [hbm:s6], $0xF7A  }
0x23: {  	s9 =	sor.u32 $0xD0000000, s2;
	s6 =	simm.s32 $0x108;
	_ =	swait.ge @!p0 [sflag:s8], $0x0  }
0x24: {  	s3 =	sadd.s32 $0x88, s3;
	s6 =	simm.s32 @!p1 $0x1082;
	[sflag:s4] =	ssyncset.s32 $0xFFFFF086  }
0x25: {  	[simem:s6], [sflag:s4] =	dma.local [hbm:s3], $0xF7A  }
0x26: {  	[smem:$0x3F96] =	sst s1;
	(tag) =	ssettag s2;
	_ =	strace s9  }
0x27: {  	s1 =	sld [smem:$0x3FA6]  }
0x28: {  	s2 =	sld [smem:$0x3FA7]  }
0x29: {  	s4 =	sld [smem:$0x3FA9]  }
0x2a: {  	p0 =	seq.s32 s5, $0x0;
	s5 =	sld [smem:$0x3FAA]  }
0x2b: {  	s6 =	sld [smem:$0x3FAB]  }
0x2c: {  	s7 =	sld [smem:$0x3FAC]  }
0x2d: {  	s3 =	simm.s32 $0x108;
	s8 =	sld [smem:$0x3FAD]  }
0x2e: {  	s3 =	simm.s32 @!p0 $0x1082;
	s9 =	sld [smem:$0x3FAE]  }
0x2f: {  	lr =	sadd.s32 s0, s3;
	s0 =	sld [smem:$0x3FA5]  }
0x30: {  	s3 =	sld [smem:$0x3FA8]  }
0x31: {  	[smem:$0x3FB1] =	sst s10  }
0x32: {  	s10 =	sld [smem:$0x3FAF];
	_ =	sdelay $0x3  }
0x33: {  	p0 =	seq.s32 s10, $0x1;
	s10 =	sld [smem:$0x3FB1];
	_ =	sdelay $0x3  }
0x34: {  	[smem:$0x3FB1] =	sst s10  }
0x35: {  	s10 =	sld [smem:$0x3FB0];
	_ =	sdelay $0x3  }
0x36: {  	p1 =	seq.s32 s10, $0x1;
	s10 =	sld [smem:$0x3FB1];
	_ =	sdelay $0x3  }
0x37: {  	[smem:$0x3FB1] =	sst s10  }
0x38: {  	s10 =	sld [smem:$0x3FB2]  }
0x39: {  	_ = 	snop;
	(pc) =	sbr.ind lr, $3  }
0x3a: {  	_ = 	snop  }
0x3b: {  	_ = 	snop  }
0x3c: {  	p2 =	seq.s32 s10, $0x1;
	s10 =	sld [smem:$0x3FB1]  }
0x3d: {  	_ =	shalt  }
0x3e: {  	_ =	shalt  }
0x3f: {  	_ =	shalt  }
0x40: {  	_ =	shalt  }
0x41: {  	_ =	shalt  }
0x42: {  	_ =	shalt  }
0x43: {  	_ =	shalt  }
0x44: {  	_ =	shalt  }
0x45: {  	_ =	shalt  }
0x46: {  	_ =	shalt  }
0x47: {  	_ =	shalt  }
0x48: {  	_ =	shalt  }
0x49: {  	_ =	shalt  }
0x4a: {  	_ =	shalt  }
0x4b: {  	_ =	shalt  }
0x4c: {  	_ =	shalt  }
0x4d: {  	_ =	shalt  }
0x4e: {  	_ =	shalt  }
0x4f: {  	_ =	shalt  }
0x50: {  	_ =	shalt  }
0x51: {  	_ =	shalt  }
0x52: {  	_ =	shalt  }
0x53: {  	_ =	shalt  }
0x54: {  	_ =	shalt  }
0x55: {  	_ =	shalt  }
0x56: {  	_ =	shalt  }
0x57: {  	_ =	shalt  }
0x58: {  	_ =	shalt  }
0x59: {  	_ =	shalt  }
0x5a: {  	_ =	shalt  }
0x5b: {  	_ =	shalt  }
0x5c: {  	_ =	shalt  }
0x5d: {  	_ =	shalt  }
0x5e: {  	_ =	shalt  }
0x5f: {  	_ =	shalt  }
0x60: {  	_ =	shalt  }
0x61: {  	_ =	shalt  }
0x62: {  	_ =	shalt  }
0x63: {  	_ =	shalt  }
0x64: {  	_ =	shalt  }
0x65: {  	_ =	shalt  }
0x66: {  	_ =	shalt  }
0x67: {  	_ =	shalt  }
0x68: {  	_ =	shalt  }
0x69: {  	_ =	shalt  }
0x6a: {  	_ =	shalt  }
0x6b: {  	_ =	shalt  }
0x6c: {  	_ =	shalt  }
0x6d: {  	_ =	shalt  }
0x6e: {  	_ =	shalt  }
0x6f: {  	_ =	shalt  }
0x70: {  	_ =	shalt  }
0x71: {  	_ =	shalt  }
0x72: {  	_ =	shalt  }
0x73: {  	_ =	shalt  }
0x74: {  	_ =	shalt  }
0x75: {  	_ =	shalt  }
0x76: {  	_ =	shalt  }
0x77: {  	_ =	shalt  }
0x78: {  	_ =	shalt  }
0x79: {  	_ =	shalt  }
0x7a: {  	_ =	shalt  }
0x7b: {  	_ =	shalt  }
0x7c: {  	_ =	shalt  }
0x7d: {  	_ =	shalt  }
0x7e: {  	_ =	shalt  }
0x7f: {  	_ =	shalt  }
0x80: {  	_ =	shalt  }
0x81: {  	_ =	shalt  }
0x82: {  	_ =	shalt  }
0x83: {  	_ =	shalt  }
0x84: {  	_ =	shalt  }
0x85: {  	_ =	shalt  }
0x86: {  	_ =	shalt  }
0x87: {  	_ =	shalt  }
.Lfunc_end0:
.L_simem_size_0:
called_computation_lowered:
.L_overlay_start_0:
0x88: {  	s2 =	sld [smem:$0x3FD9]  }
0x89: {  	s3 =	sld [smem:$0x3FFE];
	_ =	sdelay $0x1  }
0x8a: {  	s1 =	srdreg.scid  }
0x8b: {  	s0 =	sand.u32 $0x1, s1  }
0x8c: {  	s17 =	sshll.u32 s0, $0xA;
	s2 =	sadd.s32 s3, s2  }
0x8d: {  	s2 =	sadd.s32 s2, s17  }
0x8e: {  	[smem:$0x3FBD] =	sst s2  }
0x8f: {  	_ = 	snop  }
0x90: {  	s2 =	sld [smem:$0x3FC9]  }
0x91: {  	s18 =	sld [smem:$0x3FD0];
	(tm) =	ssettm $0x1  }
0x92: {  	s4 =	sld [smem:$0x3FFB];
	_ =	sdelay $0x3  }
0x93: {  	_ =	strace s4  }
0x94: {  	s4 =	sld [smem:$0x3FFC];
	_ =	sdelay $0x3  }
0x95: {  	_ =	strace s4  }
0x96: {  	s4 =	sld [smem:$0x3FFD];
	_ =	sdelay $0x3  }
0x97: {  	_ =	strace s4  }
0x98: {  	_ =	strace $0x8FFFFFFF  }
0x99: {  	s19 =	sld [smem:$0x3FDB];
	_ =	sdelay $0x1  }
0x9a: {  	s5 =	simm.s32 $_scs_section_size  }
0x9b: {  	s6 =	simm.s32 $_size__tile_overlayer_lowered;
	s7 =	simm.s32 $_tile_overlayer_lowered  }
0x9c: {  	s22 =	simm.s32 $0x1BFF;
	s21 =	sshll.u32 s7, $0x1;
	s4 =	sadd.s32 s5, s19  }
0x9d: {  	s8 =	simm.s32 $0x0;
	s20 =	sshll.u32 s6, $0x1;
	s6 =	sadd.s32 s21, s4  }
0x9e: {  	[timem:s8], [sflag:s22] =	dma.local [hbm:s6], s20  }
0x9f: {  	_ =	swait.ge [sflag:s22], s20  }
0xa0: {  	s5 =	ssub.s32 $0x0, s20;
	[sflag:s22] =	ssyncset.done $0x0  }
0xa1: {  	[sflag:s22] =	ssyncadd.s32 s5;
	_ =	sdelay $0x1  }
0xa2: {  	s23 =	simm.s32 $0x1B8B  }
0xa3: {  	_ =	swait.ge [sflag:s23], $0x1  }
0xa4: {  	[sflag:s23] =	ssyncset.done $0x0  }
0xa5: {  	s25 =	simm.s32 $0x1B8E;
	s24 =	sld [smem:$0x3FFE];
	[sflag:s23] =	ssyncadd.s32 $0xFFFFFFFF  }
0xa6: {  	s26 =	simm.s32 $execute0_lowered;
	[smem:$0x3FD2] =	sst s25  }
0xa7: {  	s6 =	sshll.u32 s26, $0x1;
	_ =	strace $0x80000046;
	[dreg:$0x1] =	wrdreg $0xFFFFFFFF  }
0xa8: {  	s28 =	simm.s32 $_size_execute0_lowered;
	s4 =	sadd.s32 s4, s6;
	[dreg:$0x0] =	wrdreg $0x0  }
0xa9: {  	s6 =	sshll.u32 s28, $0x1;
	[dreg:$0x2] =	wrdreg s4  }
0xaa: {  	[dreg:$0x3] =	wrdreg s6  }
0xab: {  	[dreg:$0x4] =	wrdreg $0xC0  }
0xac: {  	_ =	task [dreg:s8], $0x5FFFF  }
0xad: {  	[dreg:$0x1] =	wrdreg $0xFFFFFFFF  }
0xae: {  	[dreg:$0x0] =	wrdreg $0x60  }
0xaf: {  	[dreg:$0x2] =	wrdreg s2  }
0xb0: {  	[dreg:$0x3] =	wrdreg s18  }
0xb1: {  	[dreg:$0x4] =	wrdreg s24  }
0xb2: {  	[dreg:$0x5] =	wrdreg $0x41000  }
0xb3: {  	[dreg:$0x6] =	wrdreg $0x181800  }
0xb4: {  	[dreg:$0x7] =	wrdreg $0x9  }
0xb5: {  	_ =	task.clear_ibuf [dreg:s8], $0x8FFFF;
	_ =	strace $0x90000046  }
0xb6: {  	s29 =	simm.s32 $0x9;
	_ =	strace $0x80000048  }
0xb7: {  	_ =	swait.ge [sflag:s29], $0x1  }
0xb8: {  	[sflag:s29] =	ssyncadd.s32 $0xFFFFFFFF  }
0xb9: {  	_ =	strace $0x90000048  }
0xba: {  	_ =	sfence  }
0xbb: {  	s30 =	sld [smem:$0x0];
	_ =	sdelay $0x2  }
0xbc: {  	s31 =	sshll.u32 s1, $0xD;
	s1 =	sshrl.u32 s1, $0x2  }
0xbd: {  	s3 =	sand.u32 $0x4000, s31;
	s1 =	sadd.s32 s1, s30  }
0xbe: {  	s0 =	sor.u32 s3, s0;
	s1 =	sshll.u32 s1, $0x11  }
0xbf: {  	s0 =	sor.u32 s1, s0  }
0xc0: {  	s0 =	sadd.s32 $0x8F2B, s0  }
0xc1: {  	[sflag:s0] =	ssyncadd.remote.s32 $0x1  }
0xc2: {  	_ =	sfence.sel $0xFFFF  }
0xc3: {  	[dreg:$0x0] =	wrdreg $0xFFFFFFFF;
	(pc) =	sbr.abs _section_cstart, $3  }
0xc4: {  	[dreg:$0x1] =	wrdreg $0xFFFFFFFF  }
0xc5: {  	_ =	task.clear_ibuf [dreg:s8], $0x2FFFF;
	_ =	strace $0x9FFFFFFF  }
0xc6: {  	(tm) =	ssettm $0x7FFFFFFF  }
0xc7: {  	_ =	shalt  }
tec
execute0_lowered:
.L_overlay_start_1:
0x0: {  	(tag) =	ssettag $0x1  }
0x1: {  	s1 =	rddreg [dreg:$0x0]  }
0x2: {  	s0 =	rddreg [dreg:$0x1]  }
0x3: {  	s5 =	rddreg [dreg:$0x2]  }
0x4: {  	s2 =	rddreg [dreg:$0x3]  }
0x5: {  	s3 =	rddreg [dreg:$0x4];
	s20 =	stileid.u32  }
0x6: {  	s6 =	srdreg.scid;
	s4 =	simm.s32 $0x0;
	s9 =	smul.u32 $0x500, s20  }
0x7: {  	s28 =	simm.s32 $0x1;
	s29 =	simm.s32 $0x18100;
	s13 =	smul.u32 $0x50000, s20  }
0x8: {  	s7 =	sand.u32 $0x1, s6;
	[smem:$0x7FF] =	sst s4;
	s19 =	smul.u32 $0x280, s20  }
0x9: {  	s6 =	sadd.s32 $0xF200, s5;
	s11 =	sadd.s32 $0xFA00, s5;
	s15 =	smul.u32 $0x14000, s20  }
0xa: {  	s17 =	sshll.u32 s20, $0x6;
	s8 =	smul.u32 $0x4F00, s7;
	_ =	strace $0x80000047  }
0xb: {  	[dreg:$0x6] =	wrdreg s11;
	s11 =	sadd.s32 $0x10600, s5;
	s12 =	sshll.u32 s7, $0x7  }
0xc: {  	s26 =	ssub.s32 $0x2, s7;
	s7 =	smul.u32 $0x140000, s7;
	s9 =	sor.u32 s12, s9  }
0xd: {  	s14 =	sshrl.u32 s26, $0x1;
	s30 =	sshrl.u32 s13, $0x2;
	s31 =	sshll.u32 s19, $0x7  }
0xe: {  	s19 =	sadd.s32 s19, s3;
	s10 =	sadd.s32 s8, s5;
	s9 =	sshrl.u32 s9, $0x3  }
0xf: {  	s12 =	ssub.s32 s26, s14;
	s18 =	sadd.s32 $0x4000, s31;
	s21 =	sadd.s32 $0x8000, s31  }
0x10: {  	s15 =	sadd.s32 s15, s7;
	s0 =	sadd.s32 s8, s0;
	s5 =	sadd.s32 s9, s5  }
0x11: {  	s9 =	sadd.s32 s30, s2;
	s16 =	sadd.s32 s18, s2;
	s14 =	sadd.s32 s7, s18  }
0x12: {  	s18 =	sadd.s32 $0x10000, s31;
	s22 =	sshrl.u32 s15, $0x3;
	s24 =	sadd.s32 s7, s21  }
0x13: {  	s30 =	smul.u32 $0x4F0, s20;
	[dreg:$0x7] =	wrdreg s9;
	s9 =	sor.u32 $0x1C02, s17  }
0x14: {  	[dreg:$0x8] =	wrdreg s16;
	s17 =	sadd.s32 $0xC000, s31;
	s14 =	sshrl.u32 s14, $0x3  }
0x15: {  	s13 =	sadd.s32 s11, s22;
	s16 =	sadd.s32 s21, s2;
	s20 =	sadd.s32 $0xFC00, s5  }
0x16: {  	s21 =	smax.u32 s12, $0x1;
	[dreg:$0x9] =	wrdreg s13;
	s23 =	sadd.s32 s11, s14  }
0x17: {  	s13 =	sshrl.u32 s24, $0x3;
	s25 =	sadd.s32 s7, s17;
	s7 =	sadd.s32 s7, s18  }
0x18: {  	s17 =	sadd.s32 s17, s2;
	s18 =	sadd.s32 s18, s2;
	s31 =	sadd.s32 s30, s10  }
0x19: {  	s24 =	simm.s32 $0x2;
	[dreg:$0xa] =	wrdreg s23;
	s13 =	sadd.s32 s11, s13  }
0x1a: {  	s14 =	sshrl.u32 s25, $0x3;
	s7 =	sshrl.u32 s7, $0x3;
	s22 =	sadd.s32 $0x5400, s31  }
0x1b: {  	s23 =	sadd.s32 s30, s0;
	[dreg:$0xb] =	wrdreg s13;
	s26 =	sadd.s32 s11, s14  }
0x1c: {  	s25 =	simm.s32 $0x80;
	s7 =	sadd.s32 s11, s7;
	[dreg:$0xc] =	wrdreg s26  }
0x1d: {  	v0 =	vimm.f32 $1.000000000e+00;
	s0 =	simm.s32 $0x0;
	[dreg:$0xd] =	wrdreg s7;
	s26 =	simm.s32 $0x100  }
.LBB2_1:
0x1e: {  	s5 =	rddreg [dreg:$0x7]  }
0x1f: {  	s5 =	sshrl.u32 s5, $0x3  }
0x20: {  	[spmem:s5], [sflag:s9] =	dma.local [hbm:s6], $0x800  }
0x21: {  	_ =	swait.ge [sflag:s24], $0x800  }
0x22: {  	[sflag:s24] =	ssyncset.done $0x0;
	s7 =	rddreg [dreg:$0x8]  }
0x23: {  	[sflag:s24] =	ssyncadd.s32 $0xFFFFF800;
	s30 =	sshrl.u32 s7, $0x3  }
0x24: {  	[spmem:s30], [sflag:s9] =	dma.local [hbm:s6], $0x800  }
0x25: {  	_ =	swait.ge [sflag:s24], $0x800  }
0x26: {  	[sflag:s24] =	ssyncset.done $0x0  }
0x27: {  	s31 =	sshrl.u32 s16, $0x3;
	[sflag:s24] =	ssyncadd.s32 $0xFFFFF800  }
0x28: {  	[spmem:s31], [sflag:s9] =	dma.local [hbm:s6], $0x800  }
0x29: {  	_ =	swait.ge [sflag:s24], $0x800  }
0x2a: {  	[sflag:s24] =	ssyncset.done $0x0  }
0x2b: {  	s7 =	sshrl.u32 s17, $0x3;
	[sflag:s24] =	ssyncadd.s32 $0xFFFFF800  }
0x2c: {  	[spmem:s7], [sflag:s9] =	dma.local [hbm:s6], $0x800  }
0x2d: {  	_ =	swait.ge [sflag:s24], $0x800  }
0x2e: {  	[sflag:s24] =	ssyncset.done $0x0  }
0x2f: {  	s8 =	sshrl.u32 s18, $0x3;
	[sflag:s24] =	ssyncadd.s32 $0xFFFFF800  }
0x30: {  	[spmem:s8], [sflag:s9] =	dma.local [hbm:s6], $0x800  }
0x31: {  	_ =	swait.ge [sflag:s24], $0x800  }
0x32: {  	[sflag:s24] =	ssyncset.done $0x0  }
0x33: {  	s10 =	sshrl.u32 s19, $0x3;
	s11 =	rddreg [dreg:$0x6];
	[sflag:s24] =	ssyncadd.s32 $0xFFFFF800  }
0x34: {  	[spmem:s10], [sflag:s9] =	dma.local [hbm:s11], $0x50  }
0x35: {  	_ =	swait.ge [sflag:s24], $0x50  }
0x36: {  	[sflag:s24] =	ssyncset.done $0x0  }
0x37: {  	[sflag:s24] =	ssyncadd.s32 $0xFFFFFFB0  }
0x38: {  	[tilespmem:$0x18100] =	vst v0  }
0x39: {  	[tilespmem:$0x18110] =	vst v0  }
0x3a: {  	[tilespmem:$0x18120] =	vst v0  }
0x3b: {  	[tilespmem:$0x18130] =	vst v0  }
0x3c: {  	[tilespmem:$0x18140] =	vst v0  }
0x3d: {  	[tilespmem:$0x18150] =	vst v0  }
0x3e: {  	[tilespmem:$0x18160] =	vst v0  }
0x3f: {  	[tilespmem:$0x18170] =	vst v0  }
0x40: {  	s14 =	sadd.s32 $0x0, s23;
	[bflag:$0x0] =	sbarrier.arrive $0xFFFF  }
0x41: {  	[tilespmem:s4], [sflag:$0x2] =	stream.linear.gather [hbm4b:s14+s4], $0x80, $0x38;
	[tilespmem:$0x18400] =	vst v63  }
0x42: {  	_ =	swait.ge [sflag:s24], $0x80  }
0x43: {  	[sflag:s24] =	ssyncset.done $0x0  }
0x44: {  	s15 =	sadd.s32 $0x0, s22;
	[sflag:s24] =	ssyncadd.s32 $0xFFFFFF80  }
0x45: {  	[tilespmem:s25], [sflag:$0x2] =	stream.linear.gather [hbm4b:s15+s4], $0x80, $0x38;
	[tilespmem:$0x18400] =	vst v63  }
0x46: {  	_ =	swait.ge [sflag:s24], $0x80  }
0x47: {  	[sflag:s24] =	ssyncset.done $0x0  }
0x48: {  	[sflag:s24] =	ssyncadd.s32 $0xFFFFFF80  }
0x49: {  	[tilespmem:s26], [sflag:$0x1] =	stream.indirect.gather [hbm4b:s1+s25], $0x80, s4, s25, $0xb8;
	[tilespmem:$0x18400] =	vst v63  }
0x4a: {  	_ =	swait.ge [sflag:s28], $0x4000  }
0x4b: {  	[sflag:s28] =	ssyncset.done $0x0  }
0x4c: {  	[sflag:s28] =	ssyncadd.s32 $0xFFFFC000  }
0x4d: {  	[spmem:s2] =	stream.indirect.scatter.add.f32 [tilespmem:s26], [sflag:$0x2], $0x80, s25, s25, $0xb8;
	[tilespmem:$0x18400] =	vst v63  }
0x4e: {  	_ =	swait.ge [sflag:s24], $0x4000  }
0x4f: {  	[sflag:s24] =	ssyncset.done $0x0  }
0x50: {  	[sflag:s24] =	ssyncadd.s32 $0xFFFFC000  }
0x51: {  	[spmem:s3] =	stream.indirect.scatter.add.f32 [tilespmem:s29], [sflag:$0x2], $0x1, s25, s25, $0xb8;
	[tilespmem:$0x18400] =	vst v63  }
0x52: {  	_ =	swait.ge [sflag:s24], $0x80  }
0x53: {  	s12 =	simm.s32 $0x20;
	s11 =	simm.s32 $0x10;
	[sflag:s24] =	ssyncset.done $0x0  }
.LBB2_2:
0x54: {  	s13 =	sadd.s32 s11, s23  }
0x55: {  	[sflag:s24] =	ssyncadd.s32 $0xFFFFFF80;
	s14 =	smov.u32 s12;
	s15 =	sadd.s32 $0x10, s12  }
0x56: {  	[tilespmem:s4], [sflag:$0x2] =	stream.linear.gather [hbm4b:s13+s4], $0x80, $0x38;
	[tilespmem:$0x18400] =	vst v63  }
0x57: {  	p0 =	sne.s32 s12, $0x4E0;
	_ =	swait.ge [sflag:s24], $0x80  }
0x58: {  	[sflag:s24] =	ssyncset.done $0x0  }
0x59: {  	s12 =	sadd.s32 s11, s22;
	s11 =	smov.u32 s14;
	[sflag:s24] =	ssyncadd.s32 $0xFFFFFF80  }
0x5a: {  	[tilespmem:s25], [sflag:$0x2] =	stream.linear.gather [hbm4b:s12+s4], $0x80, $0x38;
	[tilespmem:$0x18400] =	vst v63  }
0x5b: {  	_ =	swait.ge [sflag:s24], $0x80  }
0x5c: {  	[sflag:s24] =	ssyncset.done $0x0  }
0x5d: {  	[sflag:s24] =	ssyncadd.s32 $0xFFFFFF80  }
0x5e: {  	[tilespmem:s26], [sflag:$0x1] =	stream.indirect.gather [hbm4b:s1+s25], $0x80, s4, s25, $0xb8;
	[tilespmem:$0x18400] =	vst v63  }
0x5f: {  	_ =	swait.ge [sflag:s28], $0x4000  }
0x60: {  	[sflag:s28] =	ssyncset.done $0x0  }
0x61: {  	[sflag:s28] =	ssyncadd.s32 $0xFFFFC000  }
0x62: {  	[spmem:s2] =	stream.indirect.scatter.add.f32 [tilespmem:s26], [sflag:$0x2], $0x80, s25, s25, $0xb8;
	[tilespmem:$0x18400] =	vst v63  }
0x63: {  	_ =	swait.ge [sflag:s24], $0x4000  }
.Ltmp0:
0x64: {  	[sflag:s24] =	ssyncset.done $0x0;
	(pc) =	sbr.rel @p0 .LBB2_2-.Ltmp0, $4  }
0x65: {  	[sflag:s24] =	ssyncadd.s32 $0xFFFFC000  }
0x66: {  	[spmem:s3] =	stream.indirect.scatter.add.f32 [tilespmem:s29], [sflag:$0x2], $0x1, s25, s25, $0xb8;
	[tilespmem:$0x18400] =	vst v63  }
0x67: {  	_ =	swait.ge [sflag:s24], $0x80  }
0x68: {  	s12 =	smov.u32 s15;
	[sflag:s24] =	ssyncset.done $0x0  }
0x69: {  	s12 =	sadd.s32 s11, s23;
	[sflag:s24] =	ssyncadd.s32 $0xFFFFFF80  }
0x6a: {  	[tilespmem:s4], [sflag:$0x2] =	stream.linear.gather [hbm4b:s12+s4], $0x80, $0x38;
	[tilespmem:$0x18400] =	vst v63  }
0x6b: {  	_ =	swait.ge [sflag:s24], $0x80  }
0x6c: {  	[sflag:s24] =	ssyncset.done $0x0  }
0x6d: {  	s14 =	sadd.s32 s11, s22;
	[sflag:s24] =	ssyncadd.s32 $0xFFFFFF80  }
0x6e: {  	[tilespmem:s25], [sflag:$0x2] =	stream.linear.gather [hbm4b:s14+s4], $0x80, $0x38;
	[tilespmem:$0x18400] =	vst v63  }
0x6f: {  	_ =	swait.ge [sflag:s24], $0x80  }
0x70: {  	[sflag:s24] =	ssyncset.done $0x0  }
0x71: {  	[sflag:s24] =	ssyncadd.s32 $0xFFFFFF80  }
0x72: {  	[tilespmem:s26], [sflag:$0x1] =	stream.indirect.gather [hbm4b:s1+s25], $0x80, s4, s25, $0xb8;
	[tilespmem:$0x18400] =	vst v63  }
0x73: {  	_ =	swait.ge [sflag:s28], $0x4000  }
0x74: {  	[sflag:s28] =	ssyncset.done $0x0  }
0x75: {  	[sflag:s28] =	ssyncadd.s32 $0xFFFFC000  }
0x76: {  	[spmem:s2] =	stream.indirect.scatter.add.f32 [tilespmem:s26], [sflag:$0x2], $0x80, s25, s25, $0xb8;
	[tilespmem:$0x18400] =	vst v63  }
0x77: {  	_ =	swait.ge [sflag:s24], $0x4000  }
0x78: {  	[sflag:s24] =	ssyncset.done $0x0  }
0x79: {  	[sflag:s24] =	ssyncadd.s32 $0xFFFFC000  }
0x7a: {  	[spmem:s3] =	stream.indirect.scatter.add.f32 [tilespmem:s29], [sflag:$0x2], $0x1, s25, s25, $0xb8;
	[tilespmem:$0x18400] =	vst v63  }
0x7b: {  	_ =	swait.ge [sflag:s24], $0x80  }
0x7c: {  	[sflag:s24] =	ssyncset.done $0x0  }
0x7d: {  	[sflag:s24] =	ssyncadd.s32 $0xFFFFFF80  }
0x7e: {  	[bflag:$0x0] =	sbarrier.arrive $0xFFFF  }
0x7f: {  	s15 =	rddreg [dreg:$0x9]  }
0x80: {  	[hbm:s15], [sflag:s9] =	dma.local [spmem:s5], $0x800  }
0x81: {  	_ =	swait.ge [sflag:s24], $0x800  }
0x82: {  	[sflag:s24] =	ssyncset.done $0x0  }
0x83: {  	s12 =	rddreg [dreg:$0xa];
	[sflag:s24] =	ssyncadd.s32 $0xFFFFF800  }
0x84: {  	[hbm:s12], [sflag:s9] =	dma.local [spmem:s30], $0x800  }
0x85: {  	_ =	swait.ge [sflag:s24], $0x800  }
0x86: {  	[sflag:s24] =	ssyncset.done $0x0  }
0x87: {  	s13 =	rddreg [dreg:$0xb];
	[sflag:s24] =	ssyncadd.s32 $0xFFFFF800  }
0x88: {  	[hbm:s13], [sflag:s9] =	dma.local [spmem:s31], $0x800  }
0x89: {  	_ =	swait.ge [sflag:s24], $0x800  }
0x8a: {  	[sflag:s24] =	ssyncset.done $0x0  }
0x8b: {  	s14 =	rddreg [dreg:$0xc];
	[sflag:s24] =	ssyncadd.s32 $0xFFFFF800  }
0x8c: {  	[hbm:s14], [sflag:s9] =	dma.local [spmem:s7], $0x800  }
0x8d: {  	_ =	swait.ge [sflag:s24], $0x800  }
0x8e: {  	[sflag:s24] =	ssyncset.done $0x0  }
0x8f: {  	s15 =	rddreg [dreg:$0xd];
	[sflag:s24] =	ssyncadd.s32 $0xFFFFF800  }
0x90: {  	[hbm:s15], [sflag:s9] =	dma.local [spmem:s8], $0x800  }
0x91: {  	s0 =	sadd.s32 $0x1, s0;
	_ =	swait.ge [sflag:s24], $0x800  }
0x92: {  	p0 =	sne.s32 s0, s21;
	s30 =	simm.s32 $0x20;
	[sflag:s24] =	ssyncset.done $0x0  }
.Ltmp1:
0x93: {  	s31 =	simm.s32 $0x10;
	[sflag:s24] =	ssyncadd.s32 $0xFFFFF800;
	(pc) =	sbr.rel @p0 .LBB2_1-.Ltmp1, $4  }
0x94: {  	[hbm:s20@s30], [sflag:s9] =	dma.strided [spmem:s10@s31], $0x50, s28, $0x10   }
0x95: {  	_ =	swait.ge [sflag:s24], $0x50  }
0x96: {  	[sflag:s24] =	ssyncset.done $0x0  }
0x97: {  	[sflag:s24] =	ssyncadd.s32 $0xFFFFFFB0  }
0x98: {  	_ =	sfence.sel $0x180000  }
0x99: {  	[bflag:$0x0] =	sbarrier.arrive $0xFFFF  }
0x9a: {  	_ =	strace $0x90000047  }
0x9b: {  	s0 =	stileid.u32;
	[bflag:$0x2] =	sbarrier.arrive $0xFFFF  }
0x9c: {  	p0 =	sne.s32 s0, $0x0;
	s0 =	rddreg [dreg:$0x5]  }
0x9d: {  	s0 =	sadd.s32 @!p0 $0x100000, s0  }
0x9e: {  	[sflag:s0] =	ssyncadd.tile.s32 @!p0 $0x1;
	_ =	shalt  }
.Lfunc_end2:
_tile_overlayer_lowered:
.L_overlay_start_2:
0x9f: {  	(tag) =	ssettag $0x2  }
0xa0: {  	s0 =	rddreg [dreg:$0x0];
	s2 =	stileid.u32  }
0xa1: {  	s1 =	rddreg [dreg:$0x1];
	p0 =	sne.s32 s2, $0x0  }
0xa2: {  	s3 =	rddreg [dreg:$0x2];
	[bflag:$0x3] =	sbarrier.arrive $0xFFFF;
	s2 =	simm.s32 @!p0 $0x1C02  }
0xa3: {  	[timem:s3], [sflag:s2] =	dma.local @!p0 [hbm:s0], s1  }
0xa4: {  	s0 =	simm.s32 @!p0 $0x2  }
0xa5: {  	_ =	swait.ge @!p0 [sflag:s0], s1  }
0xa6: {  	s1 =	ssub.s32 @!p0 $0x0, s1;
	[sflag:s0] =	ssyncset.done @!p0 $0x0  }
0xa7: {  	[sflag:s0] =	ssyncadd.s32 @!p0 s1  }
0xa8: {  	[bflag:$0x3] =	sbarrier.arrive $0xFFFF  }
0xa9: {  	_ =	shalt  }

</sc_bundles>
